<compile_context>
chip_gen: v7x
topology: tpu7x:2x2x1
jax: 0.10.2.dev20260603
libtpu: 0.0.44.dev20260713+nightly
codegen_flags: <defaults>
</compile_context>

<pallas_src>
import functools

import jax
import jax.numpy as jnp
from jax import lax
from jax.experimental import pallas as pl
from jax.experimental.pallas import tpu as pltpu
from jax.experimental.pallas import tpu_sc as plsc

N_NODES = 10000
OUT_DIM = 64
NPAD = 10240
E = 320000
NC = 2
NS = 16
L = 16
TILE_N = NPAD // NS
E1 = E // NS
E3 = E // (NC * NS)


def _fast_rsqrt(d):
    bi = plsc.bitcast(d, jnp.int32)
    y = plsc.bitcast(jnp.int32(0x5F3759DF) - (bi >> 1), jnp.float32)
    for _ in range(3):
        y = y * (1.5 - 0.5 * d * y * y)
    return y


LROW = 128
NROW = NPAD // LROW
RPT = NROW // NS
VPR = LROW // L


def _sc_body(src_hbm, dst_hbm, dinv_out, s_out,
             dst1, acc2, dinv_v, srcb, dst2, degbuf, slice_acc, idxref,
             sh_deg, sh_s, sh_dinv, sem_pf, sem_stage):
    c = lax.axis_index("c")
    t = lax.axis_index("s")
    zeros16 = jnp.zeros((L,), jnp.float32)
    ones16 = jnp.ones((L,), jnp.float32)
    iota16 = jnp.arange(L, dtype=jnp.int32)
    wid = c * NS + t

    pf_src = pltpu.async_copy(src_hbm.at[pl.ds(wid * E3, E3)], srcb, sem_pf)
    pf_dst = pltpu.async_copy(dst_hbm.at[pl.ds(wid * E3, E3)], dst2, sem_pf)
    ld_dst1 = pltpu.async_copy(dst_hbm.at[pl.ds(t * E1, E1)], dst1, sem_stage)

    for v in range(NROW // L):
        idxref[pl.ds(v * L, L)] = v * L + iota16

    for i in range(RPT):
        for v in range(VPR):
            degbuf[i, pl.ds(v * L, L)] = zeros16

    pltpu.sync_copy(degbuf, sh_deg.at[pl.ds(t * RPT, RPT)])
    pltpu.sync_copy(degbuf, sh_s.at[pl.ds(t * RPT, RPT)])

    @plsc.parallel_loop(0, NROW, unroll=2)
    def _zero1(i):
        for v in range(VPR):
            acc2[i, pl.ds(v * L, L)] = zeros16

    plsc.subcore_barrier()
    ld_dst1.wait()

    @plsc.parallel_loop(0, E1 // L, unroll=16)
    def _hist(i):
        idx = dst1[pl.ds(i * L, L)]
        plsc.addupdate_scatter(acc2, [idx >> 7, idx & 127], ones16)

    pltpu.sync_copy(acc2, sh_deg.at[idxref], add=True)
    plsc.subcore_barrier()

    pltpu.sync_copy(sh_deg.at[pl.ds(t * RPT, RPT)], degbuf)

    for i in range(RPT):
        for v in range(VPR):
            slice_acc[pl.ds((i * VPR + v) * L, L)] = _fast_rsqrt(
                degbuf[i, pl.ds(v * L, L)] + 1.0)

    pltpu.sync_copy(slice_acc, sh_dinv.at[pl.ds(t * TILE_N, TILE_N)])
    pltpu.sync_copy(slice_acc, dinv_out.at[c, pl.ds(t * TILE_N, TILE_N)])
    plsc.subcore_barrier()

    dv = pltpu.async_copy(sh_dinv, dinv_v, sem_stage)

    @plsc.parallel_loop(0, NROW, unroll=2)
    def _zero2(i):
        for v in range(VPR):
            acc2[i, pl.ds(v * L, L)] = zeros16

    dv.wait()
    pf_src.wait()
    pf_dst.wait()

    @plsc.parallel_loop(0, E3 // L, unroll=16)
    def _gsc(i):
        di = dst2[pl.ds(i * L, L)]
        si = srcb[pl.ds(i * L, L)]
        g = plsc.load_gather(dinv_v, [di])
        plsc.addupdate_scatter(acc2, [si >> 7, si & 127], g)

    pltpu.sync_copy(acc2, sh_s.at[idxref], add=True)
    plsc.subcore_barrier()

    pltpu.sync_copy(sh_s.at[pl.ds(t * RPT, RPT)], degbuf)

    for i in range(RPT):
        for v in range(VPR):
            slice_acc[pl.ds((i * VPR + v) * L, L)] = degbuf[i, pl.ds(v * L, L)]

    pltpu.sync_copy(slice_acc, s_out.at[c, pl.ds(t * TILE_N, TILE_N)])


_sc_edge_kernel = functools.partial(
    pl.kernel,
    out_type=(jax.ShapeDtypeStruct((NC, NPAD), jnp.float32),
              jax.ShapeDtypeStruct((NC, NPAD), jnp.float32)),
    mesh=plsc.VectorSubcoreMesh(core_axis_name="c", subcore_axis_name="s",
                                num_cores=NC, num_subcores=NS),
    compiler_params=pltpu.CompilerParams(needs_layout_passes=False),
    scratch_types=[
        pltpu.VMEM((E1,), jnp.int32),
        pltpu.VMEM((NROW, LROW), jnp.float32),
        pltpu.VMEM((NPAD,), jnp.float32),
        pltpu.VMEM((E3,), jnp.int32),
        pltpu.VMEM((E3,), jnp.int32),
        pltpu.VMEM((RPT, LROW), jnp.float32),
        pltpu.VMEM((TILE_N,), jnp.float32),
        pltpu.VMEM((NROW,), jnp.int32),
        pltpu.VMEM_SHARED((NROW, LROW), jnp.float32),
        pltpu.VMEM_SHARED((NROW, LROW), jnp.float32),
        pltpu.VMEM_SHARED((NPAD,), jnp.float32),
        pltpu.SemaphoreType.DMA,
        pltpu.SemaphoreType.DMA,
    ],
)(_sc_body)


def _tc_body(dinv_ref, s_ref, gx_ref, wg_ref, bg_ref, xv_ref,
             w1_ref, b1_ref, w2_ref, b2_ref, wo_ref, bo_ref, out_ref):
    dinv = dinv_ref[0:1, :]
    s = s_ref[0:1, :]
    for k in range(1, NC):
        s = s + s_ref[k:k + 1, :]
    w = dinv * (s + dinv)
    wt = w[:, :N_NODES]
    dn = (((1,), (0,)), ((), ()))
    r = lax.dot_general(wt, gx_ref[...], dn, preferred_element_type=jnp.float32)
    pooled = lax.dot_general(r, wg_ref[...], dn,
                             preferred_element_type=jnp.float32)
    pooled = pooled * (1.0 / N_NODES) + bg_ref[...]
    y = jnp.concatenate([pooled, xv_ref[...]], axis=1)
    h1 = lax.dot_general(y, w1_ref[...], dn,
                         preferred_element_type=jnp.float32) + b1_ref[...]
    h1 = jnp.where(h1 >= 0, h1, 0.01 * h1)
    h2 = lax.dot_general(h1, w2_ref[...], dn,
                         preferred_element_type=jnp.float32) + b2_ref[...]
    h2 = jnp.where(h2 >= 0, h2, 0.01 * h2)
    logits = lax.dot_general(h2, wo_ref[...], dn,
                             preferred_element_type=jnp.float32) + bo_ref[...]
    m = jnp.max(logits, axis=1, keepdims=True)
    z = logits - m
    lse = jnp.log(jnp.sum(jnp.exp(z), axis=1, keepdims=True))
    out_ref[...] = z - lse


def kernel(x, gcn_x, gcn_edge_index, W_gcn, b_gcn, W1, b1, W2, b2, Wout, bout):
    ei = gcn_edge_index.astype(jnp.int32)
    dinv2, s2 = _sc_edge_kernel(ei[0], ei[1])
    out = pl.pallas_call(
        _tc_body,
        out_shape=jax.ShapeDtypeStruct((1, OUT_DIM), jnp.float32),
    )(dinv2, s2, gcn_x, W_gcn, b_gcn.reshape(1, -1), x.reshape(1, -1),
      W1, b1.reshape(1, -1), W2, b2.reshape(1, -1), Wout, bout.reshape(1, -1))
    return out.reshape(-1)

# --- scband reference (transcript-rebuilt; emitter-appended) ---
"""Pipeline reference for scband-dqnnetwork-37718402793660 (READ-ONLY COPY).

The authoritative reference and input builder live on the scoring server;
editing this copy changes nothing except your own understanding.
"""

import jax, jax.numpy as jnp
import numpy as np

N_NODES = 10000
D_FEAT = 128
N_EDGES = 320000
IN_DIM = 256
OUT_DIM = 64

def setup_inputs(seed: int = 0) -> dict:
    key = jax.random.key(seed)
    ks = jax.random.split(key, 12)
    x = jax.random.normal(ks[0], (D_FEAT,), dtype=jnp.float32)
    gcn_x = jax.random.normal(ks[1], (N_NODES, D_FEAT), dtype=jnp.float32)
    gcn_edge_index = jax.random.randint(ks[2], (2, N_EDGES), 0, N_NODES, dtype=jnp.int64 if jax.config.read('jax_enable_x64') else jnp.int32)
    s = 1.0 / np.sqrt(D_FEAT)
    W_gcn = jax.random.uniform(ks[3], (D_FEAT, D_FEAT), jnp.float32, -s, s)
    b_gcn = jnp.zeros((D_FEAT,), jnp.float32)
    s1 = 1.0 / np.sqrt(IN_DIM)
    W1 = jax.random.uniform(ks[4], (IN_DIM, IN_DIM * 4), jnp.float32, -s1, s1)
    b1 = jax.random.uniform(ks[5], (IN_DIM * 4,), jnp.float32, -s1, s1)
    s2 = 1.0 / np.sqrt(IN_DIM * 4)
    W2 = jax.random.uniform(ks[6], (IN_DIM * 4, IN_DIM * 8), jnp.float32, -s2, s2)
    b2 = jax.random.uniform(ks[7], (IN_DIM * 8,), jnp.float32, -s2, s2)
    s3 = 1.0 / np.sqrt(IN_DIM * 8)
    Wout = jax.random.uniform(ks[8], (IN_DIM * 8, OUT_DIM), jnp.float32, -s3, s3)
    bout = jax.random.uniform(ks[9], (OUT_DIM,), jnp.float32, -s3, s3)
    return {"x": x, "gcn_x": gcn_x, "gcn_edge_index": gcn_edge_index,
            "W_gcn": W_gcn, "b_gcn": b_gcn, "W1": W1, "b1": b1,
            "W2": W2, "b2": b2, "Wout": Wout, "bout": bout}

def _gcn_conv(h_x, edge_index, W, b):
    N = h_x.shape[0]
    loop = jnp.arange(N, dtype=edge_index.dtype)
    src = jnp.concatenate([edge_index[0], loop])
    dst = jnp.concatenate([edge_index[1], loop])
    h = h_x @ W
    deg = jnp.zeros((N,), jnp.float32).at[dst].add(1.0)
    dinv = jnp.where(deg > 0, jax.lax.rsqrt(deg), 0.0)
    norm = dinv[src] * dinv[dst]
    msg = h[src] * norm[:, None]
    out = jnp.zeros((N, h.shape[1]), jnp.float32).at[dst].add(msg)
    return out + b

def reference(x, gcn_x, gcn_edge_index, W_gcn, b_gcn, W1, b1, W2, b2, Wout, bout):
    gcn_out = _gcn_conv(gcn_x, gcn_edge_index, W_gcn, b_gcn)
    gcn_out = jnp.mean(gcn_out, axis=0)
    y = jnp.concatenate([gcn_out, x], axis=0)
    h1 = jax.nn.leaky_relu(y @ W1 + b1, negative_slope=0.01)
    h2 = jax.nn.leaky_relu(h1 @ W2 + b2, negative_slope=0.01)
    logits = h2 @ Wout + bout
    out = jax.nn.log_softmax(logits, axis=0)
    # torch: x.squeeze(0) on a 1-D tensor of size OUT_DIM (!=1) is a no-op
    return out

if __name__ == "__main__":
    import jax
    _d = setup_inputs()
    print(jax.jit(kernel)(*tuple(_d.values())))

</pallas_src>

<mosaic_0001>
#map = affine_map<(d0, d1) -> (0)>
#map1 = affine_map<(d0, d1) -> (0, 0)>
module attributes {stable_mosaic.version = 14 : i64} {
  func.func @_sc_body(%arg0: i32, %arg1: i32, %arg2: memref<320000xi32, #tpu.memory_space<hbm>>, %arg3: memref<320000xi32, #tpu.memory_space<hbm>>, %arg4: memref<2x10240xf32, #tpu.memory_space<hbm>>, %arg5: memref<2x10240xf32, #tpu.memory_space<hbm>>, %arg6: memref<20000xi32, #tpu.memory_space<vmem>>, %arg7: memref<80x128xf32, #tpu.memory_space<vmem>>, %arg8: memref<10240xf32, #tpu.memory_space<vmem>>, %arg9: memref<10000xi32, #tpu.memory_space<vmem>>, %arg10: memref<10000xi32, #tpu.memory_space<vmem>>, %arg11: memref<5x128xf32, #tpu.memory_space<vmem>>, %arg12: memref<640xf32, #tpu.memory_space<vmem>>, %arg13: memref<80xi32, #tpu.memory_space<vmem>>, %arg14: memref<80x128xf32, #tpu.memory_space<vmem_shared>>, %arg15: memref<80x128xf32, #tpu.memory_space<vmem_shared>>, %arg16: memref<10240xf32, #tpu.memory_space<vmem_shared>>, %arg17: memref<!tpu.dma_semaphore, #tpu.memory_space<semaphore_mem>>, %arg18: memref<!tpu.dma_semaphore, #tpu.memory_space<semaphore_mem>>) attributes {dimension_semantics = [#tpu.dimension_semantics<core_parallel>, #tpu.dimension_semantics<subcore_parallel>], iteration_bounds = array<i64: 2, 16>, scalar_prefetch = 0 : i64, scratch_operands = 13 : i64, tpu.core_type = #tpu.core_type<sc_vector_subcore>, window_params = [{transform_indices = #map}, {transform_indices = #map}, {transform_indices = #map1}, {transform_indices = #map1}]} {
    %broadcast_in_dim3A = arith.constant 0.000000e+00 : f32
    %broadcast_in_dim3A_0 = vector.broadcast %broadcast_in_dim3A : f32 to vector<16xf32>
    %broadcast_in_dim3A_1 = arith.constant 1.000000e+00 : f32
    %broadcast_in_dim3A_2 = vector.broadcast %broadcast_in_dim3A_1 : f32 to vector<16xf32>
    %iota3A = tpu.iota {dimensions = array<i32: 0>} : vector<16xi32>
    %mul3A = arith.constant 16 : i32
    %mul3A_3 = arith.muli %arg0, %mul3A : i32
    %add3A = arith.addi %mul3A_3, %arg1 : i32
    %mul3A_4 = arith.constant 10000 : i32
    %mul3A_5 = arith.muli %add3A, %mul3A_4 : i32
    %dma_start3A = tpu.memref_slice %arg2[%mul3A_5] : memref<320000xi32, #tpu.memory_space<hbm>> -> memref<10000xi32, #tpu.memory_space<hbm>>
    %dma_start3A_6 = tpu.memref_slice %arg2[%mul3A_5] : memref<320000xi32, #tpu.memory_space<hbm>> -> memref<10000xi32, #tpu.memory_space<hbm>>
    tpu.enqueue_dma source(%dma_start3A_6 : memref<10000xi32, #tpu.memory_space<hbm>>) target(%arg9 : memref<10000xi32, #tpu.memory_space<vmem>>) target_semaphore(%arg17 : memref<!tpu.dma_semaphore, #tpu.memory_space<semaphore_mem>>)
    %mul3A_7 = arith.constant 10000 : i32
    %mul3A_8 = arith.muli %add3A, %mul3A_7 : i32
    %dma_start3A_9 = tpu.memref_slice %arg3[%mul3A_8] : memref<320000xi32, #tpu.memory_space<hbm>> -> memref<10000xi32, #tpu.memory_space<hbm>>
    %dma_start3A_10 = tpu.memref_slice %arg3[%mul3A_8] : memref<320000xi32, #tpu.memory_space<hbm>> -> memref<10000xi32, #tpu.memory_space<hbm>>
    tpu.enqueue_dma source(%dma_start3A_10 : memref<10000xi32, #tpu.memory_space<hbm>>) target(%arg10 : memref<10000xi32, #tpu.memory_space<vmem>>) target_semaphore(%arg17 : memref<!tpu.dma_semaphore, #tpu.memory_space<semaphore_mem>>)
    %mul3A_11 = arith.constant 20000 : i32
    %mul3A_12 = arith.muli %arg1, %mul3A_11 : i32
    %dma_start3A_13 = tpu.memref_slice %arg3[%mul3A_12] : memref<320000xi32, #tpu.memory_space<hbm>> -> memref<20000xi32, #tpu.memory_space<hbm>>
    %dma_start3A_14 = tpu.memref_slice %arg3[%mul3A_12] : memref<320000xi32, #tpu.memory_space<hbm>> -> memref<20000xi32, #tpu.memory_space<hbm>>
    tpu.enqueue_dma source(%dma_start3A_14 : memref<20000xi32, #tpu.memory_space<hbm>>) target(%arg6 : memref<20000xi32, #tpu.memory_space<vmem>>) target_semaphore(%arg18 : memref<!tpu.dma_semaphore, #tpu.memory_space<semaphore_mem>>)
    %add3A_15 = arith.constant 0 : i32
    %add3A_16 = vector.broadcast %add3A_15 : i32 to vector<16xi32>
    %add3A_17 = arith.addi %add3A_16, %iota3A : vector<16xi32>
    %swap3A = arith.constant 0 : index
    %swap3A_18 = tpu.vector_load %arg13[%swap3A] {strides = array<i32>} : memref<80xi32, #tpu.memory_space<vmem>>, vector<16xi32>,
    tpu.vector_store %arg13[%swap3A], %add3A_17 {strides = array<i32>} : memref<80xi32, #tpu.memory_space<vmem>>, vector<16xi32>,
    %add3A_19 = arith.constant 16 : i32
    %add3A_20 = vector.broadcast %add3A_19 : i32 to vector<16xi32>
    %add3A_21 = arith.addi %add3A_20, %iota3A : vector<16xi32>
    %swap3A_22 = arith.constant 16 : index
    %swap3A_23 = tpu.vector_load %arg13[%swap3A_22] {strides = array<i32>} : memref<80xi32, #tpu.memory_space<vmem>>, vector<16xi32>,
    tpu.vector_store %arg13[%swap3A_22], %add3A_21 {strides = array<i32>} : memref<80xi32, #tpu.memory_space<vmem>>, vector<16xi32>,
    %add3A_24 = arith.constant 32 : i32
    %add3A_25 = vector.broadcast %add3A_24 : i32 to vector<16xi32>
    %add3A_26 = arith.addi %add3A_25, %iota3A : vector<16xi32>
    %swap3A_27 = arith.constant 32 : index
    %swap3A_28 = tpu.vector_load %arg13[%swap3A_27] {strides = array<i32>} : memref<80xi32, #tpu.memory_space<vmem>>, vector<16xi32>,
    tpu.vector_store %arg13[%swap3A_27], %add3A_26 {strides = array<i32>} : memref<80xi32, #tpu.memory_space<vmem>>, vector<16xi32>,
    %add3A_29 = arith.constant 48 : i32
    %add3A_30 = vector.broadcast %add3A_29 : i32 to vector<16xi32>
    %add3A_31 = arith.addi %add3A_30, %iota3A : vector<16xi32>
    %swap3A_32 = arith.constant 48 : index
    %swap3A_33 = tpu.vector_load %arg13[%swap3A_32] {strides = array<i32>} : memref<80xi32, #tpu.memory_space<vmem>>, vector<16xi32>,
    tpu.vector_store %arg13[%swap3A_32], %add3A_31 {strides = array<i32>} : memref<80xi32, #tpu.memory_space<vmem>>, vector<16xi32>,
    %add3A_34 = arith.constant 64 : i32
    %add3A_35 = vector.broadcast %add3A_34 : i32 to vector<16xi32>
    %add3A_36 = arith.addi %add3A_35, %iota3A : vector<16xi32>
    %swap3A_37 = arith.constant 64 : index
    %swap3A_38 = tpu.vector_load %arg13[%swap3A_37] {strides = array<i32>} : memref<80xi32, #tpu.memory_space<vmem>>, vector<16xi32>,
    tpu.vector_store %arg13[%swap3A_37], %add3A_36 {strides = array<i32>} : memref<80xi32, #tpu.memory_space<vmem>>, vector<16xi32>,
    %swap3A_39 = arith.constant 0 : i32
    %swap3A_40 = arith.index_cast %swap3A_39 : i32 to index
    %swap3A_41 = arith.constant 0 : index
    %swap3A_42 = tpu.vector_load %arg11[%swap3A_40, %swap3A_41] {strides = array<i32>} : memref<5x128xf32, #tpu.memory_space<vmem>>, vector<16xf32>,
    tpu.vector_store %arg11[%swap3A_40, %swap3A_41], %broadcast_in_dim3A_0 {strides = array<i32>} : memref<5x128xf32, #tpu.memory_space<vmem>>, vector<16xf32>,
    %swap3A_43 = arith.constant 0 : i32
    %swap3A_44 = arith.index_cast %swap3A_43 : i32 to index
    %swap3A_45 = arith.constant 16 : index
    %swap3A_46 = tpu.vector_load %arg11[%swap3A_44, %swap3A_45] {strides = array<i32>} : memref<5x128xf32, #tpu.memory_space<vmem>>, vector<16xf32>,
    tpu.vector_store %arg11[%swap3A_44, %swap3A_45], %broadcast_in_dim3A_0 {strides = array<i32>} : memref<5x128xf32, #tpu.memory_space<vmem>>, vector<16xf32>,
    %swap3A_47 = arith.constant 0 : i32
    %swap3A_48 = arith.index_cast %swap3A_47 : i32 to index
    %swap3A_49 = arith.constant 32 : index
    %swap3A_50 = tpu.vector_load %arg11[%swap3A_48, %swap3A_49] {strides = array<i32>} : memref<5x128xf32, #tpu.memory_space<vmem>>, vector<16xf32>,
    tpu.vector_store %arg11[%swap3A_48, %swap3A_49], %broadcast_in_dim3A_0 {strides = array<i32>} : memref<5x128xf32, #tpu.memory_space<vmem>>, vector<16xf32>,
    %swap3A_51 = arith.constant 0 : i32
    %swap3A_52 = arith.index_cast %swap3A_51 : i32 to index
    %swap3A_53 = arith.constant 48 : index
    %swap3A_54 = tpu.vector_load %arg11[%swap3A_52, %swap3A_53] {strides = array<i32>} : memref<5x128xf32, #tpu.memory_space<vmem>>, vector<16xf32>,
    tpu.vector_store %arg11[%swap3A_52, %swap3A_53], %broadcast_in_dim3A_0 {strides = array<i32>} : memref<5x128xf32, #tpu.memory_space<vmem>>, vector<16xf32>,
    %swap3A_55 = arith.constant 0 : i32
    %swap3A_56 = arith.index_cast %swap3A_55 : i32 to index
    %swap3A_57 = arith.constant 64 : index
    %swap3A_58 = tpu.vector_load %arg11[%swap3A_56, %swap3A_57] {strides = array<i32>} : memref<5x128xf32, #tpu.memory_space<vmem>>, vector<16xf32>,
    tpu.vector_store %arg11[%swap3A_56, %swap3A_57], %broadcast_in_dim3A_0 {strides = array<i32>} : memref<5x128xf32, #tpu.memory_space<vmem>>, vector<16xf32>,
    %swap3A_59 = arith.constant 0 : i32
    %swap3A_60 = arith.index_cast %swap3A_59 : i32 to index
    %swap3A_61 = arith.constant 80 : index
    %swap3A_62 = tpu.vector_load %arg11[%swap3A_60, %swap3A_61] {strides = array<i32>} : memref<5x128xf32, #tpu.memory_space<vmem>>, vector<16xf32>,
    tpu.vector_store %arg11[%swap3A_60, %swap3A_61], %broadcast_in_dim3A_0 {strides = array<i32>} : memref<5x128xf32, #tpu.memory_space<vmem>>, vector<16xf32>,
    %swap3A_63 = arith.constant 0 : i32
    %swap3A_64 = arith.index_cast %swap3A_63 : i32 to index
    %swap3A_65 = arith.constant 96 : index
    %swap3A_66 = tpu.vector_load %arg11[%swap3A_64, %swap3A_65] {strides = array<i32>} : memref<5x128xf32, #tpu.memory_space<vmem>>, vector<16xf32>,
    tpu.vector_store %arg11[%swap3A_64, %swap3A_65], %broadcast_in_dim3A_0 {strides = array<i32>} : memref<5x128xf32, #tpu.memory_space<vmem>>, vector<16xf32>,
    %swap3A_67 = arith.constant 0 : i32
    %swap3A_68 = arith.index_cast %swap3A_67 : i32 to index
    %swap3A_69 = arith.constant 112 : index
    %swap3A_70 = tpu.vector_load %arg11[%swap3A_68, %swap3A_69] {strides = array<i32>} : memref<5x128xf32, #tpu.memory_space<vmem>>, vector<16xf32>,
    tpu.vector_store %arg11[%swap3A_68, %swap3A_69], %broadcast_in_dim3A_0 {strides = array<i32>} : memref<5x128xf32, #tpu.memory_space<vmem>>, vector<16xf32>,
    %swap3A_71 = arith.constant 1 : i32
    %swap3A_72 = arith.index_cast %swap3A_71 : i32 to index
    %swap3A_73 = arith.constant 0 : index
    %swap3A_74 = tpu.vector_load %arg11[%swap3A_72, %swap3A_73] {strides = array<i32>} : memref<5x128xf32, #tpu.memory_space<vmem>>, vector<16xf32>,
    tpu.vector_store %arg11[%swap3A_72, %swap3A_73], %broadcast_in_dim3A_0 {strides = array<i32>} : memref<5x128xf32, #tpu.memory_space<vmem>>, vector<16xf32>,
    %swap3A_75 = arith.constant 1 : i32
    %swap3A_76 = arith.index_cast %swap3A_75 : i32 to index
    %swap3A_77 = arith.constant 16 : index
    %swap3A_78 = tpu.vector_load %arg11[%swap3A_76, %swap3A_77] {strides = array<i32>} : memref<5x128xf32, #tpu.memory_space<vmem>>, vector<16xf32>,
    tpu.vector_store %arg11[%swap3A_76, %swap3A_77], %broadcast_in_dim3A_0 {strides = array<i32>} : memref<5x128xf32, #tpu.memory_space<vmem>>, vector<16xf32>,
    %swap3A_79 = arith.constant 1 : i32
    %swap3A_80 = arith.index_cast %swap3A_79 : i32 to index
    %swap3A_81 = arith.constant 32 : index
    %swap3A_82 = tpu.vector_load %arg11[%swap3A_80, %swap3A_81] {strides = array<i32>} : memref<5x128xf32, #tpu.memory_space<vmem>>, vector<16xf32>,
    tpu.vector_store %arg11[%swap3A_80, %swap3A_81], %broadcast_in_dim3A_0 {strides = array<i32>} : memref<5x128xf32, #tpu.memory_space<vmem>>, vector<16xf32>,
    %swap3A_83 = arith.constant 1 : i32
    %swap3A_84 = arith.index_cast %swap3A_83 : i32 to index
    %swap3A_85 = arith.constant 48 : index
    %swap3A_86 = tpu.vector_load %arg11[%swap3A_84, %swap3A_85] {strides = array<i32>} : memref<5x128xf32, #tpu.memory_space<vmem>>, vector<16xf32>,
    tpu.vector_store %arg11[%swap3A_84, %swap3A_85], %broadcast_in_dim3A_0 {strides = array<i32>} : memref<5x128xf32, #tpu.memory_space<vmem>>, vector<16xf32>,
    %swap3A_87 = arith.constant 1 : i32
    %swap3A_88 = arith.index_cast %swap3A_87 : i32 to index
    %swap3A_89 = arith.constant 64 : index
    %swap3A_90 = tpu.vector_load %arg11[%swap3A_88, %swap3A_89] {strides = array<i32>} : memref<5x128xf32, #tpu.memory_space<vmem>>, vector<16xf32>,
    tpu.vector_store %arg11[%swap3A_88, %swap3A_89], %broadcast_in_dim3A_0 {strides = array<i32>} : memref<5x128xf32, #tpu.memory_space<vmem>>, vector<16xf32>,
    %swap3A_91 = arith.constant 1 : i32
    %swap3A_92 = arith.index_cast %swap3A_91 : i32 to index
    %swap3A_93 = arith.constant 80 : index
    %swap3A_94 = tpu.vector_load %arg11[%swap3A_92, %swap3A_93] {strides = array<i32>} : memref<5x128xf32, #tpu.memory_space<vmem>>, vector<16xf32>,
    tpu.vector_store %arg11[%swap3A_92, %swap3A_93], %broadcast_in_dim3A_0 {strides = array<i32>} : memref<5x128xf32, #tpu.memory_space<vmem>>, vector<16xf32>,
    %swap3A_95 = arith.constant 1 : i32
    %swap3A_96 = arith.index_cast %swap3A_95 : i32 to index
    %swap3A_97 = arith.constant 96 : index
    %swap3A_98 = tpu.vector_load %arg11[%swap3A_96, %swap3A_97] {strides = array<i32>} : memref<5x128xf32, #tpu.memory_space<vmem>>, vector<16xf32>,
    tpu.vector_store %arg11[%swap3A_96, %swap3A_97], %broadcast_in_dim3A_0 {strides = array<i32>} : memref<5x128xf32, #tpu.memory_space<vmem>>, vector<16xf32>,
    %swap3A_99 = arith.constant 1 : i32
    %swap3A_100 = arith.index_cast %swap3A_99 : i32 to index
    %swap3A_101 = arith.constant 112 : index
    %swap3A_102 = tpu.vector_load %arg11[%swap3A_100, %swap3A_101] {strides = array<i32>} : memref<5x128xf32, #tpu.memory_space<vmem>>, vector<16xf32>,
    tpu.vector_store %arg11[%swap3A_100, %swap3A_101], %broadcast_in_dim3A_0 {strides = array<i32>} : memref<5x128xf32, #tpu.memory_space<vmem>>, vector<16xf32>,
    %swap3A_103 = arith.constant 2 : i32
    %swap3A_104 = arith.index_cast %swap3A_103 : i32 to index
    %swap3A_105 = arith.constant 0 : index
    %swap3A_106 = tpu.vector_load %arg11[%swap3A_104, %swap3A_105] {strides = array<i32>} : memref<5x128xf32, #tpu.memory_space<vmem>>, vector<16xf32>,
    tpu.vector_store %arg11[%swap3A_104, %swap3A_105], %broadcast_in_dim3A_0 {strides = array<i32>} : memref<5x128xf32, #tpu.memory_space<vmem>>, vector<16xf32>,
    %swap3A_107 = arith.constant 2 : i32
    %swap3A_108 = arith.index_cast %swap3A_107 : i32 to index
    %swap3A_109 = arith.constant 16 : index
    %swap3A_110 = tpu.vector_load %arg11[%swap3A_108, %swap3A_109] {strides = array<i32>} : memref<5x128xf32, #tpu.memory_space<vmem>>, vector<16xf32>,
    tpu.vector_store %arg11[%swap3A_108, %swap3A_109], %broadcast_in_dim3A_0 {strides = array<i32>} : memref<5x128xf32, #tpu.memory_space<vmem>>, vector<16xf32>,
    %swap3A_111 = arith.constant 2 : i32
    %swap3A_112 = arith.index_cast %swap3A_111 : i32 to index
    %swap3A_113 = arith.constant 32 : index
    %swap3A_114 = tpu.vector_load %arg11[%swap3A_112, %swap3A_113] {strides = array<i32>} : memref<5x128xf32, #tpu.memory_space<vmem>>, vector<16xf32>,
    tpu.vector_store %arg11[%swap3A_112, %swap3A_113], %broadcast_in_dim3A_0 {strides = array<i32>} : memref<5x128xf32, #tpu.memory_space<vmem>>, vector<16xf32>,
    %swap3A_115 = arith.constant 2 : i32
    %swap3A_116 = arith.index_cast %swap3A_115 : i32 to index
    %swap3A_117 = arith.constant 48 : index
    %swap3A_118 = tpu.vector_load %arg11[%swap3A_116, %swap3A_117] {strides = array<i32>} : memref<5x128xf32, #tpu.memory_space<vmem>>, vector<16xf32>,
    tpu.vector_store %arg11[%swap3A_116, %swap3A_117], %broadcast_in_dim3A_0 {strides = array<i32>} : memref<5x128xf32, #tpu.memory_space<vmem>>, vector<16xf32>,
    %swap3A_119 = arith.constant 2 : i32
    %swap3A_120 = arith.index_cast %swap3A_119 : i32 to index
    %swap3A_121 = arith.constant 64 : index
    %swap3A_122 = tpu.vector_load %arg11[%swap3A_120, %swap3A_121] {strides = array<i32>} : memref<5x128xf32, #tpu.memory_space<vmem>>, vector<16xf32>,
    tpu.vector_store %arg11[%swap3A_120, %swap3A_121], %broadcast_in_dim3A_0 {strides = array<i32>} : memref<5x128xf32, #tpu.memory_space<vmem>>, vector<16xf32>,
    %swap3A_123 = arith.constant 2 : i32
    %swap3A_124 = arith.index_cast %swap3A_123 : i32 to index
    %swap3A_125 = arith.constant 80 : index
    %swap3A_126 = tpu.vector_load %arg11[%swap3A_124, %swap3A_125] {strides = array<i32>} : memref<5x128xf32, #tpu.memory_space<vmem>>, vector<16xf32>,
    tpu.vector_store %arg11[%swap3A_124, %swap3A_125], %broadcast_in_dim3A_0 {strides = array<i32>} : memref<5x128xf32, #tpu.memory_space<vmem>>, vector<16xf32>,
    %swap3A_127 = arith.constant 2 : i32
    %swap3A_128 = arith.index_cast %swap3A_127 : i32 to index
    %swap3A_129 = arith.constant 96 : index
    %swap3A_130 = tpu.vector_load %arg11[%swap3A_128, %swap3A_129] {strides = array<i32>} : memref<5x128xf32, #tpu.memory_space<vmem>>, vector<16xf32>,
    tpu.vector_store %arg11[%swap3A_128, %swap3A_129], %broadcast_in_dim3A_0 {strides = array<i32>} : memref<5x128xf32, #tpu.memory_space<vmem>>, vector<16xf32>,
    %swap3A_131 = arith.constant 2 : i32
    %swap3A_132 = arith.index_cast %swap3A_131 : i32 to index
    %swap3A_133 = arith.constant 112 : index
    %swap3A_134 = tpu.vector_load %arg11[%swap3A_132, %swap3A_133] {strides = array<i32>} : memref<5x128xf32, #tpu.memory_space<vmem>>, vector<16xf32>,
    tpu.vector_store %arg11[%swap3A_132, %swap3A_133], %broadcast_in_dim3A_0 {strides = array<i32>} : memref<5x128xf32, #tpu.memory_space<vmem>>, vector<16xf32>,
    %swap3A_135 = arith.constant 3 : i32
    %swap3A_136 = arith.index_cast %swap3A_135 : i32 to index
    %swap3A_137 = arith.constant 0 : index
    %swap3A_138 = tpu.vector_load %arg11[%swap3A_136, %swap3A_137] {strides = array<i32>} : memref<5x128xf32, #tpu.memory_space<vmem>>, vector<16xf32>,
    tpu.vector_store %arg11[%swap3A_136, %swap3A_137], %broadcast_in_dim3A_0 {strides = array<i32>} : memref<5x128xf32, #tpu.memory_space<vmem>>, vector<16xf32>,
    %swap3A_139 = arith.constant 3 : i32
    %swap3A_140 = arith.index_cast %swap3A_139 : i32 to index
    %swap3A_141 = arith.constant 16 : index
    %swap3A_142 = tpu.vector_load %arg11[%swap3A_140, %swap3A_141] {strides = array<i32>} : memref<5x128xf32, #tpu.memory_space<vmem>>, vector<16xf32>,
    tpu.vector_store %arg11[%swap3A_140, %swap3A_141], %broadcast_in_dim3A_0 {strides = array<i32>} : memref<5x128xf32, #tpu.memory_space<vmem>>, vector<16xf32>,
    %swap3A_143 = arith.constant 3 : i32
    %swap3A_144 = arith.index_cast %swap3A_143 : i32 to index
    %swap3A_145 = arith.constant 32 : index
    %swap3A_146 = tpu.vector_load %arg11[%swap3A_144, %swap3A_145] {strides = array<i32>} : memref<5x128xf32, #tpu.memory_space<vmem>>, vector<16xf32>,
    tpu.vector_store %arg11[%swap3A_144, %swap3A_145], %broadcast_in_dim3A_0 {strides = array<i32>} : memref<5x128xf32, #tpu.memory_space<vmem>>, vector<16xf32>,
    %swap3A_147 = arith.constant 3 : i32
    %swap3A_148 = arith.index_cast %swap3A_147 : i32 to index
    %swap3A_149 = arith.constant 48 : index
    %swap3A_150 = tpu.vector_load %arg11[%swap3A_148, %swap3A_149] {strides = array<i32>} : memref<5x128xf32, #tpu.memory_space<vmem>>, vector<16xf32>,
    tpu.vector_store %arg11[%swap3A_148, %swap3A_149], %broadcast_in_dim3A_0 {strides = array<i32>} : memref<5x128xf32, #tpu.memory_space<vmem>>, vector<16xf32>,
    %swap3A_151 = arith.constant 3 : i32
    %swap3A_152 = arith.index_cast %swap3A_151 : i32 to index
    %swap3A_153 = arith.constant 64 : index
    %swap3A_154 = tpu.vector_load %arg11[%swap3A_152, %swap3A_153] {strides = array<i32>} : memref<5x128xf32, #tpu.memory_space<vmem>>, vector<16xf32>,
    tpu.vector_store %arg11[%swap3A_152, %swap3A_153], %broadcast_in_dim3A_0 {strides = array<i32>} : memref<5x128xf32, #tpu.memory_space<vmem>>, vector<16xf32>,
    %swap3A_155 = arith.constant 3 : i32
    %swap3A_156 = arith.index_cast %swap3A_155 : i32 to index
    %swap3A_157 = arith.constant 80 : index
    %swap3A_158 = tpu.vector_load %arg11[%swap3A_156, %swap3A_157] {strides = array<i32>} : memref<5x128xf32, #tpu.memory_space<vmem>>, vector<16xf32>,
    tpu.vector_store %arg11[%swap3A_156, %swap3A_157], %broadcast_in_dim3A_0 {strides = array<i32>} : memref<5x128xf32, #tpu.memory_space<vmem>>, vector<16xf32>,
    %swap3A_159 = arith.constant 3 : i32
    %swap3A_160 = arith.index_cast %swap3A_159 : i32 to index
    %swap3A_161 = arith.constant 96 : index
    %swap3A_162 = tpu.vector_load %arg11[%swap3A_160, %swap3A_161] {strides = array<i32>} : memref<5x128xf32, #tpu.memory_space<vmem>>, vector<16xf32>,
    tpu.vector_store %arg11[%swap3A_160, %swap3A_161], %broadcast_in_dim3A_0 {strides = array<i32>} : memref<5x128xf32, #tpu.memory_space<vmem>>, vector<16xf32>,
    %swap3A_163 = arith.constant 3 : i32
    %swap3A_164 = arith.index_cast %swap3A_163 : i32 to index
    %swap3A_165 = arith.constant 112 : index
    %swap3A_166 = tpu.vector_load %arg11[%swap3A_164, %swap3A_165] {strides = array<i32>} : memref<5x128xf32, #tpu.memory_space<vmem>>, vector<16xf32>,
    tpu.vector_store %arg11[%swap3A_164, %swap3A_165], %broadcast_in_dim3A_0 {strides = array<i32>} : memref<5x128xf32, #tpu.memory_space<vmem>>, vector<16xf32>,
    %swap3A_167 = arith.constant 4 : i32
    %swap3A_168 = arith.index_cast %swap3A_167 : i32 to index
    %swap3A_169 = arith.constant 0 : index
    %swap3A_170 = tpu.vector_load %arg11[%swap3A_168, %swap3A_169] {strides = array<i32>} : memref<5x128xf32, #tpu.memory_space<vmem>>, vector<16xf32>,
    tpu.vector_store %arg11[%swap3A_168, %swap3A_169], %broadcast_in_dim3A_0 {strides = array<i32>} : memref<5x128xf32, #tpu.memory_space<vmem>>, vector<16xf32>,
    %swap3A_171 = arith.constant 4 : i32
    %swap3A_172 = arith.index_cast %swap3A_171 : i32 to index
    %swap3A_173 = arith.constant 16 : index
    %swap3A_174 = tpu.vector_load %arg11[%swap3A_172, %swap3A_173] {strides = array<i32>} : memref<5x128xf32, #tpu.memory_space<vmem>>, vector<16xf32>,
    tpu.vector_store %arg11[%swap3A_172, %swap3A_173], %broadcast_in_dim3A_0 {strides = array<i32>} : memref<5x128xf32, #tpu.memory_space<vmem>>, vector<16xf32>,
    %swap3A_175 = arith.constant 4 : i32
    %swap3A_176 = arith.index_cast %swap3A_175 : i32 to index
    %swap3A_177 = arith.constant 32 : index
    %swap3A_178 = tpu.vector_load %arg11[%swap3A_176, %swap3A_177] {strides = array<i32>} : memref<5x128xf32, #tpu.memory_space<vmem>>, vector<16xf32>,
    tpu.vector_store %arg11[%swap3A_176, %swap3A_177], %broadcast_in_dim3A_0 {strides = array<i32>} : memref<5x128xf32, #tpu.memory_space<vmem>>, vector<16xf32>,
    %swap3A_179 = arith.constant 4 : i32
    %swap3A_180 = arith.index_cast %swap3A_179 : i32 to index
    %swap3A_181 = arith.constant 48 : index
    %swap3A_182 = tpu.vector_load %arg11[%swap3A_180, %swap3A_181] {strides = array<i32>} : memref<5x128xf32, #tpu.memory_space<vmem>>, vector<16xf32>,
    tpu.vector_store %arg11[%swap3A_180, %swap3A_181], %broadcast_in_dim3A_0 {strides = array<i32>} : memref<5x128xf32, #tpu.memory_space<vmem>>, vector<16xf32>,
    %swap3A_183 = arith.constant 4 : i32
    %swap3A_184 = arith.index_cast %swap3A_183 : i32 to index
    %swap3A_185 = arith.constant 64 : index
    %swap3A_186 = tpu.vector_load %arg11[%swap3A_184, %swap3A_185] {strides = array<i32>} : memref<5x128xf32, #tpu.memory_space<vmem>>, vector<16xf32>,
    tpu.vector_store %arg11[%swap3A_184, %swap3A_185], %broadcast_in_dim3A_0 {strides = array<i32>} : memref<5x128xf32, #tpu.memory_space<vmem>>, vector<16xf32>,
    %swap3A_187 = arith.constant 4 : i32
    %swap3A_188 = arith.index_cast %swap3A_187 : i32 to index
    %swap3A_189 = arith.constant 80 : index
    %swap3A_190 = tpu.vector_load %arg11[%swap3A_188, %swap3A_189] {strides = array<i32>} : memref<5x128xf32, #tpu.memory_space<vmem>>, vector<16xf32>,
    tpu.vector_store %arg11[%swap3A_188, %swap3A_189], %broadcast_in_dim3A_0 {strides = array<i32>} : memref<5x128xf32, #tpu.memory_space<vmem>>, vector<16xf32>,
    %swap3A_191 = arith.constant 4 : i32
    %swap3A_192 = arith.index_cast %swap3A_191 : i32 to index
    %swap3A_193 = arith.constant 96 : index
    %swap3A_194 = tpu.vector_load %arg11[%swap3A_192, %swap3A_193] {strides = array<i32>} : memref<5x128xf32, #tpu.memory_space<vmem>>, vector<16xf32>,
    tpu.vector_store %arg11[%swap3A_192, %swap3A_193], %broadcast_in_dim3A_0 {strides = array<i32>} : memref<5x128xf32, #tpu.memory_space<vmem>>, vector<16xf32>,
    %swap3A_195 = arith.constant 4 : i32
    %swap3A_196 = arith.index_cast %swap3A_195 : i32 to index
    %swap3A_197 = arith.constant 112 : index
    %swap3A_198 = tpu.vector_load %arg11[%swap3A_196, %swap3A_197] {strides = array<i32>} : memref<5x128xf32, #tpu.memory_space<vmem>>, vector<16xf32>,
    tpu.vector_store %arg11[%swap3A_196, %swap3A_197], %broadcast_in_dim3A_0 {strides = array<i32>} : memref<5x128xf32, #tpu.memory_space<vmem>>, vector<16xf32>,
    %mul3A_199 = arith.constant 5 : i32
    %mul3A_200 = arith.muli %arg1, %mul3A_199 : i32
    "tpu.region"() ({
      %run_scoped3A = tpu.sem_alloc : memref<!tpu.dma_semaphore, #tpu.memory_space<semaphore_mem>>
      %dma_start3A_2228 = arith.constant 0 : i32
      %dma_start3A_2229 = tpu.memref_slice %arg14[%mul3A_200, %dma_start3A_2228] : memref<80x128xf32, #tpu.memory_space<vmem_shared>> -> memref<5x128xf32, #tpu.memory_space<vmem_shared>>
      %dma_start3A_2230 = arith.constant 0 : i32
      %dma_start3A_2231 = tpu.memref_slice %arg14[%mul3A_200, %dma_start3A_2230] : memref<80x128xf32, #tpu.memory_space<vmem_shared>> -> memref<5x128xf32, #tpu.memory_space<vmem_shared>>
      tpu.enqueue_dma source(%arg11 : memref<5x128xf32, #tpu.memory_space<vmem>>) target(%dma_start3A_2231 : memref<5x128xf32, #tpu.memory_space<vmem_shared>>) target_semaphore(%run_scoped3A : memref<!tpu.dma_semaphore, #tpu.memory_space<semaphore_mem>>)
      %dma_wait3A_2232 = arith.constant 0 : i32
      %dma_wait3A_2233 = tpu.memref_slice %arg14[%mul3A_200, %dma_wait3A_2232] : memref<80x128xf32, #tpu.memory_space<vmem_shared>> -> memref<5x128xf32, #tpu.memory_space<vmem_shared>>
      %dma_wait3A_2234 = arith.constant 0 : i32
      %dma_wait3A_2235 = tpu.memref_slice %arg14[%mul3A_200, %dma_wait3A_2234] : memref<80x128xf32, #tpu.memory_space<vmem_shared>> -> memref<5x128xf32, #tpu.memory_space<vmem_shared>>
      tpu.wait_dma2 semaphore(%run_scoped3A : memref<!tpu.dma_semaphore, #tpu.memory_space<semaphore_mem>>) src(%arg11 : memref<5x128xf32, #tpu.memory_space<vmem>>) dst(%dma_wait3A_2235 : memref<5x128xf32, #tpu.memory_space<vmem_shared>>)
      tpu.yield
    }) : () -> ()
    %mul3A_201 = arith.constant 5 : i32
    %mul3A_202 = arith.muli %arg1, %mul3A_201 : i32
    "tpu.region"() ({
      %run_scoped3A = tpu.sem_alloc : memref<!tpu.dma_semaphore, #tpu.memory_space<semaphore_mem>>
      %dma_start3A_2228 = arith.constant 0 : i32
      %dma_start3A_2229 = tpu.memref_slice %arg15[%mul3A_202, %dma_start3A_2228] : memref<80x128xf32, #tpu.memory_space<vmem_shared>> -> memref<5x128xf32, #tpu.memory_space<vmem_shared>>
      %dma_start3A_2230 = arith.constant 0 : i32
      %dma_start3A_2231 = tpu.memref_slice %arg15[%mul3A_202, %dma_start3A_2230] : memref<80x128xf32, #tpu.memory_space<vmem_shared>> -> memref<5x128xf32, #tpu.memory_space<vmem_shared>>
      tpu.enqueue_dma source(%arg11 : memref<5x128xf32, #tpu.memory_space<vmem>>) target(%dma_start3A_2231 : memref<5x128xf32, #tpu.memory_space<vmem_shared>>) target_semaphore(%run_scoped3A : memref<!tpu.dma_semaphore, #tpu.memory_space<semaphore_mem>>)
      %dma_wait3A_2232 = arith.constant 0 : i32
      %dma_wait3A_2233 = tpu.memref_slice %arg15[%mul3A_202, %dma_wait3A_2232] : memref<80x128xf32, #tpu.memory_space<vmem_shared>> -> memref<5x128xf32, #tpu.memory_space<vmem_shared>>
      %dma_wait3A_2234 = arith.constant 0 : i32
      %dma_wait3A_2235 = tpu.memref_slice %arg15[%mul3A_202, %dma_wait3A_2234] : memref<80x128xf32, #tpu.memory_space<vmem_shared>> -> memref<5x128xf32, #tpu.memory_space<vmem_shared>>
      tpu.wait_dma2 semaphore(%run_scoped3A : memref<!tpu.dma_semaphore, #tpu.memory_space<semaphore_mem>>) src(%arg11 : memref<5x128xf32, #tpu.memory_space<vmem>>) dst(%dma_wait3A_2235 : memref<5x128xf32, #tpu.memory_space<vmem_shared>>)
      tpu.yield
    }) : () -> ()
    %parallel_loop3A = arith.constant 0 : i32
    %parallel_loop3A_203 = arith.constant 80 : i32
    %parallel_loop3A_204 = arith.constant 1 : i32
    scf.for %parallel_loop3A_2228 = %parallel_loop3A to %parallel_loop3A_203 step %parallel_loop3A_204  : i32 {
      %parallel_loop3A_2229 = arith.index_cast %parallel_loop3A_2228 : i32 to index
      %parallel_loop3A_2230 = arith.constant 0 : index
      %parallel_loop3A_2231 = tpu.vector_load %arg7[%parallel_loop3A_2229, %parallel_loop3A_2230] {strides = array<i32>} : memref<80x128xf32, #tpu.memory_space<vmem>>, vector<16xf32>,
      tpu.vector_store %arg7[%parallel_loop3A_2229, %parallel_loop3A_2230], %broadcast_in_dim3A_0 {strides = array<i32>} : memref<80x128xf32, #tpu.memory_space<vmem>>, vector<16xf32>,
      %parallel_loop3A_2232 = arith.index_cast %parallel_loop3A_2228 : i32 to index
      %parallel_loop3A_2233 = arith.constant 16 : index
      %parallel_loop3A_2234 = tpu.vector_load %arg7[%parallel_loop3A_2232, %parallel_loop3A_2233] {strides = array<i32>} : memref<80x128xf32, #tpu.memory_space<vmem>>, vector<16xf32>,
      tpu.vector_store %arg7[%parallel_loop3A_2232, %parallel_loop3A_2233], %broadcast_in_dim3A_0 {strides = array<i32>} : memref<80x128xf32, #tpu.memory_space<vmem>>, vector<16xf32>,
      %parallel_loop3A_2235 = arith.index_cast %parallel_loop3A_2228 : i32 to index
      %parallel_loop3A_2236 = arith.constant 32 : index
      %parallel_loop3A_2237 = tpu.vector_load %arg7[%parallel_loop3A_2235, %parallel_loop3A_2236] {strides = array<i32>} : memref<80x128xf32, #tpu.memory_space<vmem>>, vector<16xf32>,
      tpu.vector_store %arg7[%parallel_loop3A_2235, %parallel_loop3A_2236], %broadcast_in_dim3A_0 {strides = array<i32>} : memref<80x128xf32, #tpu.memory_space<vmem>>, vector<16xf32>,
      %parallel_loop3A_2238 = arith.index_cast %parallel_loop3A_2228 : i32 to index
      %parallel_loop3A_2239 = arith.constant 48 : index
      %parallel_loop3A_2240 = tpu.vector_load %arg7[%parallel_loop3A_2238, %parallel_loop3A_2239] {strides = array<i32>} : memref<80x128xf32, #tpu.memory_space<vmem>>, vector<16xf32>,
      tpu.vector_store %arg7[%parallel_loop3A_2238, %parallel_loop3A_2239], %broadcast_in_dim3A_0 {strides = array<i32>} : memref<80x128xf32, #tpu.memory_space<vmem>>, vector<16xf32>,
      %parallel_loop3A_2241 = arith.index_cast %parallel_loop3A_2228 : i32 to index
      %parallel_loop3A_2242 = arith.constant 64 : index
      %parallel_loop3A_2243 = tpu.vector_load %arg7[%parallel_loop3A_2241, %parallel_loop3A_2242] {strides = array<i32>} : memref<80x128xf32, #tpu.memory_space<vmem>>, vector<16xf32>,
      tpu.vector_store %arg7[%parallel_loop3A_2241, %parallel_loop3A_2242], %broadcast_in_dim3A_0 {strides = array<i32>} : memref<80x128xf32, #tpu.memory_space<vmem>>, vector<16xf32>,
      %parallel_loop3A_2244 = arith.index_cast %parallel_loop3A_2228 : i32 to index
      %parallel_loop3A_2245 = arith.constant 80 : index
      %parallel_loop3A_2246 = tpu.vector_load %arg7[%parallel_loop3A_2244, %parallel_loop3A_2245] {strides = array<i32>} : memref<80x128xf32, #tpu.memory_space<vmem>>, vector<16xf32>,
      tpu.vector_store %arg7[%parallel_loop3A_2244, %parallel_loop3A_2245], %broadcast_in_dim3A_0 {strides = array<i32>} : memref<80x128xf32, #tpu.memory_space<vmem>>, vector<16xf32>,
      %parallel_loop3A_2247 = arith.index_cast %parallel_loop3A_2228 : i32 to index
      %parallel_loop3A_2248 = arith.constant 96 : index
      %parallel_loop3A_2249 = tpu.vector_load %arg7[%parallel_loop3A_2247, %parallel_loop3A_2248] {strides = array<i32>} : memref<80x128xf32, #tpu.memory_space<vmem>>, vector<16xf32>,
      tpu.vector_store %arg7[%parallel_loop3A_2247, %parallel_loop3A_2248], %broadcast_in_dim3A_0 {strides = array<i32>} : memref<80x128xf32, #tpu.memory_space<vmem>>, vector<16xf32>,
      %parallel_loop3A_2250 = arith.index_cast %parallel_loop3A_2228 : i32 to index
      %parallel_loop3A_2251 = arith.constant 112 : index
      %parallel_loop3A_2252 = tpu.vector_load %arg7[%parallel_loop3A_2250, %parallel_loop3A_2251] {strides = array<i32>} : memref<80x128xf32, #tpu.memory_space<vmem>>, vector<16xf32>,
      tpu.vector_store %arg7[%parallel_loop3A_2250, %parallel_loop3A_2251], %broadcast_in_dim3A_0 {strides = array<i32>} : memref<80x128xf32, #tpu.memory_space<vmem>>, vector<16xf32>,
    } {sc.loop_unroll_factor = 2 : i64, sc.parallel_access}
    %barrier3A = arith.constant 0 : index
    tpu.barrier barrier_id(%barrier3A)
    %dma_wait3A = tpu.memref_slice %arg3[%mul3A_12] : memref<320000xi32, #tpu.memory_space<hbm>> -> memref<20000xi32, #tpu.memory_space<hbm>>
    %dma_wait3A_205 = tpu.memref_slice %arg3[%mul3A_12] : memref<320000xi32, #tpu.memory_space<hbm>> -> memref<20000xi32, #tpu.memory_space<hbm>>
    tpu.wait_dma2 semaphore(%arg18 : memref<!tpu.dma_semaphore, #tpu.memory_space<semaphore_mem>>) src(%dma_wait3A_205 : memref<20000xi32, #tpu.memory_space<hbm>>) dst(%arg6 : memref<20000xi32, #tpu.memory_space<vmem>>)
    %parallel_loop3A_206 = arith.constant 0 : i32
    %parallel_loop3A_207 = arith.constant 1250 : i32
    %parallel_loop3A_208 = arith.constant 1 : i32
    scf.for %parallel_loop3A_2228 = %parallel_loop3A_206 to %parallel_loop3A_207 step %parallel_loop3A_208  : i32 {
      %parallel_loop3A_2229 = arith.constant 16 : i32
      %parallel_loop3A_2230 = arith.muli %parallel_loop3A_2228, %parallel_loop3A_2229 : i32
      %parallel_loop3A_2231 = arith.index_cast %parallel_loop3A_2230 : i32 to index
      %parallel_loop3A_2232 = tpu.vector_load %arg6[%parallel_loop3A_2231] {strides = array<i32>} : memref<20000xi32, #tpu.memory_space<vmem>>, vector<16xi32>,
      %parallel_loop3A_2233 = arith.constant 7 : i32
      %parallel_loop3A_2234 = vector.broadcast %parallel_loop3A_2233 : i32 to vector<16xi32>
      %parallel_loop3A_2235 = arith.shrsi %parallel_loop3A_2232, %parallel_loop3A_2234 : vector<16xi32>
      %parallel_loop3A_2236 = arith.constant 127 : i32
      %parallel_loop3A_2237 = vector.broadcast %parallel_loop3A_2236 : i32 to vector<16xi32>
      %parallel_loop3A_2238 = arith.andi %parallel_loop3A_2232, %parallel_loop3A_2237 : vector<16xi32>
      tpu.vector_store_idx %arg7[%parallel_loop3A_2235, %parallel_loop3A_2238], %broadcast_in_dim3A_2 {add = true} : memref<80x128xf32, #tpu.memory_space<vmem>>[vector<16xi32>, vector<16xi32>], vector<16xf32>,
    } {sc.loop_unroll_factor = 16 : i64, sc.parallel_access}
    "tpu.region"() ({
      %run_scoped3A = tpu.sem_alloc : memref<!tpu.dma_semaphore, #tpu.memory_space<semaphore_mem>>
      %dma_start3A_2228 = arith.constant 0 : i32
      %dma_start3A_2229 = arith.constant 0 : i32
      %dma_start3A_2230 = tpu.memref_slice %arg14[%dma_start3A_2228, %dma_start3A_2229] : memref<80x128xf32, #tpu.memory_space<vmem_shared>> -> memref<80x128xf32, #tpu.memory_space<vmem_shared>>
      tpu.enqueue_indirect_dma source(%arg7 : memref<80x128xf32, #tpu.memory_space<vmem>>) target(%dma_start3A_2230 : memref<80x128xf32, #tpu.memory_space<vmem_shared>>) offsets(%arg13 : memref<80xi32, #tpu.memory_space<vmem>>) semaphore(%run_scoped3A : memref<!tpu.dma_semaphore, #tpu.memory_space<semaphore_mem>>) {add = true}
      %dma_wait3A_2231 = arith.constant 0 : i32
      %dma_wait3A_2232 = arith.constant 0 : i32
      %dma_wait3A_2233 = tpu.memref_slice %arg14[%dma_wait3A_2231, %dma_wait3A_2232] : memref<80x128xf32, #tpu.memory_space<vmem_shared>> -> memref<80x128xf32, #tpu.memory_space<vmem_shared>>
      tpu.wait_indirect_dma semaphore(%run_scoped3A : memref<!tpu.dma_semaphore, #tpu.memory_space<semaphore_mem>>) src(%arg7 : memref<80x128xf32, #tpu.memory_space<vmem>>) dst(%dma_wait3A_2233 : memref<80x128xf32, #tpu.memory_space<vmem_shared>>)
      tpu.yield
    }) : () -> ()
    %barrier3A_209 = arith.constant 0 : index
    tpu.barrier barrier_id(%barrier3A_209)
    %mul3A_210 = arith.constant 5 : i32
    %mul3A_211 = arith.muli %arg1, %mul3A_210 : i32
    "tpu.region"() ({
      %run_scoped3A = tpu.sem_alloc : memref<!tpu.dma_semaphore, #tpu.memory_space<semaphore_mem>>
      %dma_start3A_2228 = arith.constant 0 : i32
      %dma_start3A_2229 = tpu.memref_slice %arg14[%mul3A_211, %dma_start3A_2228] : memref<80x128xf32, #tpu.memory_space<vmem_shared>> -> memref<5x128xf32, #tpu.memory_space<vmem_shared>>
      %dma_start3A_2230 = arith.constant 0 : i32
      %dma_start3A_2231 = tpu.memref_slice %arg14[%mul3A_211, %dma_start3A_2230] : memref<80x128xf32, #tpu.memory_space<vmem_shared>> -> memref<5x128xf32, #tpu.memory_space<vmem_shared>>
      tpu.enqueue_dma source(%dma_start3A_2231 : memref<5x128xf32, #tpu.memory_space<vmem_shared>>) target(%arg11 : memref<5x128xf32, #tpu.memory_space<vmem>>) target_semaphore(%run_scoped3A : memref<!tpu.dma_semaphore, #tpu.memory_space<semaphore_mem>>)
      %dma_wait3A_2232 = arith.constant 0 : i32
      %dma_wait3A_2233 = tpu.memref_slice %arg14[%mul3A_211, %dma_wait3A_2232] : memref<80x128xf32, #tpu.memory_space<vmem_shared>> -> memref<5x128xf32, #tpu.memory_space<vmem_shared>>
      %dma_wait3A_2234 = arith.constant 0 : i32
      %dma_wait3A_2235 = tpu.memref_slice %arg14[%mul3A_211, %dma_wait3A_2234] : memref<80x128xf32, #tpu.memory_space<vmem_shared>> -> memref<5x128xf32, #tpu.memory_space<vmem_shared>>
      tpu.wait_dma2 semaphore(%run_scoped3A : memref<!tpu.dma_semaphore, #tpu.memory_space<semaphore_mem>>) src(%dma_wait3A_2235 : memref<5x128xf32, #tpu.memory_space<vmem_shared>>) dst(%arg11 : memref<5x128xf32, #tpu.memory_space<vmem>>)
      tpu.yield
    }) : () -> ()
    %get3A = arith.constant 0 : i32
    %get3A_212 = arith.index_cast %get3A : i32 to index
    %get3A_213 = arith.constant 0 : index
    %get3A_214 = tpu.vector_load %arg11[%get3A_212, %get3A_213] {strides = array<i32>} : memref<5x128xf32, #tpu.memory_space<vmem>>, vector<16xf32>,
    %add3A_215 = arith.constant 1.000000e+00 : f32
    %add3A_216 = vector.broadcast %add3A_215 : f32 to vector<16xf32>
    %add3A_217 = arith.addf %get3A_214, %add3A_216 : vector<16xf32>
    %bitcast3A = vector.bitcast %add3A_217 : vector<16xf32> to vector<16xi32>
    %shift_right_arithmetic3A = arith.constant 1 : i32
    %shift_right_arithmetic3A_218 = vector.broadcast %shift_right_arithmetic3A : i32 to vector<16xi32>
    %shift_right_arithmetic3A_219 = arith.shrsi %bitcast3A, %shift_right_arithmetic3A_218 : vector<16xi32>
    %sub3A = arith.constant 1597463007 : i32
    %sub3A_220 = vector.broadcast %sub3A : i32 to vector<16xi32>
    %sub3A_221 = arith.subi %sub3A_220, %shift_right_arithmetic3A_219 : vector<16xi32>
    %bitcast3A_222 = vector.bitcast %sub3A_221 : vector<16xi32> to vector<16xf32>
    %mul3A_223 = arith.constant 5.000000e-01 : f32
    %mul3A_224 = vector.broadcast %mul3A_223 : f32 to vector<16xf32>
    %mul3A_225 = arith.mulf %mul3A_224, %add3A_217 : vector<16xf32>
    %mul3A_226 = arith.mulf %mul3A_225, %bitcast3A_222 : vector<16xf32>
    %mul3A_227 = arith.mulf %mul3A_226, %bitcast3A_222 : vector<16xf32>
    %sub3A_228 = arith.constant 1.500000e+00 : f32
    %sub3A_229 = vector.broadcast %sub3A_228 : f32 to vector<16xf32>
    %sub3A_230 = arith.subf %sub3A_229, %mul3A_227 : vector<16xf32>
    %mul3A_231 = arith.mulf %bitcast3A_222, %sub3A_230 : vector<16xf32>
    %mul3A_232 = arith.constant 5.000000e-01 : f32
    %mul3A_233 = vector.broadcast %mul3A_232 : f32 to vector<16xf32>
    %mul3A_234 = arith.mulf %mul3A_233, %add3A_217 : vector<16xf32>
    %mul3A_235 = arith.mulf %mul3A_234, %mul3A_231 : vector<16xf32>
    %mul3A_236 = arith.mulf %mul3A_235, %mul3A_231 : vector<16xf32>
    %sub3A_237 = arith.constant 1.500000e+00 : f32
    %sub3A_238 = vector.broadcast %sub3A_237 : f32 to vector<16xf32>
    %sub3A_239 = arith.subf %sub3A_238, %mul3A_236 : vector<16xf32>
    %mul3A_240 = arith.mulf %mul3A_231, %sub3A_239 : vector<16xf32>
    %mul3A_241 = arith.constant 5.000000e-01 : f32
    %mul3A_242 = vector.broadcast %mul3A_241 : f32 to vector<16xf32>
    %mul3A_243 = arith.mulf %mul3A_242, %add3A_217 : vector<16xf32>
    %mul3A_244 = arith.mulf %mul3A_243, %mul3A_240 : vector<16xf32>
    %mul3A_245 = arith.mulf %mul3A_244, %mul3A_240 : vector<16xf32>
    %sub3A_246 = arith.constant 1.500000e+00 : f32
    %sub3A_247 = vector.broadcast %sub3A_246 : f32 to vector<16xf32>
    %sub3A_248 = arith.subf %sub3A_247, %mul3A_245 : vector<16xf32>
    %mul3A_249 = arith.mulf %mul3A_240, %sub3A_248 : vector<16xf32>
    %swap3A_250 = arith.constant 0 : index
    %swap3A_251 = tpu.vector_load %arg12[%swap3A_250] {strides = array<i32>} : memref<640xf32, #tpu.memory_space<vmem>>, vector<16xf32>,
    tpu.vector_store %arg12[%swap3A_250], %mul3A_249 {strides = array<i32>} : memref<640xf32, #tpu.memory_space<vmem>>, vector<16xf32>,
    %get3A_252 = arith.constant 0 : i32
    %get3A_253 = arith.index_cast %get3A_252 : i32 to index
    %get3A_254 = arith.constant 16 : index
    %get3A_255 = tpu.vector_load %arg11[%get3A_253, %get3A_254] {strides = array<i32>} : memref<5x128xf32, #tpu.memory_space<vmem>>, vector<16xf32>,
    %add3A_256 = arith.constant 1.000000e+00 : f32
    %add3A_257 = vector.broadcast %add3A_256 : f32 to vector<16xf32>
    %add3A_258 = arith.addf %get3A_255, %add3A_257 : vector<16xf32>
    %bitcast3A_259 = vector.bitcast %add3A_258 : vector<16xf32> to vector<16xi32>
    %shift_right_arithmetic3A_260 = arith.constant 1 : i32
    %shift_right_arithmetic3A_261 = vector.broadcast %shift_right_arithmetic3A_260 : i32 to vector<16xi32>
    %shift_right_arithmetic3A_262 = arith.shrsi %bitcast3A_259, %shift_right_arithmetic3A_261 : vector<16xi32>
    %sub3A_263 = arith.constant 1597463007 : i32
    %sub3A_264 = vector.broadcast %sub3A_263 : i32 to vector<16xi32>
    %sub3A_265 = arith.subi %sub3A_264, %shift_right_arithmetic3A_262 : vector<16xi32>
    %bitcast3A_266 = vector.bitcast %sub3A_265 : vector<16xi32> to vector<16xf32>
    %mul3A_267 = arith.constant 5.000000e-01 : f32
    %mul3A_268 = vector.broadcast %mul3A_267 : f32 to vector<16xf32>
    %mul3A_269 = arith.mulf %mul3A_268, %add3A_258 : vector<16xf32>
    %mul3A_270 = arith.mulf %mul3A_269, %bitcast3A_266 : vector<16xf32>
    %mul3A_271 = arith.mulf %mul3A_270, %bitcast3A_266 : vector<16xf32>
    %sub3A_272 = arith.constant 1.500000e+00 : f32
    %sub3A_273 = vector.broadcast %sub3A_272 : f32 to vector<16xf32>
    %sub3A_274 = arith.subf %sub3A_273, %mul3A_271 : vector<16xf32>
    %mul3A_275 = arith.mulf %bitcast3A_266, %sub3A_274 : vector<16xf32>
    %mul3A_276 = arith.constant 5.000000e-01 : f32
    %mul3A_277 = vector.broadcast %mul3A_276 : f32 to vector<16xf32>
    %mul3A_278 = arith.mulf %mul3A_277, %add3A_258 : vector<16xf32>
    %mul3A_279 = arith.mulf %mul3A_278, %mul3A_275 : vector<16xf32>
    %mul3A_280 = arith.mulf %mul3A_279, %mul3A_275 : vector<16xf32>
    %sub3A_281 = arith.constant 1.500000e+00 : f32
    %sub3A_282 = vector.broadcast %sub3A_281 : f32 to vector<16xf32>
    %sub3A_283 = arith.subf %sub3A_282, %mul3A_280 : vector<16xf32>
    %mul3A_284 = arith.mulf %mul3A_275, %sub3A_283 : vector<16xf32>
    %mul3A_285 = arith.constant 5.000000e-01 : f32
    %mul3A_286 = vector.broadcast %mul3A_285 : f32 to vector<16xf32>
    %mul3A_287 = arith.mulf %mul3A_286, %add3A_258 : vector<16xf32>
    %mul3A_288 = arith.mulf %mul3A_287, %mul3A_284 : vector<16xf32>
    %mul3A_289 = arith.mulf %mul3A_288, %mul3A_284 : vector<16xf32>
    %sub3A_290 = arith.constant 1.500000e+00 : f32
    %sub3A_291 = vector.broadcast %sub3A_290 : f32 to vector<16xf32>
    %sub3A_292 = arith.subf %sub3A_291, %mul3A_289 : vector<16xf32>
    %mul3A_293 = arith.mulf %mul3A_284, %sub3A_292 : vector<16xf32>
    %swap3A_294 = arith.constant 16 : index
    %swap3A_295 = tpu.vector_load %arg12[%swap3A_294] {strides = array<i32>} : memref<640xf32, #tpu.memory_space<vmem>>, vector<16xf32>,
    tpu.vector_store %arg12[%swap3A_294], %mul3A_293 {strides = array<i32>} : memref<640xf32, #tpu.memory_space<vmem>>, vector<16xf32>,
    %get3A_296 = arith.constant 0 : i32
    %get3A_297 = arith.index_cast %get3A_296 : i32 to index
    %get3A_298 = arith.constant 32 : index
    %get3A_299 = tpu.vector_load %arg11[%get3A_297, %get3A_298] {strides = array<i32>} : memref<5x128xf32, #tpu.memory_space<vmem>>, vector<16xf32>,
    %add3A_300 = arith.constant 1.000000e+00 : f32
    %add3A_301 = vector.broadcast %add3A_300 : f32 to vector<16xf32>
    %add3A_302 = arith.addf %get3A_299, %add3A_301 : vector<16xf32>
    %bitcast3A_303 = vector.bitcast %add3A_302 : vector<16xf32> to vector<16xi32>
    %shift_right_arithmetic3A_304 = arith.constant 1 : i32
    %shift_right_arithmetic3A_305 = vector.broadcast %shift_right_arithmetic3A_304 : i32 to vector<16xi32>
    %shift_right_arithmetic3A_306 = arith.shrsi %bitcast3A_303, %shift_right_arithmetic3A_305 : vector<16xi32>
    %sub3A_307 = arith.constant 1597463007 : i32
    %sub3A_308 = vector.broadcast %sub3A_307 : i32 to vector<16xi32>
    %sub3A_309 = arith.subi %sub3A_308, %shift_right_arithmetic3A_306 : vector<16xi32>
    %bitcast3A_310 = vector.bitcast %sub3A_309 : vector<16xi32> to vector<16xf32>
    %mul3A_311 = arith.constant 5.000000e-01 : f32
    %mul3A_312 = vector.broadcast %mul3A_311 : f32 to vector<16xf32>
    %mul3A_313 = arith.mulf %mul3A_312, %add3A_302 : vector<16xf32>
    %mul3A_314 = arith.mulf %mul3A_313, %bitcast3A_310 : vector<16xf32>
    %mul3A_315 = arith.mulf %mul3A_314, %bitcast3A_310 : vector<16xf32>
    %sub3A_316 = arith.constant 1.500000e+00 : f32
    %sub3A_317 = vector.broadcast %sub3A_316 : f32 to vector<16xf32>
    %sub3A_318 = arith.subf %sub3A_317, %mul3A_315 : vector<16xf32>
    %mul3A_319 = arith.mulf %bitcast3A_310, %sub3A_318 : vector<16xf32>
    %mul3A_320 = arith.constant 5.000000e-01 : f32
    %mul3A_321 = vector.broadcast %mul3A_320 : f32 to vector<16xf32>
    %mul3A_322 = arith.mulf %mul3A_321, %add3A_302 : vector<16xf32>
    %mul3A_323 = arith.mulf %mul3A_322, %mul3A_319 : vector<16xf32>
    %mul3A_324 = arith.mulf %mul3A_323, %mul3A_319 : vector<16xf32>
    %sub3A_325 = arith.constant 1.500000e+00 : f32
    %sub3A_326 = vector.broadcast %sub3A_325 : f32 to vector<16xf32>
    %sub3A_327 = arith.subf %sub3A_326, %mul3A_324 : vector<16xf32>
    %mul3A_328 = arith.mulf %mul3A_319, %sub3A_327 : vector<16xf32>
    %mul3A_329 = arith.constant 5.000000e-01 : f32
    %mul3A_330 = vector.broadcast %mul3A_329 : f32 to vector<16xf32>
    %mul3A_331 = arith.mulf %mul3A_330, %add3A_302 : vector<16xf32>
    %mul3A_332 = arith.mulf %mul3A_331, %mul3A_328 : vector<16xf32>
    %mul3A_333 = arith.mulf %mul3A_332, %mul3A_328 : vector<16xf32>
    %sub3A_334 = arith.constant 1.500000e+00 : f32
    %sub3A_335 = vector.broadcast %sub3A_334 : f32 to vector<16xf32>
    %sub3A_336 = arith.subf %sub3A_335, %mul3A_333 : vector<16xf32>
    %mul3A_337 = arith.mulf %mul3A_328, %sub3A_336 : vector<16xf32>
    %swap3A_338 = arith.constant 32 : index
    %swap3A_339 = tpu.vector_load %arg12[%swap3A_338] {strides = array<i32>} : memref<640xf32, #tpu.memory_space<vmem>>, vector<16xf32>,
    tpu.vector_store %arg12[%swap3A_338], %mul3A_337 {strides = array<i32>} : memref<640xf32, #tpu.memory_space<vmem>>, vector<16xf32>,
    %get3A_340 = arith.constant 0 : i32
    %get3A_341 = arith.index_cast %get3A_340 : i32 to index
    %get3A_342 = arith.constant 48 : index
    %get3A_343 = tpu.vector_load %arg11[%get3A_341, %get3A_342] {strides = array<i32>} : memref<5x128xf32, #tpu.memory_space<vmem>>, vector<16xf32>,
    %add3A_344 = arith.constant 1.000000e+00 : f32
    %add3A_345 = vector.broadcast %add3A_344 : f32 to vector<16xf32>
    %add3A_346 = arith.addf %get3A_343, %add3A_345 : vector<16xf32>
    %bitcast3A_347 = vector.bitcast %add3A_346 : vector<16xf32> to vector<16xi32>
    %shift_right_arithmetic3A_348 = arith.constant 1 : i32
    %shift_right_arithmetic3A_349 = vector.broadcast %shift_right_arithmetic3A_348 : i32 to vector<16xi32>
    %shift_right_arithmetic3A_350 = arith.shrsi %bitcast3A_347, %shift_right_arithmetic3A_349 : vector<16xi32>
    %sub3A_351 = arith.constant 1597463007 : i32
    %sub3A_352 = vector.broadcast %sub3A_351 : i32 to vector<16xi32>
    %sub3A_353 = arith.subi %sub3A_352, %shift_right_arithmetic3A_350 : vector<16xi32>
    %bitcast3A_354 = vector.bitcast %sub3A_353 : vector<16xi32> to vector<16xf32>
    %mul3A_355 = arith.constant 5.000000e-01 : f32
    %mul3A_356 = vector.broadcast %mul3A_355 : f32 to vector<16xf32>
    %mul3A_357 = arith.mulf %mul3A_356, %add3A_346 : vector<16xf32>
    %mul3A_358 = arith.mulf %mul3A_357, %bitcast3A_354 : vector<16xf32>
    %mul3A_359 = arith.mulf %mul3A_358, %bitcast3A_354 : vector<16xf32>
    %sub3A_360 = arith.constant 1.500000e+00 : f32
    %sub3A_361 = vector.broadcast %sub3A_360 : f32 to vector<16xf32>
    %sub3A_362 = arith.subf %sub3A_361, %mul3A_359 : vector<16xf32>
    %mul3A_363 = arith.mulf %bitcast3A_354, %sub3A_362 : vector<16xf32>
    %mul3A_364 = arith.constant 5.000000e-01 : f32
    %mul3A_365 = vector.broadcast %mul3A_364 : f32 to vector<16xf32>
    %mul3A_366 = arith.mulf %mul3A_365, %add3A_346 : vector<16xf32>
    %mul3A_367 = arith.mulf %mul3A_366, %mul3A_363 : vector<16xf32>
    %mul3A_368 = arith.mulf %mul3A_367, %mul3A_363 : vector<16xf32>
    %sub3A_369 = arith.constant 1.500000e+00 : f32
    %sub3A_370 = vector.broadcast %sub3A_369 : f32 to vector<16xf32>
    %sub3A_371 = arith.subf %sub3A_370, %mul3A_368 : vector<16xf32>
    %mul3A_372 = arith.mulf %mul3A_363, %sub3A_371 : vector<16xf32>
    %mul3A_373 = arith.constant 5.000000e-01 : f32
    %mul3A_374 = vector.broadcast %mul3A_373 : f32 to vector<16xf32>
    %mul3A_375 = arith.mulf %mul3A_374, %add3A_346 : vector<16xf32>
    %mul3A_376 = arith.mulf %mul3A_375, %mul3A_372 : vector<16xf32>
    %mul3A_377 = arith.mulf %mul3A_376, %mul3A_372 : vector<16xf32>
    %sub3A_378 = arith.constant 1.500000e+00 : f32
    %sub3A_379 = vector.broadcast %sub3A_378 : f32 to vector<16xf32>
    %sub3A_380 = arith.subf %sub3A_379, %mul3A_377 : vector<16xf32>
    %mul3A_381 = arith.mulf %mul3A_372, %sub3A_380 : vector<16xf32>
    %swap3A_382 = arith.constant 48 : index
    %swap3A_383 = tpu.vector_load %arg12[%swap3A_382] {strides = array<i32>} : memref<640xf32, #tpu.memory_space<vmem>>, vector<16xf32>,
    tpu.vector_store %arg12[%swap3A_382], %mul3A_381 {strides = array<i32>} : memref<640xf32, #tpu.memory_space<vmem>>, vector<16xf32>,
    %get3A_384 = arith.constant 0 : i32
    %get3A_385 = arith.index_cast %get3A_384 : i32 to index
    %get3A_386 = arith.constant 64 : index
    %get3A_387 = tpu.vector_load %arg11[%get3A_385, %get3A_386] {strides = array<i32>} : memref<5x128xf32, #tpu.memory_space<vmem>>, vector<16xf32>,
    %add3A_388 = arith.constant 1.000000e+00 : f32
    %add3A_389 = vector.broadcast %add3A_388 : f32 to vector<16xf32>
    %add3A_390 = arith.addf %get3A_387, %add3A_389 : vector<16xf32>
    %bitcast3A_391 = vector.bitcast %add3A_390 : vector<16xf32> to vector<16xi32>
    %shift_right_arithmetic3A_392 = arith.constant 1 : i32
    %shift_right_arithmetic3A_393 = vector.broadcast %shift_right_arithmetic3A_392 : i32 to vector<16xi32>
    %shift_right_arithmetic3A_394 = arith.shrsi %bitcast3A_391, %shift_right_arithmetic3A_393 : vector<16xi32>
    %sub3A_395 = arith.constant 1597463007 : i32
    %sub3A_396 = vector.broadcast %sub3A_395 : i32 to vector<16xi32>
    %sub3A_397 = arith.subi %sub3A_396, %shift_right_arithmetic3A_394 : vector<16xi32>
    %bitcast3A_398 = vector.bitcast %sub3A_397 : vector<16xi32> to vector<16xf32>
    %mul3A_399 = arith.constant 5.000000e-01 : f32
    %mul3A_400 = vector.broadcast %mul3A_399 : f32 to vector<16xf32>
    %mul3A_401 = arith.mulf %mul3A_400, %add3A_390 : vector<16xf32>
    %mul3A_402 = arith.mulf %mul3A_401, %bitcast3A_398 : vector<16xf32>
    %mul3A_403 = arith.mulf %mul3A_402, %bitcast3A_398 : vector<16xf32>
    %sub3A_404 = arith.constant 1.500000e+00 : f32
    %sub3A_405 = vector.broadcast %sub3A_404 : f32 to vector<16xf32>
    %sub3A_406 = arith.subf %sub3A_405, %mul3A_403 : vector<16xf32>
    %mul3A_407 = arith.mulf %bitcast3A_398, %sub3A_406 : vector<16xf32>
    %mul3A_408 = arith.constant 5.000000e-01 : f32
    %mul3A_409 = vector.broadcast %mul3A_408 : f32 to vector<16xf32>
    %mul3A_410 = arith.mulf %mul3A_409, %add3A_390 : vector<16xf32>
    %mul3A_411 = arith.mulf %mul3A_410, %mul3A_407 : vector<16xf32>
    %mul3A_412 = arith.mulf %mul3A_411, %mul3A_407 : vector<16xf32>
    %sub3A_413 = arith.constant 1.500000e+00 : f32
    %sub3A_414 = vector.broadcast %sub3A_413 : f32 to vector<16xf32>
    %sub3A_415 = arith.subf %sub3A_414, %mul3A_412 : vector<16xf32>
    %mul3A_416 = arith.mulf %mul3A_407, %sub3A_415 : vector<16xf32>
    %mul3A_417 = arith.constant 5.000000e-01 : f32
    %mul3A_418 = vector.broadcast %mul3A_417 : f32 to vector<16xf32>
    %mul3A_419 = arith.mulf %mul3A_418, %add3A_390 : vector<16xf32>
    %mul3A_420 = arith.mulf %mul3A_419, %mul3A_416 : vector<16xf32>
    %mul3A_421 = arith.mulf %mul3A_420, %mul3A_416 : vector<16xf32>
    %sub3A_422 = arith.constant 1.500000e+00 : f32
    %sub3A_423 = vector.broadcast %sub3A_422 : f32 to vector<16xf32>
    %sub3A_424 = arith.subf %sub3A_423, %mul3A_421 : vector<16xf32>
    %mul3A_425 = arith.mulf %mul3A_416, %sub3A_424 : vector<16xf32>
    %swap3A_426 = arith.constant 64 : index
    %swap3A_427 = tpu.vector_load %arg12[%swap3A_426] {strides = array<i32>} : memref<640xf32, #tpu.memory_space<vmem>>, vector<16xf32>,
    tpu.vector_store %arg12[%swap3A_426], %mul3A_425 {strides = array<i32>} : memref<640xf32, #tpu.memory_space<vmem>>, vector<16xf32>,
    %get3A_428 = arith.constant 0 : i32
    %get3A_429 = arith.index_cast %get3A_428 : i32 to index
    %get3A_430 = arith.constant 80 : index
    %get3A_431 = tpu.vector_load %arg11[%get3A_429, %get3A_430] {strides = array<i32>} : memref<5x128xf32, #tpu.memory_space<vmem>>, vector<16xf32>,
    %add3A_432 = arith.constant 1.000000e+00 : f32
    %add3A_433 = vector.broadcast %add3A_432 : f32 to vector<16xf32>
    %add3A_434 = arith.addf %get3A_431, %add3A_433 : vector<16xf32>
    %bitcast3A_435 = vector.bitcast %add3A_434 : vector<16xf32> to vector<16xi32>
    %shift_right_arithmetic3A_436 = arith.constant 1 : i32
    %shift_right_arithmetic3A_437 = vector.broadcast %shift_right_arithmetic3A_436 : i32 to vector<16xi32>
    %shift_right_arithmetic3A_438 = arith.shrsi %bitcast3A_435, %shift_right_arithmetic3A_437 : vector<16xi32>
    %sub3A_439 = arith.constant 1597463007 : i32
    %sub3A_440 = vector.broadcast %sub3A_439 : i32 to vector<16xi32>
    %sub3A_441 = arith.subi %sub3A_440, %shift_right_arithmetic3A_438 : vector<16xi32>
    %bitcast3A_442 = vector.bitcast %sub3A_441 : vector<16xi32> to vector<16xf32>
    %mul3A_443 = arith.constant 5.000000e-01 : f32
    %mul3A_444 = vector.broadcast %mul3A_443 : f32 to vector<16xf32>
    %mul3A_445 = arith.mulf %mul3A_444, %add3A_434 : vector<16xf32>
    %mul3A_446 = arith.mulf %mul3A_445, %bitcast3A_442 : vector<16xf32>
    %mul3A_447 = arith.mulf %mul3A_446, %bitcast3A_442 : vector<16xf32>
    %sub3A_448 = arith.constant 1.500000e+00 : f32
    %sub3A_449 = vector.broadcast %sub3A_448 : f32 to vector<16xf32>
    %sub3A_450 = arith.subf %sub3A_449, %mul3A_447 : vector<16xf32>
    %mul3A_451 = arith.mulf %bitcast3A_442, %sub3A_450 : vector<16xf32>
    %mul3A_452 = arith.constant 5.000000e-01 : f32
    %mul3A_453 = vector.broadcast %mul3A_452 : f32 to vector<16xf32>
    %mul3A_454 = arith.mulf %mul3A_453, %add3A_434 : vector<16xf32>
    %mul3A_455 = arith.mulf %mul3A_454, %mul3A_451 : vector<16xf32>
    %mul3A_456 = arith.mulf %mul3A_455, %mul3A_451 : vector<16xf32>
    %sub3A_457 = arith.constant 1.500000e+00 : f32
    %sub3A_458 = vector.broadcast %sub3A_457 : f32 to vector<16xf32>
    %sub3A_459 = arith.subf %sub3A_458, %mul3A_456 : vector<16xf32>
    %mul3A_460 = arith.mulf %mul3A_451, %sub3A_459 : vector<16xf32>
    %mul3A_461 = arith.constant 5.000000e-01 : f32
    %mul3A_462 = vector.broadcast %mul3A_461 : f32 to vector<16xf32>
    %mul3A_463 = arith.mulf %mul3A_462, %add3A_434 : vector<16xf32>
    %mul3A_464 = arith.mulf %mul3A_463, %mul3A_460 : vector<16xf32>
    %mul3A_465 = arith.mulf %mul3A_464, %mul3A_460 : vector<16xf32>
    %sub3A_466 = arith.constant 1.500000e+00 : f32
    %sub3A_467 = vector.broadcast %sub3A_466 : f32 to vector<16xf32>
    %sub3A_468 = arith.subf %sub3A_467, %mul3A_465 : vector<16xf32>
    %mul3A_469 = arith.mulf %mul3A_460, %sub3A_468 : vector<16xf32>
    %swap3A_470 = arith.constant 80 : index
    %swap3A_471 = tpu.vector_load %arg12[%swap3A_470] {strides = array<i32>} : memref<640xf32, #tpu.memory_space<vmem>>, vector<16xf32>,
    tpu.vector_store %arg12[%swap3A_470], %mul3A_469 {strides = array<i32>} : memref<640xf32, #tpu.memory_space<vmem>>, vector<16xf32>,
    %get3A_472 = arith.constant 0 : i32
    %get3A_473 = arith.index_cast %get3A_472 : i32 to index
    %get3A_474 = arith.constant 96 : index
    %get3A_475 = tpu.vector_load %arg11[%get3A_473, %get3A_474] {strides = array<i32>} : memref<5x128xf32, #tpu.memory_space<vmem>>, vector<16xf32>,
    %add3A_476 = arith.constant 1.000000e+00 : f32
    %add3A_477 = vector.broadcast %add3A_476 : f32 to vector<16xf32>
    %add3A_478 = arith.addf %get3A_475, %add3A_477 : vector<16xf32>
    %bitcast3A_479 = vector.bitcast %add3A_478 : vector<16xf32> to vector<16xi32>
    %shift_right_arithmetic3A_480 = arith.constant 1 : i32
    %shift_right_arithmetic3A_481 = vector.broadcast %shift_right_arithmetic3A_480 : i32 to vector<16xi32>
    %shift_right_arithmetic3A_482 = arith.shrsi %bitcast3A_479, %shift_right_arithmetic3A_481 : vector<16xi32>
    %sub3A_483 = arith.constant 1597463007 : i32
    %sub3A_484 = vector.broadcast %sub3A_483 : i32 to vector<16xi32>
    %sub3A_485 = arith.subi %sub3A_484, %shift_right_arithmetic3A_482 : vector<16xi32>
    %bitcast3A_486 = vector.bitcast %sub3A_485 : vector<16xi32> to vector<16xf32>
    %mul3A_487 = arith.constant 5.000000e-01 : f32
    %mul3A_488 = vector.broadcast %mul3A_487 : f32 to vector<16xf32>
    %mul3A_489 = arith.mulf %mul3A_488, %add3A_478 : vector<16xf32>
    %mul3A_490 = arith.mulf %mul3A_489, %bitcast3A_486 : vector<16xf32>
    %mul3A_491 = arith.mulf %mul3A_490, %bitcast3A_486 : vector<16xf32>
    %sub3A_492 = arith.constant 1.500000e+00 : f32
    %sub3A_493 = vector.broadcast %sub3A_492 : f32 to vector<16xf32>
    %sub3A_494 = arith.subf %sub3A_493, %mul3A_491 : vector<16xf32>
    %mul3A_495 = arith.mulf %bitcast3A_486, %sub3A_494 : vector<16xf32>
    %mul3A_496 = arith.constant 5.000000e-01 : f32
    %mul3A_497 = vector.broadcast %mul3A_496 : f32 to vector<16xf32>
    %mul3A_498 = arith.mulf %mul3A_497, %add3A_478 : vector<16xf32>
    %mul3A_499 = arith.mulf %mul3A_498, %mul3A_495 : vector<16xf32>
    %mul3A_500 = arith.mulf %mul3A_499, %mul3A_495 : vector<16xf32>
    %sub3A_501 = arith.constant 1.500000e+00 : f32
    %sub3A_502 = vector.broadcast %sub3A_501 : f32 to vector<16xf32>
    %sub3A_503 = arith.subf %sub3A_502, %mul3A_500 : vector<16xf32>
    %mul3A_504 = arith.mulf %mul3A_495, %sub3A_503 : vector<16xf32>
    %mul3A_505 = arith.constant 5.000000e-01 : f32
    %mul3A_506 = vector.broadcast %mul3A_505 : f32 to vector<16xf32>
    %mul3A_507 = arith.mulf %mul3A_506, %add3A_478 : vector<16xf32>
    %mul3A_508 = arith.mulf %mul3A_507, %mul3A_504 : vector<16xf32>
    %mul3A_509 = arith.mulf %mul3A_508, %mul3A_504 : vector<16xf32>
    %sub3A_510 = arith.constant 1.500000e+00 : f32
    %sub3A_511 = vector.broadcast %sub3A_510 : f32 to vector<16xf32>
    %sub3A_512 = arith.subf %sub3A_511, %mul3A_509 : vector<16xf32>
    %mul3A_513 = arith.mulf %mul3A_504, %sub3A_512 : vector<16xf32>
    %swap3A_514 = arith.constant 96 : index
    %swap3A_515 = tpu.vector_load %arg12[%swap3A_514] {strides = array<i32>} : memref<640xf32, #tpu.memory_space<vmem>>, vector<16xf32>,
    tpu.vector_store %arg12[%swap3A_514], %mul3A_513 {strides = array<i32>} : memref<640xf32, #tpu.memory_space<vmem>>, vector<16xf32>,
    %get3A_516 = arith.constant 0 : i32
    %get3A_517 = arith.index_cast %get3A_516 : i32 to index
    %get3A_518 = arith.constant 112 : index
    %get3A_519 = tpu.vector_load %arg11[%get3A_517, %get3A_518] {strides = array<i32>} : memref<5x128xf32, #tpu.memory_space<vmem>>, vector<16xf32>,
    %add3A_520 = arith.constant 1.000000e+00 : f32
    %add3A_521 = vector.broadcast %add3A_520 : f32 to vector<16xf32>
    %add3A_522 = arith.addf %get3A_519, %add3A_521 : vector<16xf32>
    %bitcast3A_523 = vector.bitcast %add3A_522 : vector<16xf32> to vector<16xi32>
    %shift_right_arithmetic3A_524 = arith.constant 1 : i32
    %shift_right_arithmetic3A_525 = vector.broadcast %shift_right_arithmetic3A_524 : i32 to vector<16xi32>
    %shift_right_arithmetic3A_526 = arith.shrsi %bitcast3A_523, %shift_right_arithmetic3A_525 : vector<16xi32>
    %sub3A_527 = arith.constant 1597463007 : i32
    %sub3A_528 = vector.broadcast %sub3A_527 : i32 to vector<16xi32>
    %sub3A_529 = arith.subi %sub3A_528, %shift_right_arithmetic3A_526 : vector<16xi32>
    %bitcast3A_530 = vector.bitcast %sub3A_529 : vector<16xi32> to vector<16xf32>
    %mul3A_531 = arith.constant 5.000000e-01 : f32
    %mul3A_532 = vector.broadcast %mul3A_531 : f32 to vector<16xf32>
    %mul3A_533 = arith.mulf %mul3A_532, %add3A_522 : vector<16xf32>
    %mul3A_534 = arith.mulf %mul3A_533, %bitcast3A_530 : vector<16xf32>
    %mul3A_535 = arith.mulf %mul3A_534, %bitcast3A_530 : vector<16xf32>
    %sub3A_536 = arith.constant 1.500000e+00 : f32
    %sub3A_537 = vector.broadcast %sub3A_536 : f32 to vector<16xf32>
    %sub3A_538 = arith.subf %sub3A_537, %mul3A_535 : vector<16xf32>
    %mul3A_539 = arith.mulf %bitcast3A_530, %sub3A_538 : vector<16xf32>
    %mul3A_540 = arith.constant 5.000000e-01 : f32
    %mul3A_541 = vector.broadcast %mul3A_540 : f32 to vector<16xf32>
    %mul3A_542 = arith.mulf %mul3A_541, %add3A_522 : vector<16xf32>
    %mul3A_543 = arith.mulf %mul3A_542, %mul3A_539 : vector<16xf32>
    %mul3A_544 = arith.mulf %mul3A_543, %mul3A_539 : vector<16xf32>
    %sub3A_545 = arith.constant 1.500000e+00 : f32
    %sub3A_546 = vector.broadcast %sub3A_545 : f32 to vector<16xf32>
    %sub3A_547 = arith.subf %sub3A_546, %mul3A_544 : vector<16xf32>
    %mul3A_548 = arith.mulf %mul3A_539, %sub3A_547 : vector<16xf32>
    %mul3A_549 = arith.constant 5.000000e-01 : f32
    %mul3A_550 = vector.broadcast %mul3A_549 : f32 to vector<16xf32>
    %mul3A_551 = arith.mulf %mul3A_550, %add3A_522 : vector<16xf32>
    %mul3A_552 = arith.mulf %mul3A_551, %mul3A_548 : vector<16xf32>
    %mul3A_553 = arith.mulf %mul3A_552, %mul3A_548 : vector<16xf32>
    %sub3A_554 = arith.constant 1.500000e+00 : f32
    %sub3A_555 = vector.broadcast %sub3A_554 : f32 to vector<16xf32>
    %sub3A_556 = arith.subf %sub3A_555, %mul3A_553 : vector<16xf32>
    %mul3A_557 = arith.mulf %mul3A_548, %sub3A_556 : vector<16xf32>
    %swap3A_558 = arith.constant 112 : index
    %swap3A_559 = tpu.vector_load %arg12[%swap3A_558] {strides = array<i32>} : memref<640xf32, #tpu.memory_space<vmem>>, vector<16xf32>,
    tpu.vector_store %arg12[%swap3A_558], %mul3A_557 {strides = array<i32>} : memref<640xf32, #tpu.memory_space<vmem>>, vector<16xf32>,
    %get3A_560 = arith.constant 1 : i32
    %get3A_561 = arith.index_cast %get3A_560 : i32 to index
    %get3A_562 = arith.constant 0 : index
    %get3A_563 = tpu.vector_load %arg11[%get3A_561, %get3A_562] {strides = array<i32>} : memref<5x128xf32, #tpu.memory_space<vmem>>, vector<16xf32>,
    %add3A_564 = arith.constant 1.000000e+00 : f32
    %add3A_565 = vector.broadcast %add3A_564 : f32 to vector<16xf32>
    %add3A_566 = arith.addf %get3A_563, %add3A_565 : vector<16xf32>
    %bitcast3A_567 = vector.bitcast %add3A_566 : vector<16xf32> to vector<16xi32>
    %shift_right_arithmetic3A_568 = arith.constant 1 : i32
    %shift_right_arithmetic3A_569 = vector.broadcast %shift_right_arithmetic3A_568 : i32 to vector<16xi32>
    %shift_right_arithmetic3A_570 = arith.shrsi %bitcast3A_567, %shift_right_arithmetic3A_569 : vector<16xi32>
    %sub3A_571 = arith.constant 1597463007 : i32
    %sub3A_572 = vector.broadcast %sub3A_571 : i32 to vector<16xi32>
    %sub3A_573 = arith.subi %sub3A_572, %shift_right_arithmetic3A_570 : vector<16xi32>
    %bitcast3A_574 = vector.bitcast %sub3A_573 : vector<16xi32> to vector<16xf32>
    %mul3A_575 = arith.constant 5.000000e-01 : f32
    %mul3A_576 = vector.broadcast %mul3A_575 : f32 to vector<16xf32>
    %mul3A_577 = arith.mulf %mul3A_576, %add3A_566 : vector<16xf32>
    %mul3A_578 = arith.mulf %mul3A_577, %bitcast3A_574 : vector<16xf32>
    %mul3A_579 = arith.mulf %mul3A_578, %bitcast3A_574 : vector<16xf32>
    %sub3A_580 = arith.constant 1.500000e+00 : f32
    %sub3A_581 = vector.broadcast %sub3A_580 : f32 to vector<16xf32>
    %sub3A_582 = arith.subf %sub3A_581, %mul3A_579 : vector<16xf32>
    %mul3A_583 = arith.mulf %bitcast3A_574, %sub3A_582 : vector<16xf32>
    %mul3A_584 = arith.constant 5.000000e-01 : f32
    %mul3A_585 = vector.broadcast %mul3A_584 : f32 to vector<16xf32>
    %mul3A_586 = arith.mulf %mul3A_585, %add3A_566 : vector<16xf32>
    %mul3A_587 = arith.mulf %mul3A_586, %mul3A_583 : vector<16xf32>
    %mul3A_588 = arith.mulf %mul3A_587, %mul3A_583 : vector<16xf32>
    %sub3A_589 = arith.constant 1.500000e+00 : f32
    %sub3A_590 = vector.broadcast %sub3A_589 : f32 to vector<16xf32>
    %sub3A_591 = arith.subf %sub3A_590, %mul3A_588 : vector<16xf32>
    %mul3A_592 = arith.mulf %mul3A_583, %sub3A_591 : vector<16xf32>
    %mul3A_593 = arith.constant 5.000000e-01 : f32
    %mul3A_594 = vector.broadcast %mul3A_593 : f32 to vector<16xf32>
    %mul3A_595 = arith.mulf %mul3A_594, %add3A_566 : vector<16xf32>
    %mul3A_596 = arith.mulf %mul3A_595, %mul3A_592 : vector<16xf32>
    %mul3A_597 = arith.mulf %mul3A_596, %mul3A_592 : vector<16xf32>
    %sub3A_598 = arith.constant 1.500000e+00 : f32
    %sub3A_599 = vector.broadcast %sub3A_598 : f32 to vector<16xf32>
    %sub3A_600 = arith.subf %sub3A_599, %mul3A_597 : vector<16xf32>
    %mul3A_601 = arith.mulf %mul3A_592, %sub3A_600 : vector<16xf32>
    %swap3A_602 = arith.constant 128 : index
    %swap3A_603 = tpu.vector_load %arg12[%swap3A_602] {strides = array<i32>} : memref<640xf32, #tpu.memory_space<vmem>>, vector<16xf32>,
    tpu.vector_store %arg12[%swap3A_602], %mul3A_601 {strides = array<i32>} : memref<640xf32, #tpu.memory_space<vmem>>, vector<16xf32>,
    %get3A_604 = arith.constant 1 : i32
    %get3A_605 = arith.index_cast %get3A_604 : i32 to index
    %get3A_606 = arith.constant 16 : index
    %get3A_607 = tpu.vector_load %arg11[%get3A_605, %get3A_606] {strides = array<i32>} : memref<5x128xf32, #tpu.memory_space<vmem>>, vector<16xf32>,
    %add3A_608 = arith.constant 1.000000e+00 : f32
    %add3A_609 = vector.broadcast %add3A_608 : f32 to vector<16xf32>
    %add3A_610 = arith.addf %get3A_607, %add3A_609 : vector<16xf32>
    %bitcast3A_611 = vector.bitcast %add3A_610 : vector<16xf32> to vector<16xi32>
    %shift_right_arithmetic3A_612 = arith.constant 1 : i32
    %shift_right_arithmetic3A_613 = vector.broadcast %shift_right_arithmetic3A_612 : i32 to vector<16xi32>
    %shift_right_arithmetic3A_614 = arith.shrsi %bitcast3A_611, %shift_right_arithmetic3A_613 : vector<16xi32>
    %sub3A_615 = arith.constant 1597463007 : i32
    %sub3A_616 = vector.broadcast %sub3A_615 : i32 to vector<16xi32>
    %sub3A_617 = arith.subi %sub3A_616, %shift_right_arithmetic3A_614 : vector<16xi32>
    %bitcast3A_618 = vector.bitcast %sub3A_617 : vector<16xi32> to vector<16xf32>
    %mul3A_619 = arith.constant 5.000000e-01 : f32
    %mul3A_620 = vector.broadcast %mul3A_619 : f32 to vector<16xf32>
    %mul3A_621 = arith.mulf %mul3A_620, %add3A_610 : vector<16xf32>
    %mul3A_622 = arith.mulf %mul3A_621, %bitcast3A_618 : vector<16xf32>
    %mul3A_623 = arith.mulf %mul3A_622, %bitcast3A_618 : vector<16xf32>
    %sub3A_624 = arith.constant 1.500000e+00 : f32
    %sub3A_625 = vector.broadcast %sub3A_624 : f32 to vector<16xf32>
    %sub3A_626 = arith.subf %sub3A_625, %mul3A_623 : vector<16xf32>
    %mul3A_627 = arith.mulf %bitcast3A_618, %sub3A_626 : vector<16xf32>
    %mul3A_628 = arith.constant 5.000000e-01 : f32
    %mul3A_629 = vector.broadcast %mul3A_628 : f32 to vector<16xf32>
    %mul3A_630 = arith.mulf %mul3A_629, %add3A_610 : vector<16xf32>
    %mul3A_631 = arith.mulf %mul3A_630, %mul3A_627 : vector<16xf32>
    %mul3A_632 = arith.mulf %mul3A_631, %mul3A_627 : vector<16xf32>
    %sub3A_633 = arith.constant 1.500000e+00 : f32
    %sub3A_634 = vector.broadcast %sub3A_633 : f32 to vector<16xf32>
    %sub3A_635 = arith.subf %sub3A_634, %mul3A_632 : vector<16xf32>
    %mul3A_636 = arith.mulf %mul3A_627, %sub3A_635 : vector<16xf32>
    %mul3A_637 = arith.constant 5.000000e-01 : f32
    %mul3A_638 = vector.broadcast %mul3A_637 : f32 to vector<16xf32>
    %mul3A_639 = arith.mulf %mul3A_638, %add3A_610 : vector<16xf32>
    %mul3A_640 = arith.mulf %mul3A_639, %mul3A_636 : vector<16xf32>
    %mul3A_641 = arith.mulf %mul3A_640, %mul3A_636 : vector<16xf32>
    %sub3A_642 = arith.constant 1.500000e+00 : f32
    %sub3A_643 = vector.broadcast %sub3A_642 : f32 to vector<16xf32>
    %sub3A_644 = arith.subf %sub3A_643, %mul3A_641 : vector<16xf32>
    %mul3A_645 = arith.mulf %mul3A_636, %sub3A_644 : vector<16xf32>
    %swap3A_646 = arith.constant 144 : index
    %swap3A_647 = tpu.vector_load %arg12[%swap3A_646] {strides = array<i32>} : memref<640xf32, #tpu.memory_space<vmem>>, vector<16xf32>,
    tpu.vector_store %arg12[%swap3A_646], %mul3A_645 {strides = array<i32>} : memref<640xf32, #tpu.memory_space<vmem>>, vector<16xf32>,
    %get3A_648 = arith.constant 1 : i32
    %get3A_649 = arith.index_cast %get3A_648 : i32 to index
    %get3A_650 = arith.constant 32 : index
    %get3A_651 = tpu.vector_load %arg11[%get3A_649, %get3A_650] {strides = array<i32>} : memref<5x128xf32, #tpu.memory_space<vmem>>, vector<16xf32>,
    %add3A_652 = arith.constant 1.000000e+00 : f32
    %add3A_653 = vector.broadcast %add3A_652 : f32 to vector<16xf32>
    %add3A_654 = arith.addf %get3A_651, %add3A_653 : vector<16xf32>
    %bitcast3A_655 = vector.bitcast %add3A_654 : vector<16xf32> to vector<16xi32>
    %shift_right_arithmetic3A_656 = arith.constant 1 : i32
    %shift_right_arithmetic3A_657 = vector.broadcast %shift_right_arithmetic3A_656 : i32 to vector<16xi32>
    %shift_right_arithmetic3A_658 = arith.shrsi %bitcast3A_655, %shift_right_arithmetic3A_657 : vector<16xi32>
    %sub3A_659 = arith.constant 1597463007 : i32
    %sub3A_660 = vector.broadcast %sub3A_659 : i32 to vector<16xi32>
    %sub3A_661 = arith.subi %sub3A_660, %shift_right_arithmetic3A_658 : vector<16xi32>
    %bitcast3A_662 = vector.bitcast %sub3A_661 : vector<16xi32> to vector<16xf32>
    %mul3A_663 = arith.constant 5.000000e-01 : f32
    %mul3A_664 = vector.broadcast %mul3A_663 : f32 to vector<16xf32>
    %mul3A_665 = arith.mulf %mul3A_664, %add3A_654 : vector<16xf32>
    %mul3A_666 = arith.mulf %mul3A_665, %bitcast3A_662 : vector<16xf32>
    %mul3A_667 = arith.mulf %mul3A_666, %bitcast3A_662 : vector<16xf32>
    %sub3A_668 = arith.constant 1.500000e+00 : f32
    %sub3A_669 = vector.broadcast %sub3A_668 : f32 to vector<16xf32>
    %sub3A_670 = arith.subf %sub3A_669, %mul3A_667 : vector<16xf32>
    %mul3A_671 = arith.mulf %bitcast3A_662, %sub3A_670 : vector<16xf32>
    %mul3A_672 = arith.constant 5.000000e-01 : f32
    %mul3A_673 = vector.broadcast %mul3A_672 : f32 to vector<16xf32>
    %mul3A_674 = arith.mulf %mul3A_673, %add3A_654 : vector<16xf32>
    %mul3A_675 = arith.mulf %mul3A_674, %mul3A_671 : vector<16xf32>
    %mul3A_676 = arith.mulf %mul3A_675, %mul3A_671 : vector<16xf32>
    %sub3A_677 = arith.constant 1.500000e+00 : f32
    %sub3A_678 = vector.broadcast %sub3A_677 : f32 to vector<16xf32>
    %sub3A_679 = arith.subf %sub3A_678, %mul3A_676 : vector<16xf32>
    %mul3A_680 = arith.mulf %mul3A_671, %sub3A_679 : vector<16xf32>
    %mul3A_681 = arith.constant 5.000000e-01 : f32
    %mul3A_682 = vector.broadcast %mul3A_681 : f32 to vector<16xf32>
    %mul3A_683 = arith.mulf %mul3A_682, %add3A_654 : vector<16xf32>
    %mul3A_684 = arith.mulf %mul3A_683, %mul3A_680 : vector<16xf32>
    %mul3A_685 = arith.mulf %mul3A_684, %mul3A_680 : vector<16xf32>
    %sub3A_686 = arith.constant 1.500000e+00 : f32
    %sub3A_687 = vector.broadcast %sub3A_686 : f32 to vector<16xf32>
    %sub3A_688 = arith.subf %sub3A_687, %mul3A_685 : vector<16xf32>
    %mul3A_689 = arith.mulf %mul3A_680, %sub3A_688 : vector<16xf32>
    %swap3A_690 = arith.constant 160 : index
    %swap3A_691 = tpu.vector_load %arg12[%swap3A_690] {strides = array<i32>} : memref<640xf32, #tpu.memory_space<vmem>>, vector<16xf32>,
    tpu.vector_store %arg12[%swap3A_690], %mul3A_689 {strides = array<i32>} : memref<640xf32, #tpu.memory_space<vmem>>, vector<16xf32>,
    %get3A_692 = arith.constant 1 : i32
    %get3A_693 = arith.index_cast %get3A_692 : i32 to index
    %get3A_694 = arith.constant 48 : index
    %get3A_695 = tpu.vector_load %arg11[%get3A_693, %get3A_694] {strides = array<i32>} : memref<5x128xf32, #tpu.memory_space<vmem>>, vector<16xf32>,
    %add3A_696 = arith.constant 1.000000e+00 : f32
    %add3A_697 = vector.broadcast %add3A_696 : f32 to vector<16xf32>
    %add3A_698 = arith.addf %get3A_695, %add3A_697 : vector<16xf32>
    %bitcast3A_699 = vector.bitcast %add3A_698 : vector<16xf32> to vector<16xi32>
    %shift_right_arithmetic3A_700 = arith.constant 1 : i32
    %shift_right_arithmetic3A_701 = vector.broadcast %shift_right_arithmetic3A_700 : i32 to vector<16xi32>
    %shift_right_arithmetic3A_702 = arith.shrsi %bitcast3A_699, %shift_right_arithmetic3A_701 : vector<16xi32>
    %sub3A_703 = arith.constant 1597463007 : i32
    %sub3A_704 = vector.broadcast %sub3A_703 : i32 to vector<16xi32>
    %sub3A_705 = arith.subi %sub3A_704, %shift_right_arithmetic3A_702 : vector<16xi32>
    %bitcast3A_706 = vector.bitcast %sub3A_705 : vector<16xi32> to vector<16xf32>
    %mul3A_707 = arith.constant 5.000000e-01 : f32
    %mul3A_708 = vector.broadcast %mul3A_707 : f32 to vector<16xf32>
    %mul3A_709 = arith.mulf %mul3A_708, %add3A_698 : vector<16xf32>
    %mul3A_710 = arith.mulf %mul3A_709, %bitcast3A_706 : vector<16xf32>
    %mul3A_711 = arith.mulf %mul3A_710, %bitcast3A_706 : vector<16xf32>
    %sub3A_712 = arith.constant 1.500000e+00 : f32
    %sub3A_713 = vector.broadcast %sub3A_712 : f32 to vector<16xf32>
    %sub3A_714 = arith.subf %sub3A_713, %mul3A_711 : vector<16xf32>
    %mul3A_715 = arith.mulf %bitcast3A_706, %sub3A_714 : vector<16xf32>
    %mul3A_716 = arith.constant 5.000000e-01 : f32
    %mul3A_717 = vector.broadcast %mul3A_716 : f32 to vector<16xf32>
    %mul3A_718 = arith.mulf %mul3A_717, %add3A_698 : vector<16xf32>
    %mul3A_719 = arith.mulf %mul3A_718, %mul3A_715 : vector<16xf32>
    %mul3A_720 = arith.mulf %mul3A_719, %mul3A_715 : vector<16xf32>
    %sub3A_721 = arith.constant 1.500000e+00 : f32
    %sub3A_722 = vector.broadcast %sub3A_721 : f32 to vector<16xf32>
    %sub3A_723 = arith.subf %sub3A_722, %mul3A_720 : vector<16xf32>
    %mul3A_724 = arith.mulf %mul3A_715, %sub3A_723 : vector<16xf32>
    %mul3A_725 = arith.constant 5.000000e-01 : f32
    %mul3A_726 = vector.broadcast %mul3A_725 : f32 to vector<16xf32>
    %mul3A_727 = arith.mulf %mul3A_726, %add3A_698 : vector<16xf32>
    %mul3A_728 = arith.mulf %mul3A_727, %mul3A_724 : vector<16xf32>
    %mul3A_729 = arith.mulf %mul3A_728, %mul3A_724 : vector<16xf32>
    %sub3A_730 = arith.constant 1.500000e+00 : f32
    %sub3A_731 = vector.broadcast %sub3A_730 : f32 to vector<16xf32>
    %sub3A_732 = arith.subf %sub3A_731, %mul3A_729 : vector<16xf32>
    %mul3A_733 = arith.mulf %mul3A_724, %sub3A_732 : vector<16xf32>
    %swap3A_734 = arith.constant 176 : index
    %swap3A_735 = tpu.vector_load %arg12[%swap3A_734] {strides = array<i32>} : memref<640xf32, #tpu.memory_space<vmem>>, vector<16xf32>,
    tpu.vector_store %arg12[%swap3A_734], %mul3A_733 {strides = array<i32>} : memref<640xf32, #tpu.memory_space<vmem>>, vector<16xf32>,
    %get3A_736 = arith.constant 1 : i32
    %get3A_737 = arith.index_cast %get3A_736 : i32 to index
    %get3A_738 = arith.constant 64 : index
    %get3A_739 = tpu.vector_load %arg11[%get3A_737, %get3A_738] {strides = array<i32>} : memref<5x128xf32, #tpu.memory_space<vmem>>, vector<16xf32>,
    %add3A_740 = arith.constant 1.000000e+00 : f32
    %add3A_741 = vector.broadcast %add3A_740 : f32 to vector<16xf32>
    %add3A_742 = arith.addf %get3A_739, %add3A_741 : vector<16xf32>
    %bitcast3A_743 = vector.bitcast %add3A_742 : vector<16xf32> to vector<16xi32>
    %shift_right_arithmetic3A_744 = arith.constant 1 : i32
    %shift_right_arithmetic3A_745 = vector.broadcast %shift_right_arithmetic3A_744 : i32 to vector<16xi32>
    %shift_right_arithmetic3A_746 = arith.shrsi %bitcast3A_743, %shift_right_arithmetic3A_745 : vector<16xi32>
    %sub3A_747 = arith.constant 1597463007 : i32
    %sub3A_748 = vector.broadcast %sub3A_747 : i32 to vector<16xi32>
    %sub3A_749 = arith.subi %sub3A_748, %shift_right_arithmetic3A_746 : vector<16xi32>
    %bitcast3A_750 = vector.bitcast %sub3A_749 : vector<16xi32> to vector<16xf32>
    %mul3A_751 = arith.constant 5.000000e-01 : f32
    %mul3A_752 = vector.broadcast %mul3A_751 : f32 to vector<16xf32>
    %mul3A_753 = arith.mulf %mul3A_752, %add3A_742 : vector<16xf32>
    %mul3A_754 = arith.mulf %mul3A_753, %bitcast3A_750 : vector<16xf32>
    %mul3A_755 = arith.mulf %mul3A_754, %bitcast3A_750 : vector<16xf32>
    %sub3A_756 = arith.constant 1.500000e+00 : f32
    %sub3A_757 = vector.broadcast %sub3A_756 : f32 to vector<16xf32>
    %sub3A_758 = arith.subf %sub3A_757, %mul3A_755 : vector<16xf32>
    %mul3A_759 = arith.mulf %bitcast3A_750, %sub3A_758 : vector<16xf32>
    %mul3A_760 = arith.constant 5.000000e-01 : f32
    %mul3A_761 = vector.broadcast %mul3A_760 : f32 to vector<16xf32>
    %mul3A_762 = arith.mulf %mul3A_761, %add3A_742 : vector<16xf32>
    %mul3A_763 = arith.mulf %mul3A_762, %mul3A_759 : vector<16xf32>
    %mul3A_764 = arith.mulf %mul3A_763, %mul3A_759 : vector<16xf32>
    %sub3A_765 = arith.constant 1.500000e+00 : f32
    %sub3A_766 = vector.broadcast %sub3A_765 : f32 to vector<16xf32>
    %sub3A_767 = arith.subf %sub3A_766, %mul3A_764 : vector<16xf32>
    %mul3A_768 = arith.mulf %mul3A_759, %sub3A_767 : vector<16xf32>
    %mul3A_769 = arith.constant 5.000000e-01 : f32
    %mul3A_770 = vector.broadcast %mul3A_769 : f32 to vector<16xf32>
    %mul3A_771 = arith.mulf %mul3A_770, %add3A_742 : vector<16xf32>
    %mul3A_772 = arith.mulf %mul3A_771, %mul3A_768 : vector<16xf32>
    %mul3A_773 = arith.mulf %mul3A_772, %mul3A_768 : vector<16xf32>
    %sub3A_774 = arith.constant 1.500000e+00 : f32
    %sub3A_775 = vector.broadcast %sub3A_774 : f32 to vector<16xf32>
    %sub3A_776 = arith.subf %sub3A_775, %mul3A_773 : vector<16xf32>
    %mul3A_777 = arith.mulf %mul3A_768, %sub3A_776 : vector<16xf32>
    %swap3A_778 = arith.constant 192 : index
    %swap3A_779 = tpu.vector_load %arg12[%swap3A_778] {strides = array<i32>} : memref<640xf32, #tpu.memory_space<vmem>>, vector<16xf32>,
    tpu.vector_store %arg12[%swap3A_778], %mul3A_777 {strides = array<i32>} : memref<640xf32, #tpu.memory_space<vmem>>, vector<16xf32>,
    %get3A_780 = arith.constant 1 : i32
    %get3A_781 = arith.index_cast %get3A_780 : i32 to index
    %get3A_782 = arith.constant 80 : index
    %get3A_783 = tpu.vector_load %arg11[%get3A_781, %get3A_782] {strides = array<i32>} : memref<5x128xf32, #tpu.memory_space<vmem>>, vector<16xf32>,
    %add3A_784 = arith.constant 1.000000e+00 : f32
    %add3A_785 = vector.broadcast %add3A_784 : f32 to vector<16xf32>
    %add3A_786 = arith.addf %get3A_783, %add3A_785 : vector<16xf32>
    %bitcast3A_787 = vector.bitcast %add3A_786 : vector<16xf32> to vector<16xi32>
    %shift_right_arithmetic3A_788 = arith.constant 1 : i32
    %shift_right_arithmetic3A_789 = vector.broadcast %shift_right_arithmetic3A_788 : i32 to vector<16xi32>
    %shift_right_arithmetic3A_790 = arith.shrsi %bitcast3A_787, %shift_right_arithmetic3A_789 : vector<16xi32>
    %sub3A_791 = arith.constant 1597463007 : i32
    %sub3A_792 = vector.broadcast %sub3A_791 : i32 to vector<16xi32>
    %sub3A_793 = arith.subi %sub3A_792, %shift_right_arithmetic3A_790 : vector<16xi32>
    %bitcast3A_794 = vector.bitcast %sub3A_793 : vector<16xi32> to vector<16xf32>
    %mul3A_795 = arith.constant 5.000000e-01 : f32
    %mul3A_796 = vector.broadcast %mul3A_795 : f32 to vector<16xf32>
    %mul3A_797 = arith.mulf %mul3A_796, %add3A_786 : vector<16xf32>
    %mul3A_798 = arith.mulf %mul3A_797, %bitcast3A_794 : vector<16xf32>
    %mul3A_799 = arith.mulf %mul3A_798, %bitcast3A_794 : vector<16xf32>
    %sub3A_800 = arith.constant 1.500000e+00 : f32
    %sub3A_801 = vector.broadcast %sub3A_800 : f32 to vector<16xf32>
    %sub3A_802 = arith.subf %sub3A_801, %mul3A_799 : vector<16xf32>
    %mul3A_803 = arith.mulf %bitcast3A_794, %sub3A_802 : vector<16xf32>
    %mul3A_804 = arith.constant 5.000000e-01 : f32
    %mul3A_805 = vector.broadcast %mul3A_804 : f32 to vector<16xf32>
    %mul3A_806 = arith.mulf %mul3A_805, %add3A_786 : vector<16xf32>
    %mul3A_807 = arith.mulf %mul3A_806, %mul3A_803 : vector<16xf32>
    %mul3A_808 = arith.mulf %mul3A_807, %mul3A_803 : vector<16xf32>
    %sub3A_809 = arith.constant 1.500000e+00 : f32
    %sub3A_810 = vector.broadcast %sub3A_809 : f32 to vector<16xf32>
    %sub3A_811 = arith.subf %sub3A_810, %mul3A_808 : vector<16xf32>
    %mul3A_812 = arith.mulf %mul3A_803, %sub3A_811 : vector<16xf32>
    %mul3A_813 = arith.constant 5.000000e-01 : f32
    %mul3A_814 = vector.broadcast %mul3A_813 : f32 to vector<16xf32>
    %mul3A_815 = arith.mulf %mul3A_814, %add3A_786 : vector<16xf32>
    %mul3A_816 = arith.mulf %mul3A_815, %mul3A_812 : vector<16xf32>
    %mul3A_817 = arith.mulf %mul3A_816, %mul3A_812 : vector<16xf32>
    %sub3A_818 = arith.constant 1.500000e+00 : f32
    %sub3A_819 = vector.broadcast %sub3A_818 : f32 to vector<16xf32>
    %sub3A_820 = arith.subf %sub3A_819, %mul3A_817 : vector<16xf32>
    %mul3A_821 = arith.mulf %mul3A_812, %sub3A_820 : vector<16xf32>
    %swap3A_822 = arith.constant 208 : index
    %swap3A_823 = tpu.vector_load %arg12[%swap3A_822] {strides = array<i32>} : memref<640xf32, #tpu.memory_space<vmem>>, vector<16xf32>,
    tpu.vector_store %arg12[%swap3A_822], %mul3A_821 {strides = array<i32>} : memref<640xf32, #tpu.memory_space<vmem>>, vector<16xf32>,
    %get3A_824 = arith.constant 1 : i32
    %get3A_825 = arith.index_cast %get3A_824 : i32 to index
    %get3A_826 = arith.constant 96 : index
    %get3A_827 = tpu.vector_load %arg11[%get3A_825, %get3A_826] {strides = array<i32>} : memref<5x128xf32, #tpu.memory_space<vmem>>, vector<16xf32>,
    %add3A_828 = arith.constant 1.000000e+00 : f32
    %add3A_829 = vector.broadcast %add3A_828 : f32 to vector<16xf32>
    %add3A_830 = arith.addf %get3A_827, %add3A_829 : vector<16xf32>
    %bitcast3A_831 = vector.bitcast %add3A_830 : vector<16xf32> to vector<16xi32>
    %shift_right_arithmetic3A_832 = arith.constant 1 : i32
    %shift_right_arithmetic3A_833 = vector.broadcast %shift_right_arithmetic3A_832 : i32 to vector<16xi32>
    %shift_right_arithmetic3A_834 = arith.shrsi %bitcast3A_831, %shift_right_arithmetic3A_833 : vector<16xi32>
    %sub3A_835 = arith.constant 1597463007 : i32
    %sub3A_836 = vector.broadcast %sub3A_835 : i32 to vector<16xi32>
    %sub3A_837 = arith.subi %sub3A_836, %shift_right_arithmetic3A_834 : vector<16xi32>
    %bitcast3A_838 = vector.bitcast %sub3A_837 : vector<16xi32> to vector<16xf32>
    %mul3A_839 = arith.constant 5.000000e-01 : f32
    %mul3A_840 = vector.broadcast %mul3A_839 : f32 to vector<16xf32>
    %mul3A_841 = arith.mulf %mul3A_840, %add3A_830 : vector<16xf32>
    %mul3A_842 = arith.mulf %mul3A_841, %bitcast3A_838 : vector<16xf32>
    %mul3A_843 = arith.mulf %mul3A_842, %bitcast3A_838 : vector<16xf32>
    %sub3A_844 = arith.constant 1.500000e+00 : f32
    %sub3A_845 = vector.broadcast %sub3A_844 : f32 to vector<16xf32>
    %sub3A_846 = arith.subf %sub3A_845, %mul3A_843 : vector<16xf32>
    %mul3A_847 = arith.mulf %bitcast3A_838, %sub3A_846 : vector<16xf32>
    %mul3A_848 = arith.constant 5.000000e-01 : f32
    %mul3A_849 = vector.broadcast %mul3A_848 : f32 to vector<16xf32>
    %mul3A_850 = arith.mulf %mul3A_849, %add3A_830 : vector<16xf32>
    %mul3A_851 = arith.mulf %mul3A_850, %mul3A_847 : vector<16xf32>
    %mul3A_852 = arith.mulf %mul3A_851, %mul3A_847 : vector<16xf32>
    %sub3A_853 = arith.constant 1.500000e+00 : f32
    %sub3A_854 = vector.broadcast %sub3A_853 : f32 to vector<16xf32>
    %sub3A_855 = arith.subf %sub3A_854, %mul3A_852 : vector<16xf32>
    %mul3A_856 = arith.mulf %mul3A_847, %sub3A_855 : vector<16xf32>
    %mul3A_857 = arith.constant 5.000000e-01 : f32
    %mul3A_858 = vector.broadcast %mul3A_857 : f32 to vector<16xf32>
    %mul3A_859 = arith.mulf %mul3A_858, %add3A_830 : vector<16xf32>
    %mul3A_860 = arith.mulf %mul3A_859, %mul3A_856 : vector<16xf32>
    %mul3A_861 = arith.mulf %mul3A_860, %mul3A_856 : vector<16xf32>
    %sub3A_862 = arith.constant 1.500000e+00 : f32
    %sub3A_863 = vector.broadcast %sub3A_862 : f32 to vector<16xf32>
    %sub3A_864 = arith.subf %sub3A_863, %mul3A_861 : vector<16xf32>
    %mul3A_865 = arith.mulf %mul3A_856, %sub3A_864 : vector<16xf32>
    %swap3A_866 = arith.constant 224 : index
    %swap3A_867 = tpu.vector_load %arg12[%swap3A_866] {strides = array<i32>} : memref<640xf32, #tpu.memory_space<vmem>>, vector<16xf32>,
    tpu.vector_store %arg12[%swap3A_866], %mul3A_865 {strides = array<i32>} : memref<640xf32, #tpu.memory_space<vmem>>, vector<16xf32>,
    %get3A_868 = arith.constant 1 : i32
    %get3A_869 = arith.index_cast %get3A_868 : i32 to index
    %get3A_870 = arith.constant 112 : index
    %get3A_871 = tpu.vector_load %arg11[%get3A_869, %get3A_870] {strides = array<i32>} : memref<5x128xf32, #tpu.memory_space<vmem>>, vector<16xf32>,
    %add3A_872 = arith.constant 1.000000e+00 : f32
    %add3A_873 = vector.broadcast %add3A_872 : f32 to vector<16xf32>
    %add3A_874 = arith.addf %get3A_871, %add3A_873 : vector<16xf32>
    %bitcast3A_875 = vector.bitcast %add3A_874 : vector<16xf32> to vector<16xi32>
    %shift_right_arithmetic3A_876 = arith.constant 1 : i32
    %shift_right_arithmetic3A_877 = vector.broadcast %shift_right_arithmetic3A_876 : i32 to vector<16xi32>
    %shift_right_arithmetic3A_878 = arith.shrsi %bitcast3A_875, %shift_right_arithmetic3A_877 : vector<16xi32>
    %sub3A_879 = arith.constant 1597463007 : i32
    %sub3A_880 = vector.broadcast %sub3A_879 : i32 to vector<16xi32>
    %sub3A_881 = arith.subi %sub3A_880, %shift_right_arithmetic3A_878 : vector<16xi32>
    %bitcast3A_882 = vector.bitcast %sub3A_881 : vector<16xi32> to vector<16xf32>
    %mul3A_883 = arith.constant 5.000000e-01 : f32
    %mul3A_884 = vector.broadcast %mul3A_883 : f32 to vector<16xf32>
    %mul3A_885 = arith.mulf %mul3A_884, %add3A_874 : vector<16xf32>
    %mul3A_886 = arith.mulf %mul3A_885, %bitcast3A_882 : vector<16xf32>
    %mul3A_887 = arith.mulf %mul3A_886, %bitcast3A_882 : vector<16xf32>
    %sub3A_888 = arith.constant 1.500000e+00 : f32
    %sub3A_889 = vector.broadcast %sub3A_888 : f32 to vector<16xf32>
    %sub3A_890 = arith.subf %sub3A_889, %mul3A_887 : vector<16xf32>
    %mul3A_891 = arith.mulf %bitcast3A_882, %sub3A_890 : vector<16xf32>
    %mul3A_892 = arith.constant 5.000000e-01 : f32
    %mul3A_893 = vector.broadcast %mul3A_892 : f32 to vector<16xf32>
    %mul3A_894 = arith.mulf %mul3A_893, %add3A_874 : vector<16xf32>
    %mul3A_895 = arith.mulf %mul3A_894, %mul3A_891 : vector<16xf32>
    %mul3A_896 = arith.mulf %mul3A_895, %mul3A_891 : vector<16xf32>
    %sub3A_897 = arith.constant 1.500000e+00 : f32
    %sub3A_898 = vector.broadcast %sub3A_897 : f32 to vector<16xf32>
    %sub3A_899 = arith.subf %sub3A_898, %mul3A_896 : vector<16xf32>
    %mul3A_900 = arith.mulf %mul3A_891, %sub3A_899 : vector<16xf32>
    %mul3A_901 = arith.constant 5.000000e-01 : f32
    %mul3A_902 = vector.broadcast %mul3A_901 : f32 to vector<16xf32>
    %mul3A_903 = arith.mulf %mul3A_902, %add3A_874 : vector<16xf32>
    %mul3A_904 = arith.mulf %mul3A_903, %mul3A_900 : vector<16xf32>
    %mul3A_905 = arith.mulf %mul3A_904, %mul3A_900 : vector<16xf32>
    %sub3A_906 = arith.constant 1.500000e+00 : f32
    %sub3A_907 = vector.broadcast %sub3A_906 : f32 to vector<16xf32>
    %sub3A_908 = arith.subf %sub3A_907, %mul3A_905 : vector<16xf32>
    %mul3A_909 = arith.mulf %mul3A_900, %sub3A_908 : vector<16xf32>
    %swap3A_910 = arith.constant 240 : index
    %swap3A_911 = tpu.vector_load %arg12[%swap3A_910] {strides = array<i32>} : memref<640xf32, #tpu.memory_space<vmem>>, vector<16xf32>,
    tpu.vector_store %arg12[%swap3A_910], %mul3A_909 {strides = array<i32>} : memref<640xf32, #tpu.memory_space<vmem>>, vector<16xf32>,
    %get3A_912 = arith.constant 2 : i32
    %get3A_913 = arith.index_cast %get3A_912 : i32 to index
    %get3A_914 = arith.constant 0 : index
    %get3A_915 = tpu.vector_load %arg11[%get3A_913, %get3A_914] {strides = array<i32>} : memref<5x128xf32, #tpu.memory_space<vmem>>, vector<16xf32>,
    %add3A_916 = arith.constant 1.000000e+00 : f32
    %add3A_917 = vector.broadcast %add3A_916 : f32 to vector<16xf32>
    %add3A_918 = arith.addf %get3A_915, %add3A_917 : vector<16xf32>
    %bitcast3A_919 = vector.bitcast %add3A_918 : vector<16xf32> to vector<16xi32>
    %shift_right_arithmetic3A_920 = arith.constant 1 : i32
    %shift_right_arithmetic3A_921 = vector.broadcast %shift_right_arithmetic3A_920 : i32 to vector<16xi32>
    %shift_right_arithmetic3A_922 = arith.shrsi %bitcast3A_919, %shift_right_arithmetic3A_921 : vector<16xi32>
    %sub3A_923 = arith.constant 1597463007 : i32
    %sub3A_924 = vector.broadcast %sub3A_923 : i32 to vector<16xi32>
    %sub3A_925 = arith.subi %sub3A_924, %shift_right_arithmetic3A_922 : vector<16xi32>
    %bitcast3A_926 = vector.bitcast %sub3A_925 : vector<16xi32> to vector<16xf32>
    %mul3A_927 = arith.constant 5.000000e-01 : f32
    %mul3A_928 = vector.broadcast %mul3A_927 : f32 to vector<16xf32>
    %mul3A_929 = arith.mulf %mul3A_928, %add3A_918 : vector<16xf32>
    %mul3A_930 = arith.mulf %mul3A_929, %bitcast3A_926 : vector<16xf32>
    %mul3A_931 = arith.mulf %mul3A_930, %bitcast3A_926 : vector<16xf32>
    %sub3A_932 = arith.constant 1.500000e+00 : f32
    %sub3A_933 = vector.broadcast %sub3A_932 : f32 to vector<16xf32>
    %sub3A_934 = arith.subf %sub3A_933, %mul3A_931 : vector<16xf32>
    %mul3A_935 = arith.mulf %bitcast3A_926, %sub3A_934 : vector<16xf32>
    %mul3A_936 = arith.constant 5.000000e-01 : f32
    %mul3A_937 = vector.broadcast %mul3A_936 : f32 to vector<16xf32>
    %mul3A_938 = arith.mulf %mul3A_937, %add3A_918 : vector<16xf32>
    %mul3A_939 = arith.mulf %mul3A_938, %mul3A_935 : vector<16xf32>
    %mul3A_940 = arith.mulf %mul3A_939, %mul3A_935 : vector<16xf32>
    %sub3A_941 = arith.constant 1.500000e+00 : f32
    %sub3A_942 = vector.broadcast %sub3A_941 : f32 to vector<16xf32>
    %sub3A_943 = arith.subf %sub3A_942, %mul3A_940 : vector<16xf32>
    %mul3A_944 = arith.mulf %mul3A_935, %sub3A_943 : vector<16xf32>
    %mul3A_945 = arith.constant 5.000000e-01 : f32
    %mul3A_946 = vector.broadcast %mul3A_945 : f32 to vector<16xf32>
    %mul3A_947 = arith.mulf %mul3A_946, %add3A_918 : vector<16xf32>
    %mul3A_948 = arith.mulf %mul3A_947, %mul3A_944 : vector<16xf32>
    %mul3A_949 = arith.mulf %mul3A_948, %mul3A_944 : vector<16xf32>
    %sub3A_950 = arith.constant 1.500000e+00 : f32
    %sub3A_951 = vector.broadcast %sub3A_950 : f32 to vector<16xf32>
    %sub3A_952 = arith.subf %sub3A_951, %mul3A_949 : vector<16xf32>
    %mul3A_953 = arith.mulf %mul3A_944, %sub3A_952 : vector<16xf32>
    %swap3A_954 = arith.constant 256 : index
    %swap3A_955 = tpu.vector_load %arg12[%swap3A_954] {strides = array<i32>} : memref<640xf32, #tpu.memory_space<vmem>>, vector<16xf32>,
    tpu.vector_store %arg12[%swap3A_954], %mul3A_953 {strides = array<i32>} : memref<640xf32, #tpu.memory_space<vmem>>, vector<16xf32>,
    %get3A_956 = arith.constant 2 : i32
    %get3A_957 = arith.index_cast %get3A_956 : i32 to index
    %get3A_958 = arith.constant 16 : index
    %get3A_959 = tpu.vector_load %arg11[%get3A_957, %get3A_958] {strides = array<i32>} : memref<5x128xf32, #tpu.memory_space<vmem>>, vector<16xf32>,
    %add3A_960 = arith.constant 1.000000e+00 : f32
    %add3A_961 = vector.broadcast %add3A_960 : f32 to vector<16xf32>
    %add3A_962 = arith.addf %get3A_959, %add3A_961 : vector<16xf32>
    %bitcast3A_963 = vector.bitcast %add3A_962 : vector<16xf32> to vector<16xi32>
    %shift_right_arithmetic3A_964 = arith.constant 1 : i32
    %shift_right_arithmetic3A_965 = vector.broadcast %shift_right_arithmetic3A_964 : i32 to vector<16xi32>
    %shift_right_arithmetic3A_966 = arith.shrsi %bitcast3A_963, %shift_right_arithmetic3A_965 : vector<16xi32>
    %sub3A_967 = arith.constant 1597463007 : i32
    %sub3A_968 = vector.broadcast %sub3A_967 : i32 to vector<16xi32>
    %sub3A_969 = arith.subi %sub3A_968, %shift_right_arithmetic3A_966 : vector<16xi32>
    %bitcast3A_970 = vector.bitcast %sub3A_969 : vector<16xi32> to vector<16xf32>
    %mul3A_971 = arith.constant 5.000000e-01 : f32
    %mul3A_972 = vector.broadcast %mul3A_971 : f32 to vector<16xf32>
    %mul3A_973 = arith.mulf %mul3A_972, %add3A_962 : vector<16xf32>
    %mul3A_974 = arith.mulf %mul3A_973, %bitcast3A_970 : vector<16xf32>
    %mul3A_975 = arith.mulf %mul3A_974, %bitcast3A_970 : vector<16xf32>
    %sub3A_976 = arith.constant 1.500000e+00 : f32
    %sub3A_977 = vector.broadcast %sub3A_976 : f32 to vector<16xf32>
    %sub3A_978 = arith.subf %sub3A_977, %mul3A_975 : vector<16xf32>
    %mul3A_979 = arith.mulf %bitcast3A_970, %sub3A_978 : vector<16xf32>
    %mul3A_980 = arith.constant 5.000000e-01 : f32
    %mul3A_981 = vector.broadcast %mul3A_980 : f32 to vector<16xf32>
    %mul3A_982 = arith.mulf %mul3A_981, %add3A_962 : vector<16xf32>
    %mul3A_983 = arith.mulf %mul3A_982, %mul3A_979 : vector<16xf32>
    %mul3A_984 = arith.mulf %mul3A_983, %mul3A_979 : vector<16xf32>
    %sub3A_985 = arith.constant 1.500000e+00 : f32
    %sub3A_986 = vector.broadcast %sub3A_985 : f32 to vector<16xf32>
    %sub3A_987 = arith.subf %sub3A_986, %mul3A_984 : vector<16xf32>
    %mul3A_988 = arith.mulf %mul3A_979, %sub3A_987 : vector<16xf32>
    %mul3A_989 = arith.constant 5.000000e-01 : f32
    %mul3A_990 = vector.broadcast %mul3A_989 : f32 to vector<16xf32>
    %mul3A_991 = arith.mulf %mul3A_990, %add3A_962 : vector<16xf32>
    %mul3A_992 = arith.mulf %mul3A_991, %mul3A_988 : vector<16xf32>
    %mul3A_993 = arith.mulf %mul3A_992, %mul3A_988 : vector<16xf32>
    %sub3A_994 = arith.constant 1.500000e+00 : f32
    %sub3A_995 = vector.broadcast %sub3A_994 : f32 to vector<16xf32>
    %sub3A_996 = arith.subf %sub3A_995, %mul3A_993 : vector<16xf32>
    %mul3A_997 = arith.mulf %mul3A_988, %sub3A_996 : vector<16xf32>
    %swap3A_998 = arith.constant 272 : index
    %swap3A_999 = tpu.vector_load %arg12[%swap3A_998] {strides = array<i32>} : memref<640xf32, #tpu.memory_space<vmem>>, vector<16xf32>,
    tpu.vector_store %arg12[%swap3A_998], %mul3A_997 {strides = array<i32>} : memref<640xf32, #tpu.memory_space<vmem>>, vector<16xf32>,
    %get3A_1000 = arith.constant 2 : i32
    %get3A_1001 = arith.index_cast %get3A_1000 : i32 to index
    %get3A_1002 = arith.constant 32 : index
    %get3A_1003 = tpu.vector_load %arg11[%get3A_1001, %get3A_1002] {strides = array<i32>} : memref<5x128xf32, #tpu.memory_space<vmem>>, vector<16xf32>,
    %add3A_1004 = arith.constant 1.000000e+00 : f32
    %add3A_1005 = vector.broadcast %add3A_1004 : f32 to vector<16xf32>
    %add3A_1006 = arith.addf %get3A_1003, %add3A_1005 : vector<16xf32>
    %bitcast3A_1007 = vector.bitcast %add3A_1006 : vector<16xf32> to vector<16xi32>
    %shift_right_arithmetic3A_1008 = arith.constant 1 : i32
    %shift_right_arithmetic3A_1009 = vector.broadcast %shift_right_arithmetic3A_1008 : i32 to vector<16xi32>
    %shift_right_arithmetic3A_1010 = arith.shrsi %bitcast3A_1007, %shift_right_arithmetic3A_1009 : vector<16xi32>
    %sub3A_1011 = arith.constant 1597463007 : i32
    %sub3A_1012 = vector.broadcast %sub3A_1011 : i32 to vector<16xi32>
    %sub3A_1013 = arith.subi %sub3A_1012, %shift_right_arithmetic3A_1010 : vector<16xi32>
    %bitcast3A_1014 = vector.bitcast %sub3A_1013 : vector<16xi32> to vector<16xf32>
    %mul3A_1015 = arith.constant 5.000000e-01 : f32
    %mul3A_1016 = vector.broadcast %mul3A_1015 : f32 to vector<16xf32>
    %mul3A_1017 = arith.mulf %mul3A_1016, %add3A_1006 : vector<16xf32>
    %mul3A_1018 = arith.mulf %mul3A_1017, %bitcast3A_1014 : vector<16xf32>
    %mul3A_1019 = arith.mulf %mul3A_1018, %bitcast3A_1014 : vector<16xf32>
    %sub3A_1020 = arith.constant 1.500000e+00 : f32
    %sub3A_1021 = vector.broadcast %sub3A_1020 : f32 to vector<16xf32>
    %sub3A_1022 = arith.subf %sub3A_1021, %mul3A_1019 : vector<16xf32>
    %mul3A_1023 = arith.mulf %bitcast3A_1014, %sub3A_1022 : vector<16xf32>
    %mul3A_1024 = arith.constant 5.000000e-01 : f32
    %mul3A_1025 = vector.broadcast %mul3A_1024 : f32 to vector<16xf32>
    %mul3A_1026 = arith.mulf %mul3A_1025, %add3A_1006 : vector<16xf32>
    %mul3A_1027 = arith.mulf %mul3A_1026, %mul3A_1023 : vector<16xf32>
    %mul3A_1028 = arith.mulf %mul3A_1027, %mul3A_1023 : vector<16xf32>
    %sub3A_1029 = arith.constant 1.500000e+00 : f32
    %sub3A_1030 = vector.broadcast %sub3A_1029 : f32 to vector<16xf32>
    %sub3A_1031 = arith.subf %sub3A_1030, %mul3A_1028 : vector<16xf32>
    %mul3A_1032 = arith.mulf %mul3A_1023, %sub3A_1031 : vector<16xf32>
    %mul3A_1033 = arith.constant 5.000000e-01 : f32
    %mul3A_1034 = vector.broadcast %mul3A_1033 : f32 to vector<16xf32>
    %mul3A_1035 = arith.mulf %mul3A_1034, %add3A_1006 : vector<16xf32>
    %mul3A_1036 = arith.mulf %mul3A_1035, %mul3A_1032 : vector<16xf32>
    %mul3A_1037 = arith.mulf %mul3A_1036, %mul3A_1032 : vector<16xf32>
    %sub3A_1038 = arith.constant 1.500000e+00 : f32
    %sub3A_1039 = vector.broadcast %sub3A_1038 : f32 to vector<16xf32>
    %sub3A_1040 = arith.subf %sub3A_1039, %mul3A_1037 : vector<16xf32>
    %mul3A_1041 = arith.mulf %mul3A_1032, %sub3A_1040 : vector<16xf32>
    %swap3A_1042 = arith.constant 288 : index
    %swap3A_1043 = tpu.vector_load %arg12[%swap3A_1042] {strides = array<i32>} : memref<640xf32, #tpu.memory_space<vmem>>, vector<16xf32>,
    tpu.vector_store %arg12[%swap3A_1042], %mul3A_1041 {strides = array<i32>} : memref<640xf32, #tpu.memory_space<vmem>>, vector<16xf32>,
    %get3A_1044 = arith.constant 2 : i32
    %get3A_1045 = arith.index_cast %get3A_1044 : i32 to index
    %get3A_1046 = arith.constant 48 : index
    %get3A_1047 = tpu.vector_load %arg11[%get3A_1045, %get3A_1046] {strides = array<i32>} : memref<5x128xf32, #tpu.memory_space<vmem>>, vector<16xf32>,
    %add3A_1048 = arith.constant 1.000000e+00 : f32
    %add3A_1049 = vector.broadcast %add3A_1048 : f32 to vector<16xf32>
    %add3A_1050 = arith.addf %get3A_1047, %add3A_1049 : vector<16xf32>
    %bitcast3A_1051 = vector.bitcast %add3A_1050 : vector<16xf32> to vector<16xi32>
    %shift_right_arithmetic3A_1052 = arith.constant 1 : i32
    %shift_right_arithmetic3A_1053 = vector.broadcast %shift_right_arithmetic3A_1052 : i32 to vector<16xi32>
    %shift_right_arithmetic3A_1054 = arith.shrsi %bitcast3A_1051, %shift_right_arithmetic3A_1053 : vector<16xi32>
    %sub3A_1055 = arith.constant 1597463007 : i32
    %sub3A_1056 = vector.broadcast %sub3A_1055 : i32 to vector<16xi32>
    %sub3A_1057 = arith.subi %sub3A_1056, %shift_right_arithmetic3A_1054 : vector<16xi32>
    %bitcast3A_1058 = vector.bitcast %sub3A_1057 : vector<16xi32> to vector<16xf32>
    %mul3A_1059 = arith.constant 5.000000e-01 : f32
    %mul3A_1060 = vector.broadcast %mul3A_1059 : f32 to vector<16xf32>
    %mul3A_1061 = arith.mulf %mul3A_1060, %add3A_1050 : vector<16xf32>
    %mul3A_1062 = arith.mulf %mul3A_1061, %bitcast3A_1058 : vector<16xf32>
    %mul3A_1063 = arith.mulf %mul3A_1062, %bitcast3A_1058 : vector<16xf32>
    %sub3A_1064 = arith.constant 1.500000e+00 : f32
    %sub3A_1065 = vector.broadcast %sub3A_1064 : f32 to vector<16xf32>
    %sub3A_1066 = arith.subf %sub3A_1065, %mul3A_1063 : vector<16xf32>
    %mul3A_1067 = arith.mulf %bitcast3A_1058, %sub3A_1066 : vector<16xf32>
    %mul3A_1068 = arith.constant 5.000000e-01 : f32
    %mul3A_1069 = vector.broadcast %mul3A_1068 : f32 to vector<16xf32>
    %mul3A_1070 = arith.mulf %mul3A_1069, %add3A_1050 : vector<16xf32>
    %mul3A_1071 = arith.mulf %mul3A_1070, %mul3A_1067 : vector<16xf32>
    %mul3A_1072 = arith.mulf %mul3A_1071, %mul3A_1067 : vector<16xf32>
    %sub3A_1073 = arith.constant 1.500000e+00 : f32
    %sub3A_1074 = vector.broadcast %sub3A_1073 : f32 to vector<16xf32>
    %sub3A_1075 = arith.subf %sub3A_1074, %mul3A_1072 : vector<16xf32>
    %mul3A_1076 = arith.mulf %mul3A_1067, %sub3A_1075 : vector<16xf32>
    %mul3A_1077 = arith.constant 5.000000e-01 : f32
    %mul3A_1078 = vector.broadcast %mul3A_1077 : f32 to vector<16xf32>
    %mul3A_1079 = arith.mulf %mul3A_1078, %add3A_1050 : vector<16xf32>
    %mul3A_1080 = arith.mulf %mul3A_1079, %mul3A_1076 : vector<16xf32>
    %mul3A_1081 = arith.mulf %mul3A_1080, %mul3A_1076 : vector<16xf32>
    %sub3A_1082 = arith.constant 1.500000e+00 : f32
    %sub3A_1083 = vector.broadcast %sub3A_1082 : f32 to vector<16xf32>
    %sub3A_1084 = arith.subf %sub3A_1083, %mul3A_1081 : vector<16xf32>
    %mul3A_1085 = arith.mulf %mul3A_1076, %sub3A_1084 : vector<16xf32>
    %swap3A_1086 = arith.constant 304 : index
    %swap3A_1087 = tpu.vector_load %arg12[%swap3A_1086] {strides = array<i32>} : memref<640xf32, #tpu.memory_space<vmem>>, vector<16xf32>,
    tpu.vector_store %arg12[%swap3A_1086], %mul3A_1085 {strides = array<i32>} : memref<640xf32, #tpu.memory_space<vmem>>, vector<16xf32>,
    %get3A_1088 = arith.constant 2 : i32
    %get3A_1089 = arith.index_cast %get3A_1088 : i32 to index
    %get3A_1090 = arith.constant 64 : index
    %get3A_1091 = tpu.vector_load %arg11[%get3A_1089, %get3A_1090] {strides = array<i32>} : memref<5x128xf32, #tpu.memory_space<vmem>>, vector<16xf32>,
    %add3A_1092 = arith.constant 1.000000e+00 : f32
    %add3A_1093 = vector.broadcast %add3A_1092 : f32 to vector<16xf32>
    %add3A_1094 = arith.addf %get3A_1091, %add3A_1093 : vector<16xf32>
    %bitcast3A_1095 = vector.bitcast %add3A_1094 : vector<16xf32> to vector<16xi32>
    %shift_right_arithmetic3A_1096 = arith.constant 1 : i32
    %shift_right_arithmetic3A_1097 = vector.broadcast %shift_right_arithmetic3A_1096 : i32 to vector<16xi32>
    %shift_right_arithmetic3A_1098 = arith.shrsi %bitcast3A_1095, %shift_right_arithmetic3A_1097 : vector<16xi32>
    %sub3A_1099 = arith.constant 1597463007 : i32
    %sub3A_1100 = vector.broadcast %sub3A_1099 : i32 to vector<16xi32>
    %sub3A_1101 = arith.subi %sub3A_1100, %shift_right_arithmetic3A_1098 : vector<16xi32>
    %bitcast3A_1102 = vector.bitcast %sub3A_1101 : vector<16xi32> to vector<16xf32>
    %mul3A_1103 = arith.constant 5.000000e-01 : f32
    %mul3A_1104 = vector.broadcast %mul3A_1103 : f32 to vector<16xf32>
    %mul3A_1105 = arith.mulf %mul3A_1104, %add3A_1094 : vector<16xf32>
    %mul3A_1106 = arith.mulf %mul3A_1105, %bitcast3A_1102 : vector<16xf32>
    %mul3A_1107 = arith.mulf %mul3A_1106, %bitcast3A_1102 : vector<16xf32>
    %sub3A_1108 = arith.constant 1.500000e+00 : f32
    %sub3A_1109 = vector.broadcast %sub3A_1108 : f32 to vector<16xf32>
    %sub3A_1110 = arith.subf %sub3A_1109, %mul3A_1107 : vector<16xf32>
    %mul3A_1111 = arith.mulf %bitcast3A_1102, %sub3A_1110 : vector<16xf32>
    %mul3A_1112 = arith.constant 5.000000e-01 : f32
    %mul3A_1113 = vector.broadcast %mul3A_1112 : f32 to vector<16xf32>
    %mul3A_1114 = arith.mulf %mul3A_1113, %add3A_1094 : vector<16xf32>
    %mul3A_1115 = arith.mulf %mul3A_1114, %mul3A_1111 : vector<16xf32>
    %mul3A_1116 = arith.mulf %mul3A_1115, %mul3A_1111 : vector<16xf32>
    %sub3A_1117 = arith.constant 1.500000e+00 : f32
    %sub3A_1118 = vector.broadcast %sub3A_1117 : f32 to vector<16xf32>
    %sub3A_1119 = arith.subf %sub3A_1118, %mul3A_1116 : vector<16xf32>
    %mul3A_1120 = arith.mulf %mul3A_1111, %sub3A_1119 : vector<16xf32>
    %mul3A_1121 = arith.constant 5.000000e-01 : f32
    %mul3A_1122 = vector.broadcast %mul3A_1121 : f32 to vector<16xf32>
    %mul3A_1123 = arith.mulf %mul3A_1122, %add3A_1094 : vector<16xf32>
    %mul3A_1124 = arith.mulf %mul3A_1123, %mul3A_1120 : vector<16xf32>
    %mul3A_1125 = arith.mulf %mul3A_1124, %mul3A_1120 : vector<16xf32>
    %sub3A_1126 = arith.constant 1.500000e+00 : f32
    %sub3A_1127 = vector.broadcast %sub3A_1126 : f32 to vector<16xf32>
    %sub3A_1128 = arith.subf %sub3A_1127, %mul3A_1125 : vector<16xf32>
    %mul3A_1129 = arith.mulf %mul3A_1120, %sub3A_1128 : vector<16xf32>
    %swap3A_1130 = arith.constant 320 : index
    %swap3A_1131 = tpu.vector_load %arg12[%swap3A_1130] {strides = array<i32>} : memref<640xf32, #tpu.memory_space<vmem>>, vector<16xf32>,
    tpu.vector_store %arg12[%swap3A_1130], %mul3A_1129 {strides = array<i32>} : memref<640xf32, #tpu.memory_space<vmem>>, vector<16xf32>,
    %get3A_1132 = arith.constant 2 : i32
    %get3A_1133 = arith.index_cast %get3A_1132 : i32 to index
    %get3A_1134 = arith.constant 80 : index
    %get3A_1135 = tpu.vector_load %arg11[%get3A_1133, %get3A_1134] {strides = array<i32>} : memref<5x128xf32, #tpu.memory_space<vmem>>, vector<16xf32>,
    %add3A_1136 = arith.constant 1.000000e+00 : f32
    %add3A_1137 = vector.broadcast %add3A_1136 : f32 to vector<16xf32>
    %add3A_1138 = arith.addf %get3A_1135, %add3A_1137 : vector<16xf32>
    %bitcast3A_1139 = vector.bitcast %add3A_1138 : vector<16xf32> to vector<16xi32>
    %shift_right_arithmetic3A_1140 = arith.constant 1 : i32
    %shift_right_arithmetic3A_1141 = vector.broadcast %shift_right_arithmetic3A_1140 : i32 to vector<16xi32>
    %shift_right_arithmetic3A_1142 = arith.shrsi %bitcast3A_1139, %shift_right_arithmetic3A_1141 : vector<16xi32>
    %sub3A_1143 = arith.constant 1597463007 : i32
    %sub3A_1144 = vector.broadcast %sub3A_1143 : i32 to vector<16xi32>
    %sub3A_1145 = arith.subi %sub3A_1144, %shift_right_arithmetic3A_1142 : vector<16xi32>
    %bitcast3A_1146 = vector.bitcast %sub3A_1145 : vector<16xi32> to vector<16xf32>
    %mul3A_1147 = arith.constant 5.000000e-01 : f32
    %mul3A_1148 = vector.broadcast %mul3A_1147 : f32 to vector<16xf32>
    %mul3A_1149 = arith.mulf %mul3A_1148, %add3A_1138 : vector<16xf32>
    %mul3A_1150 = arith.mulf %mul3A_1149, %bitcast3A_1146 : vector<16xf32>
    %mul3A_1151 = arith.mulf %mul3A_1150, %bitcast3A_1146 : vector<16xf32>
    %sub3A_1152 = arith.constant 1.500000e+00 : f32
    %sub3A_1153 = vector.broadcast %sub3A_1152 : f32 to vector<16xf32>
    %sub3A_1154 = arith.subf %sub3A_1153, %mul3A_1151 : vector<16xf32>
    %mul3A_1155 = arith.mulf %bitcast3A_1146, %sub3A_1154 : vector<16xf32>
    %mul3A_1156 = arith.constant 5.000000e-01 : f32
    %mul3A_1157 = vector.broadcast %mul3A_1156 : f32 to vector<16xf32>
    %mul3A_1158 = arith.mulf %mul3A_1157, %add3A_1138 : vector<16xf32>
    %mul3A_1159 = arith.mulf %mul3A_1158, %mul3A_1155 : vector<16xf32>
    %mul3A_1160 = arith.mulf %mul3A_1159, %mul3A_1155 : vector<16xf32>
    %sub3A_1161 = arith.constant 1.500000e+00 : f32
    %sub3A_1162 = vector.broadcast %sub3A_1161 : f32 to vector<16xf32>
    %sub3A_1163 = arith.subf %sub3A_1162, %mul3A_1160 : vector<16xf32>
    %mul3A_1164 = arith.mulf %mul3A_1155, %sub3A_1163 : vector<16xf32>
    %mul3A_1165 = arith.constant 5.000000e-01 : f32
    %mul3A_1166 = vector.broadcast %mul3A_1165 : f32 to vector<16xf32>
    %mul3A_1167 = arith.mulf %mul3A_1166, %add3A_1138 : vector<16xf32>
    %mul3A_1168 = arith.mulf %mul3A_1167, %mul3A_1164 : vector<16xf32>
    %mul3A_1169 = arith.mulf %mul3A_1168, %mul3A_1164 : vector<16xf32>
    %sub3A_1170 = arith.constant 1.500000e+00 : f32
    %sub3A_1171 = vector.broadcast %sub3A_1170 : f32 to vector<16xf32>
    %sub3A_1172 = arith.subf %sub3A_1171, %mul3A_1169 : vector<16xf32>
    %mul3A_1173 = arith.mulf %mul3A_1164, %sub3A_1172 : vector<16xf32>
    %swap3A_1174 = arith.constant 336 : index
    %swap3A_1175 = tpu.vector_load %arg12[%swap3A_1174] {strides = array<i32>} : memref<640xf32, #tpu.memory_space<vmem>>, vector<16xf32>,
    tpu.vector_store %arg12[%swap3A_1174], %mul3A_1173 {strides = array<i32>} : memref<640xf32, #tpu.memory_space<vmem>>, vector<16xf32>,
    %get3A_1176 = arith.constant 2 : i32
    %get3A_1177 = arith.index_cast %get3A_1176 : i32 to index
    %get3A_1178 = arith.constant 96 : index
    %get3A_1179 = tpu.vector_load %arg11[%get3A_1177, %get3A_1178] {strides = array<i32>} : memref<5x128xf32, #tpu.memory_space<vmem>>, vector<16xf32>,
    %add3A_1180 = arith.constant 1.000000e+00 : f32
    %add3A_1181 = vector.broadcast %add3A_1180 : f32 to vector<16xf32>
    %add3A_1182 = arith.addf %get3A_1179, %add3A_1181 : vector<16xf32>
    %bitcast3A_1183 = vector.bitcast %add3A_1182 : vector<16xf32> to vector<16xi32>
    %shift_right_arithmetic3A_1184 = arith.constant 1 : i32
    %shift_right_arithmetic3A_1185 = vector.broadcast %shift_right_arithmetic3A_1184 : i32 to vector<16xi32>
    %shift_right_arithmetic3A_1186 = arith.shrsi %bitcast3A_1183, %shift_right_arithmetic3A_1185 : vector<16xi32>
    %sub3A_1187 = arith.constant 1597463007 : i32
    %sub3A_1188 = vector.broadcast %sub3A_1187 : i32 to vector<16xi32>
    %sub3A_1189 = arith.subi %sub3A_1188, %shift_right_arithmetic3A_1186 : vector<16xi32>
    %bitcast3A_1190 = vector.bitcast %sub3A_1189 : vector<16xi32> to vector<16xf32>
    %mul3A_1191 = arith.constant 5.000000e-01 : f32
    %mul3A_1192 = vector.broadcast %mul3A_1191 : f32 to vector<16xf32>
    %mul3A_1193 = arith.mulf %mul3A_1192, %add3A_1182 : vector<16xf32>
    %mul3A_1194 = arith.mulf %mul3A_1193, %bitcast3A_1190 : vector<16xf32>
    %mul3A_1195 = arith.mulf %mul3A_1194, %bitcast3A_1190 : vector<16xf32>
    %sub3A_1196 = arith.constant 1.500000e+00 : f32
    %sub3A_1197 = vector.broadcast %sub3A_1196 : f32 to vector<16xf32>
    %sub3A_1198 = arith.subf %sub3A_1197, %mul3A_1195 : vector<16xf32>
    %mul3A_1199 = arith.mulf %bitcast3A_1190, %sub3A_1198 : vector<16xf32>
    %mul3A_1200 = arith.constant 5.000000e-01 : f32
    %mul3A_1201 = vector.broadcast %mul3A_1200 : f32 to vector<16xf32>
    %mul3A_1202 = arith.mulf %mul3A_1201, %add3A_1182 : vector<16xf32>
    %mul3A_1203 = arith.mulf %mul3A_1202, %mul3A_1199 : vector<16xf32>
    %mul3A_1204 = arith.mulf %mul3A_1203, %mul3A_1199 : vector<16xf32>
    %sub3A_1205 = arith.constant 1.500000e+00 : f32
    %sub3A_1206 = vector.broadcast %sub3A_1205 : f32 to vector<16xf32>
    %sub3A_1207 = arith.subf %sub3A_1206, %mul3A_1204 : vector<16xf32>
    %mul3A_1208 = arith.mulf %mul3A_1199, %sub3A_1207 : vector<16xf32>
    %mul3A_1209 = arith.constant 5.000000e-01 : f32
    %mul3A_1210 = vector.broadcast %mul3A_1209 : f32 to vector<16xf32>
    %mul3A_1211 = arith.mulf %mul3A_1210, %add3A_1182 : vector<16xf32>
    %mul3A_1212 = arith.mulf %mul3A_1211, %mul3A_1208 : vector<16xf32>
    %mul3A_1213 = arith.mulf %mul3A_1212, %mul3A_1208 : vector<16xf32>
    %sub3A_1214 = arith.constant 1.500000e+00 : f32
    %sub3A_1215 = vector.broadcast %sub3A_1214 : f32 to vector<16xf32>
    %sub3A_1216 = arith.subf %sub3A_1215, %mul3A_1213 : vector<16xf32>
    %mul3A_1217 = arith.mulf %mul3A_1208, %sub3A_1216 : vector<16xf32>
    %swap3A_1218 = arith.constant 352 : index
    %swap3A_1219 = tpu.vector_load %arg12[%swap3A_1218] {strides = array<i32>} : memref<640xf32, #tpu.memory_space<vmem>>, vector<16xf32>,
    tpu.vector_store %arg12[%swap3A_1218], %mul3A_1217 {strides = array<i32>} : memref<640xf32, #tpu.memory_space<vmem>>, vector<16xf32>,
    %get3A_1220 = arith.constant 2 : i32
    %get3A_1221 = arith.index_cast %get3A_1220 : i32 to index
    %get3A_1222 = arith.constant 112 : index
    %get3A_1223 = tpu.vector_load %arg11[%get3A_1221, %get3A_1222] {strides = array<i32>} : memref<5x128xf32, #tpu.memory_space<vmem>>, vector<16xf32>,
    %add3A_1224 = arith.constant 1.000000e+00 : f32
    %add3A_1225 = vector.broadcast %add3A_1224 : f32 to vector<16xf32>
    %add3A_1226 = arith.addf %get3A_1223, %add3A_1225 : vector<16xf32>
    %bitcast3A_1227 = vector.bitcast %add3A_1226 : vector<16xf32> to vector<16xi32>
    %shift_right_arithmetic3A_1228 = arith.constant 1 : i32
    %shift_right_arithmetic3A_1229 = vector.broadcast %shift_right_arithmetic3A_1228 : i32 to vector<16xi32>
    %shift_right_arithmetic3A_1230 = arith.shrsi %bitcast3A_1227, %shift_right_arithmetic3A_1229 : vector<16xi32>
    %sub3A_1231 = arith.constant 1597463007 : i32
    %sub3A_1232 = vector.broadcast %sub3A_1231 : i32 to vector<16xi32>
    %sub3A_1233 = arith.subi %sub3A_1232, %shift_right_arithmetic3A_1230 : vector<16xi32>
    %bitcast3A_1234 = vector.bitcast %sub3A_1233 : vector<16xi32> to vector<16xf32>
    %mul3A_1235 = arith.constant 5.000000e-01 : f32
    %mul3A_1236 = vector.broadcast %mul3A_1235 : f32 to vector<16xf32>
    %mul3A_1237 = arith.mulf %mul3A_1236, %add3A_1226 : vector<16xf32>
    %mul3A_1238 = arith.mulf %mul3A_1237, %bitcast3A_1234 : vector<16xf32>
    %mul3A_1239 = arith.mulf %mul3A_1238, %bitcast3A_1234 : vector<16xf32>
    %sub3A_1240 = arith.constant 1.500000e+00 : f32
    %sub3A_1241 = vector.broadcast %sub3A_1240 : f32 to vector<16xf32>
    %sub3A_1242 = arith.subf %sub3A_1241, %mul3A_1239 : vector<16xf32>
    %mul3A_1243 = arith.mulf %bitcast3A_1234, %sub3A_1242 : vector<16xf32>
    %mul3A_1244 = arith.constant 5.000000e-01 : f32
    %mul3A_1245 = vector.broadcast %mul3A_1244 : f32 to vector<16xf32>
    %mul3A_1246 = arith.mulf %mul3A_1245, %add3A_1226 : vector<16xf32>
    %mul3A_1247 = arith.mulf %mul3A_1246, %mul3A_1243 : vector<16xf32>
    %mul3A_1248 = arith.mulf %mul3A_1247, %mul3A_1243 : vector<16xf32>
    %sub3A_1249 = arith.constant 1.500000e+00 : f32
    %sub3A_1250 = vector.broadcast %sub3A_1249 : f32 to vector<16xf32>
    %sub3A_1251 = arith.subf %sub3A_1250, %mul3A_1248 : vector<16xf32>
    %mul3A_1252 = arith.mulf %mul3A_1243, %sub3A_1251 : vector<16xf32>
    %mul3A_1253 = arith.constant 5.000000e-01 : f32
    %mul3A_1254 = vector.broadcast %mul3A_1253 : f32 to vector<16xf32>
    %mul3A_1255 = arith.mulf %mul3A_1254, %add3A_1226 : vector<16xf32>
    %mul3A_1256 = arith.mulf %mul3A_1255, %mul3A_1252 : vector<16xf32>
    %mul3A_1257 = arith.mulf %mul3A_1256, %mul3A_1252 : vector<16xf32>
    %sub3A_1258 = arith.constant 1.500000e+00 : f32
    %sub3A_1259 = vector.broadcast %sub3A_1258 : f32 to vector<16xf32>
    %sub3A_1260 = arith.subf %sub3A_1259, %mul3A_1257 : vector<16xf32>
    %mul3A_1261 = arith.mulf %mul3A_1252, %sub3A_1260 : vector<16xf32>
    %swap3A_1262 = arith.constant 368 : index
    %swap3A_1263 = tpu.vector_load %arg12[%swap3A_1262] {strides = array<i32>} : memref<640xf32, #tpu.memory_space<vmem>>, vector<16xf32>,
    tpu.vector_store %arg12[%swap3A_1262], %mul3A_1261 {strides = array<i32>} : memref<640xf32, #tpu.memory_space<vmem>>, vector<16xf32>,
    %get3A_1264 = arith.constant 3 : i32
    %get3A_1265 = arith.index_cast %get3A_1264 : i32 to index
    %get3A_1266 = arith.constant 0 : index
    %get3A_1267 = tpu.vector_load %arg11[%get3A_1265, %get3A_1266] {strides = array<i32>} : memref<5x128xf32, #tpu.memory_space<vmem>>, vector<16xf32>,
    %add3A_1268 = arith.constant 1.000000e+00 : f32
    %add3A_1269 = vector.broadcast %add3A_1268 : f32 to vector<16xf32>
    %add3A_1270 = arith.addf %get3A_1267, %add3A_1269 : vector<16xf32>
    %bitcast3A_1271 = vector.bitcast %add3A_1270 : vector<16xf32> to vector<16xi32>
    %shift_right_arithmetic3A_1272 = arith.constant 1 : i32
    %shift_right_arithmetic3A_1273 = vector.broadcast %shift_right_arithmetic3A_1272 : i32 to vector<16xi32>
    %shift_right_arithmetic3A_1274 = arith.shrsi %bitcast3A_1271, %shift_right_arithmetic3A_1273 : vector<16xi32>
    %sub3A_1275 = arith.constant 1597463007 : i32
    %sub3A_1276 = vector.broadcast %sub3A_1275 : i32 to vector<16xi32>
    %sub3A_1277 = arith.subi %sub3A_1276, %shift_right_arithmetic3A_1274 : vector<16xi32>
    %bitcast3A_1278 = vector.bitcast %sub3A_1277 : vector<16xi32> to vector<16xf32>
    %mul3A_1279 = arith.constant 5.000000e-01 : f32
    %mul3A_1280 = vector.broadcast %mul3A_1279 : f32 to vector<16xf32>
    %mul3A_1281 = arith.mulf %mul3A_1280, %add3A_1270 : vector<16xf32>
    %mul3A_1282 = arith.mulf %mul3A_1281, %bitcast3A_1278 : vector<16xf32>
    %mul3A_1283 = arith.mulf %mul3A_1282, %bitcast3A_1278 : vector<16xf32>
    %sub3A_1284 = arith.constant 1.500000e+00 : f32
    %sub3A_1285 = vector.broadcast %sub3A_1284 : f32 to vector<16xf32>
    %sub3A_1286 = arith.subf %sub3A_1285, %mul3A_1283 : vector<16xf32>
    %mul3A_1287 = arith.mulf %bitcast3A_1278, %sub3A_1286 : vector<16xf32>
    %mul3A_1288 = arith.constant 5.000000e-01 : f32
    %mul3A_1289 = vector.broadcast %mul3A_1288 : f32 to vector<16xf32>
    %mul3A_1290 = arith.mulf %mul3A_1289, %add3A_1270 : vector<16xf32>
    %mul3A_1291 = arith.mulf %mul3A_1290, %mul3A_1287 : vector<16xf32>
    %mul3A_1292 = arith.mulf %mul3A_1291, %mul3A_1287 : vector<16xf32>
    %sub3A_1293 = arith.constant 1.500000e+00 : f32
    %sub3A_1294 = vector.broadcast %sub3A_1293 : f32 to vector<16xf32>
    %sub3A_1295 = arith.subf %sub3A_1294, %mul3A_1292 : vector<16xf32>
    %mul3A_1296 = arith.mulf %mul3A_1287, %sub3A_1295 : vector<16xf32>
    %mul3A_1297 = arith.constant 5.000000e-01 : f32
    %mul3A_1298 = vector.broadcast %mul3A_1297 : f32 to vector<16xf32>
    %mul3A_1299 = arith.mulf %mul3A_1298, %add3A_1270 : vector<16xf32>
    %mul3A_1300 = arith.mulf %mul3A_1299, %mul3A_1296 : vector<16xf32>
    %mul3A_1301 = arith.mulf %mul3A_1300, %mul3A_1296 : vector<16xf32>
    %sub3A_1302 = arith.constant 1.500000e+00 : f32
    %sub3A_1303 = vector.broadcast %sub3A_1302 : f32 to vector<16xf32>
    %sub3A_1304 = arith.subf %sub3A_1303, %mul3A_1301 : vector<16xf32>
    %mul3A_1305 = arith.mulf %mul3A_1296, %sub3A_1304 : vector<16xf32>
    %swap3A_1306 = arith.constant 384 : index
    %swap3A_1307 = tpu.vector_load %arg12[%swap3A_1306] {strides = array<i32>} : memref<640xf32, #tpu.memory_space<vmem>>, vector<16xf32>,
    tpu.vector_store %arg12[%swap3A_1306], %mul3A_1305 {strides = array<i32>} : memref<640xf32, #tpu.memory_space<vmem>>, vector<16xf32>,
    %get3A_1308 = arith.constant 3 : i32
    %get3A_1309 = arith.index_cast %get3A_1308 : i32 to index
    %get3A_1310 = arith.constant 16 : index
    %get3A_1311 = tpu.vector_load %arg11[%get3A_1309, %get3A_1310] {strides = array<i32>} : memref<5x128xf32, #tpu.memory_space<vmem>>, vector<16xf32>,
    %add3A_1312 = arith.constant 1.000000e+00 : f32
    %add3A_1313 = vector.broadcast %add3A_1312 : f32 to vector<16xf32>
    %add3A_1314 = arith.addf %get3A_1311, %add3A_1313 : vector<16xf32>
    %bitcast3A_1315 = vector.bitcast %add3A_1314 : vector<16xf32> to vector<16xi32>
    %shift_right_arithmetic3A_1316 = arith.constant 1 : i32
    %shift_right_arithmetic3A_1317 = vector.broadcast %shift_right_arithmetic3A_1316 : i32 to vector<16xi32>
    %shift_right_arithmetic3A_1318 = arith.shrsi %bitcast3A_1315, %shift_right_arithmetic3A_1317 : vector<16xi32>
    %sub3A_1319 = arith.constant 1597463007 : i32
    %sub3A_1320 = vector.broadcast %sub3A_1319 : i32 to vector<16xi32>
    %sub3A_1321 = arith.subi %sub3A_1320, %shift_right_arithmetic3A_1318 : vector<16xi32>
    %bitcast3A_1322 = vector.bitcast %sub3A_1321 : vector<16xi32> to vector<16xf32>
    %mul3A_1323 = arith.constant 5.000000e-01 : f32
    %mul3A_1324 = vector.broadcast %mul3A_1323 : f32 to vector<16xf32>
    %mul3A_1325 = arith.mulf %mul3A_1324, %add3A_1314 : vector<16xf32>
    %mul3A_1326 = arith.mulf %mul3A_1325, %bitcast3A_1322 : vector<16xf32>
    %mul3A_1327 = arith.mulf %mul3A_1326, %bitcast3A_1322 : vector<16xf32>
    %sub3A_1328 = arith.constant 1.500000e+00 : f32
    %sub3A_1329 = vector.broadcast %sub3A_1328 : f32 to vector<16xf32>
    %sub3A_1330 = arith.subf %sub3A_1329, %mul3A_1327 : vector<16xf32>
    %mul3A_1331 = arith.mulf %bitcast3A_1322, %sub3A_1330 : vector<16xf32>
    %mul3A_1332 = arith.constant 5.000000e-01 : f32
    %mul3A_1333 = vector.broadcast %mul3A_1332 : f32 to vector<16xf32>
    %mul3A_1334 = arith.mulf %mul3A_1333, %add3A_1314 : vector<16xf32>
    %mul3A_1335 = arith.mulf %mul3A_1334, %mul3A_1331 : vector<16xf32>
    %mul3A_1336 = arith.mulf %mul3A_1335, %mul3A_1331 : vector<16xf32>
    %sub3A_1337 = arith.constant 1.500000e+00 : f32
    %sub3A_1338 = vector.broadcast %sub3A_1337 : f32 to vector<16xf32>
    %sub3A_1339 = arith.subf %sub3A_1338, %mul3A_1336 : vector<16xf32>
    %mul3A_1340 = arith.mulf %mul3A_1331, %sub3A_1339 : vector<16xf32>
    %mul3A_1341 = arith.constant 5.000000e-01 : f32
    %mul3A_1342 = vector.broadcast %mul3A_1341 : f32 to vector<16xf32>
    %mul3A_1343 = arith.mulf %mul3A_1342, %add3A_1314 : vector<16xf32>
    %mul3A_1344 = arith.mulf %mul3A_1343, %mul3A_1340 : vector<16xf32>
    %mul3A_1345 = arith.mulf %mul3A_1344, %mul3A_1340 : vector<16xf32>
    %sub3A_1346 = arith.constant 1.500000e+00 : f32
    %sub3A_1347 = vector.broadcast %sub3A_1346 : f32 to vector<16xf32>
    %sub3A_1348 = arith.subf %sub3A_1347, %mul3A_1345 : vector<16xf32>
    %mul3A_1349 = arith.mulf %mul3A_1340, %sub3A_1348 : vector<16xf32>
    %swap3A_1350 = arith.constant 400 : index
    %swap3A_1351 = tpu.vector_load %arg12[%swap3A_1350] {strides = array<i32>} : memref<640xf32, #tpu.memory_space<vmem>>, vector<16xf32>,
    tpu.vector_store %arg12[%swap3A_1350], %mul3A_1349 {strides = array<i32>} : memref<640xf32, #tpu.memory_space<vmem>>, vector<16xf32>,
    %get3A_1352 = arith.constant 3 : i32
    %get3A_1353 = arith.index_cast %get3A_1352 : i32 to index
    %get3A_1354 = arith.constant 32 : index
    %get3A_1355 = tpu.vector_load %arg11[%get3A_1353, %get3A_1354] {strides = array<i32>} : memref<5x128xf32, #tpu.memory_space<vmem>>, vector<16xf32>,
    %add3A_1356 = arith.constant 1.000000e+00 : f32
    %add3A_1357 = vector.broadcast %add3A_1356 : f32 to vector<16xf32>
    %add3A_1358 = arith.addf %get3A_1355, %add3A_1357 : vector<16xf32>
    %bitcast3A_1359 = vector.bitcast %add3A_1358 : vector<16xf32> to vector<16xi32>
    %shift_right_arithmetic3A_1360 = arith.constant 1 : i32
    %shift_right_arithmetic3A_1361 = vector.broadcast %shift_right_arithmetic3A_1360 : i32 to vector<16xi32>
    %shift_right_arithmetic3A_1362 = arith.shrsi %bitcast3A_1359, %shift_right_arithmetic3A_1361 : vector<16xi32>
    %sub3A_1363 = arith.constant 1597463007 : i32
    %sub3A_1364 = vector.broadcast %sub3A_1363 : i32 to vector<16xi32>
    %sub3A_1365 = arith.subi %sub3A_1364, %shift_right_arithmetic3A_1362 : vector<16xi32>
    %bitcast3A_1366 = vector.bitcast %sub3A_1365 : vector<16xi32> to vector<16xf32>
    %mul3A_1367 = arith.constant 5.000000e-01 : f32
    %mul3A_1368 = vector.broadcast %mul3A_1367 : f32 to vector<16xf32>
    %mul3A_1369 = arith.mulf %mul3A_1368, %add3A_1358 : vector<16xf32>
    %mul3A_1370 = arith.mulf %mul3A_1369, %bitcast3A_1366 : vector<16xf32>
    %mul3A_1371 = arith.mulf %mul3A_1370, %bitcast3A_1366 : vector<16xf32>
    %sub3A_1372 = arith.constant 1.500000e+00 : f32
    %sub3A_1373 = vector.broadcast %sub3A_1372 : f32 to vector<16xf32>
    %sub3A_1374 = arith.subf %sub3A_1373, %mul3A_1371 : vector<16xf32>
    %mul3A_1375 = arith.mulf %bitcast3A_1366, %sub3A_1374 : vector<16xf32>
    %mul3A_1376 = arith.constant 5.000000e-01 : f32
    %mul3A_1377 = vector.broadcast %mul3A_1376 : f32 to vector<16xf32>
    %mul3A_1378 = arith.mulf %mul3A_1377, %add3A_1358 : vector<16xf32>
    %mul3A_1379 = arith.mulf %mul3A_1378, %mul3A_1375 : vector<16xf32>
    %mul3A_1380 = arith.mulf %mul3A_1379, %mul3A_1375 : vector<16xf32>
    %sub3A_1381 = arith.constant 1.500000e+00 : f32
    %sub3A_1382 = vector.broadcast %sub3A_1381 : f32 to vector<16xf32>
    %sub3A_1383 = arith.subf %sub3A_1382, %mul3A_1380 : vector<16xf32>
    %mul3A_1384 = arith.mulf %mul3A_1375, %sub3A_1383 : vector<16xf32>
    %mul3A_1385 = arith.constant 5.000000e-01 : f32
    %mul3A_1386 = vector.broadcast %mul3A_1385 : f32 to vector<16xf32>
    %mul3A_1387 = arith.mulf %mul3A_1386, %add3A_1358 : vector<16xf32>
    %mul3A_1388 = arith.mulf %mul3A_1387, %mul3A_1384 : vector<16xf32>
    %mul3A_1389 = arith.mulf %mul3A_1388, %mul3A_1384 : vector<16xf32>
    %sub3A_1390 = arith.constant 1.500000e+00 : f32
    %sub3A_1391 = vector.broadcast %sub3A_1390 : f32 to vector<16xf32>
    %sub3A_1392 = arith.subf %sub3A_1391, %mul3A_1389 : vector<16xf32>
    %mul3A_1393 = arith.mulf %mul3A_1384, %sub3A_1392 : vector<16xf32>
    %swap3A_1394 = arith.constant 416 : index
    %swap3A_1395 = tpu.vector_load %arg12[%swap3A_1394] {strides = array<i32>} : memref<640xf32, #tpu.memory_space<vmem>>, vector<16xf32>,
    tpu.vector_store %arg12[%swap3A_1394], %mul3A_1393 {strides = array<i32>} : memref<640xf32, #tpu.memory_space<vmem>>, vector<16xf32>,
    %get3A_1396 = arith.constant 3 : i32
    %get3A_1397 = arith.index_cast %get3A_1396 : i32 to index
    %get3A_1398 = arith.constant 48 : index
    %get3A_1399 = tpu.vector_load %arg11[%get3A_1397, %get3A_1398] {strides = array<i32>} : memref<5x128xf32, #tpu.memory_space<vmem>>, vector<16xf32>,
    %add3A_1400 = arith.constant 1.000000e+00 : f32
    %add3A_1401 = vector.broadcast %add3A_1400 : f32 to vector<16xf32>
    %add3A_1402 = arith.addf %get3A_1399, %add3A_1401 : vector<16xf32>
    %bitcast3A_1403 = vector.bitcast %add3A_1402 : vector<16xf32> to vector<16xi32>
    %shift_right_arithmetic3A_1404 = arith.constant 1 : i32
    %shift_right_arithmetic3A_1405 = vector.broadcast %shift_right_arithmetic3A_1404 : i32 to vector<16xi32>
    %shift_right_arithmetic3A_1406 = arith.shrsi %bitcast3A_1403, %shift_right_arithmetic3A_1405 : vector<16xi32>
    %sub3A_1407 = arith.constant 1597463007 : i32
    %sub3A_1408 = vector.broadcast %sub3A_1407 : i32 to vector<16xi32>
    %sub3A_1409 = arith.subi %sub3A_1408, %shift_right_arithmetic3A_1406 : vector<16xi32>
    %bitcast3A_1410 = vector.bitcast %sub3A_1409 : vector<16xi32> to vector<16xf32>
    %mul3A_1411 = arith.constant 5.000000e-01 : f32
    %mul3A_1412 = vector.broadcast %mul3A_1411 : f32 to vector<16xf32>
    %mul3A_1413 = arith.mulf %mul3A_1412, %add3A_1402 : vector<16xf32>
    %mul3A_1414 = arith.mulf %mul3A_1413, %bitcast3A_1410 : vector<16xf32>
    %mul3A_1415 = arith.mulf %mul3A_1414, %bitcast3A_1410 : vector<16xf32>
    %sub3A_1416 = arith.constant 1.500000e+00 : f32
    %sub3A_1417 = vector.broadcast %sub3A_1416 : f32 to vector<16xf32>
    %sub3A_1418 = arith.subf %sub3A_1417, %mul3A_1415 : vector<16xf32>
    %mul3A_1419 = arith.mulf %bitcast3A_1410, %sub3A_1418 : vector<16xf32>
    %mul3A_1420 = arith.constant 5.000000e-01 : f32
    %mul3A_1421 = vector.broadcast %mul3A_1420 : f32 to vector<16xf32>
    %mul3A_1422 = arith.mulf %mul3A_1421, %add3A_1402 : vector<16xf32>
    %mul3A_1423 = arith.mulf %mul3A_1422, %mul3A_1419 : vector<16xf32>
    %mul3A_1424 = arith.mulf %mul3A_1423, %mul3A_1419 : vector<16xf32>
    %sub3A_1425 = arith.constant 1.500000e+00 : f32
    %sub3A_1426 = vector.broadcast %sub3A_1425 : f32 to vector<16xf32>
    %sub3A_1427 = arith.subf %sub3A_1426, %mul3A_1424 : vector<16xf32>
    %mul3A_1428 = arith.mulf %mul3A_1419, %sub3A_1427 : vector<16xf32>
    %mul3A_1429 = arith.constant 5.000000e-01 : f32
    %mul3A_1430 = vector.broadcast %mul3A_1429 : f32 to vector<16xf32>
    %mul3A_1431 = arith.mulf %mul3A_1430, %add3A_1402 : vector<16xf32>
    %mul3A_1432 = arith.mulf %mul3A_1431, %mul3A_1428 : vector<16xf32>
    %mul3A_1433 = arith.mulf %mul3A_1432, %mul3A_1428 : vector<16xf32>
    %sub3A_1434 = arith.constant 1.500000e+00 : f32
    %sub3A_1435 = vector.broadcast %sub3A_1434 : f32 to vector<16xf32>
    %sub3A_1436 = arith.subf %sub3A_1435, %mul3A_1433 : vector<16xf32>
    %mul3A_1437 = arith.mulf %mul3A_1428, %sub3A_1436 : vector<16xf32>
    %swap3A_1438 = arith.constant 432 : index
    %swap3A_1439 = tpu.vector_load %arg12[%swap3A_1438] {strides = array<i32>} : memref<640xf32, #tpu.memory_space<vmem>>, vector<16xf32>,
    tpu.vector_store %arg12[%swap3A_1438], %mul3A_1437 {strides = array<i32>} : memref<640xf32, #tpu.memory_space<vmem>>, vector<16xf32>,
    %get3A_1440 = arith.constant 3 : i32
    %get3A_1441 = arith.index_cast %get3A_1440 : i32 to index
    %get3A_1442 = arith.constant 64 : index
    %get3A_1443 = tpu.vector_load %arg11[%get3A_1441, %get3A_1442] {strides = array<i32>} : memref<5x128xf32, #tpu.memory_space<vmem>>, vector<16xf32>,
    %add3A_1444 = arith.constant 1.000000e+00 : f32
    %add3A_1445 = vector.broadcast %add3A_1444 : f32 to vector<16xf32>
    %add3A_1446 = arith.addf %get3A_1443, %add3A_1445 : vector<16xf32>
    %bitcast3A_1447 = vector.bitcast %add3A_1446 : vector<16xf32> to vector<16xi32>
    %shift_right_arithmetic3A_1448 = arith.constant 1 : i32
    %shift_right_arithmetic3A_1449 = vector.broadcast %shift_right_arithmetic3A_1448 : i32 to vector<16xi32>
    %shift_right_arithmetic3A_1450 = arith.shrsi %bitcast3A_1447, %shift_right_arithmetic3A_1449 : vector<16xi32>
    %sub3A_1451 = arith.constant 1597463007 : i32
    %sub3A_1452 = vector.broadcast %sub3A_1451 : i32 to vector<16xi32>
    %sub3A_1453 = arith.subi %sub3A_1452, %shift_right_arithmetic3A_1450 : vector<16xi32>
    %bitcast3A_1454 = vector.bitcast %sub3A_1453 : vector<16xi32> to vector<16xf32>
    %mul3A_1455 = arith.constant 5.000000e-01 : f32
    %mul3A_1456 = vector.broadcast %mul3A_1455 : f32 to vector<16xf32>
    %mul3A_1457 = arith.mulf %mul3A_1456, %add3A_1446 : vector<16xf32>
    %mul3A_1458 = arith.mulf %mul3A_1457, %bitcast3A_1454 : vector<16xf32>
    %mul3A_1459 = arith.mulf %mul3A_1458, %bitcast3A_1454 : vector<16xf32>
    %sub3A_1460 = arith.constant 1.500000e+00 : f32
    %sub3A_1461 = vector.broadcast %sub3A_1460 : f32 to vector<16xf32>
    %sub3A_1462 = arith.subf %sub3A_1461, %mul3A_1459 : vector<16xf32>
    %mul3A_1463 = arith.mulf %bitcast3A_1454, %sub3A_1462 : vector<16xf32>
    %mul3A_1464 = arith.constant 5.000000e-01 : f32
    %mul3A_1465 = vector.broadcast %mul3A_1464 : f32 to vector<16xf32>
    %mul3A_1466 = arith.mulf %mul3A_1465, %add3A_1446 : vector<16xf32>
    %mul3A_1467 = arith.mulf %mul3A_1466, %mul3A_1463 : vector<16xf32>
    %mul3A_1468 = arith.mulf %mul3A_1467, %mul3A_1463 : vector<16xf32>
    %sub3A_1469 = arith.constant 1.500000e+00 : f32
    %sub3A_1470 = vector.broadcast %sub3A_1469 : f32 to vector<16xf32>
    %sub3A_1471 = arith.subf %sub3A_1470, %mul3A_1468 : vector<16xf32>
    %mul3A_1472 = arith.mulf %mul3A_1463, %sub3A_1471 : vector<16xf32>
    %mul3A_1473 = arith.constant 5.000000e-01 : f32
    %mul3A_1474 = vector.broadcast %mul3A_1473 : f32 to vector<16xf32>
    %mul3A_1475 = arith.mulf %mul3A_1474, %add3A_1446 : vector<16xf32>
    %mul3A_1476 = arith.mulf %mul3A_1475, %mul3A_1472 : vector<16xf32>
    %mul3A_1477 = arith.mulf %mul3A_1476, %mul3A_1472 : vector<16xf32>
    %sub3A_1478 = arith.constant 1.500000e+00 : f32
    %sub3A_1479 = vector.broadcast %sub3A_1478 : f32 to vector<16xf32>
    %sub3A_1480 = arith.subf %sub3A_1479, %mul3A_1477 : vector<16xf32>
    %mul3A_1481 = arith.mulf %mul3A_1472, %sub3A_1480 : vector<16xf32>
    %swap3A_1482 = arith.constant 448 : index
    %swap3A_1483 = tpu.vector_load %arg12[%swap3A_1482] {strides = array<i32>} : memref<640xf32, #tpu.memory_space<vmem>>, vector<16xf32>,
    tpu.vector_store %arg12[%swap3A_1482], %mul3A_1481 {strides = array<i32>} : memref<640xf32, #tpu.memory_space<vmem>>, vector<16xf32>,
    %get3A_1484 = arith.constant 3 : i32
    %get3A_1485 = arith.index_cast %get3A_1484 : i32 to index
    %get3A_1486 = arith.constant 80 : index
    %get3A_1487 = tpu.vector_load %arg11[%get3A_1485, %get3A_1486] {strides = array<i32>} : memref<5x128xf32, #tpu.memory_space<vmem>>, vector<16xf32>,
    %add3A_1488 = arith.constant 1.000000e+00 : f32
    %add3A_1489 = vector.broadcast %add3A_1488 : f32 to vector<16xf32>
    %add3A_1490 = arith.addf %get3A_1487, %add3A_1489 : vector<16xf32>
    %bitcast3A_1491 = vector.bitcast %add3A_1490 : vector<16xf32> to vector<16xi32>
    %shift_right_arithmetic3A_1492 = arith.constant 1 : i32
    %shift_right_arithmetic3A_1493 = vector.broadcast %shift_right_arithmetic3A_1492 : i32 to vector<16xi32>
    %shift_right_arithmetic3A_1494 = arith.shrsi %bitcast3A_1491, %shift_right_arithmetic3A_1493 : vector<16xi32>
    %sub3A_1495 = arith.constant 1597463007 : i32
    %sub3A_1496 = vector.broadcast %sub3A_1495 : i32 to vector<16xi32>
    %sub3A_1497 = arith.subi %sub3A_1496, %shift_right_arithmetic3A_1494 : vector<16xi32>
    %bitcast3A_1498 = vector.bitcast %sub3A_1497 : vector<16xi32> to vector<16xf32>
    %mul3A_1499 = arith.constant 5.000000e-01 : f32
    %mul3A_1500 = vector.broadcast %mul3A_1499 : f32 to vector<16xf32>
    %mul3A_1501 = arith.mulf %mul3A_1500, %add3A_1490 : vector<16xf32>
    %mul3A_1502 = arith.mulf %mul3A_1501, %bitcast3A_1498 : vector<16xf32>
    %mul3A_1503 = arith.mulf %mul3A_1502, %bitcast3A_1498 : vector<16xf32>
    %sub3A_1504 = arith.constant 1.500000e+00 : f32
    %sub3A_1505 = vector.broadcast %sub3A_1504 : f32 to vector<16xf32>
    %sub3A_1506 = arith.subf %sub3A_1505, %mul3A_1503 : vector<16xf32>
    %mul3A_1507 = arith.mulf %bitcast3A_1498, %sub3A_1506 : vector<16xf32>
    %mul3A_1508 = arith.constant 5.000000e-01 : f32
    %mul3A_1509 = vector.broadcast %mul3A_1508 : f32 to vector<16xf32>
    %mul3A_1510 = arith.mulf %mul3A_1509, %add3A_1490 : vector<16xf32>
    %mul3A_1511 = arith.mulf %mul3A_1510, %mul3A_1507 : vector<16xf32>
    %mul3A_1512 = arith.mulf %mul3A_1511, %mul3A_1507 : vector<16xf32>
    %sub3A_1513 = arith.constant 1.500000e+00 : f32
    %sub3A_1514 = vector.broadcast %sub3A_1513 : f32 to vector<16xf32>
    %sub3A_1515 = arith.subf %sub3A_1514, %mul3A_1512 : vector<16xf32>
    %mul3A_1516 = arith.mulf %mul3A_1507, %sub3A_1515 : vector<16xf32>
    %mul3A_1517 = arith.constant 5.000000e-01 : f32
    %mul3A_1518 = vector.broadcast %mul3A_1517 : f32 to vector<16xf32>
    %mul3A_1519 = arith.mulf %mul3A_1518, %add3A_1490 : vector<16xf32>
    %mul3A_1520 = arith.mulf %mul3A_1519, %mul3A_1516 : vector<16xf32>
    %mul3A_1521 = arith.mulf %mul3A_1520, %mul3A_1516 : vector<16xf32>
    %sub3A_1522 = arith.constant 1.500000e+00 : f32
    %sub3A_1523 = vector.broadcast %sub3A_1522 : f32 to vector<16xf32>
    %sub3A_1524 = arith.subf %sub3A_1523, %mul3A_1521 : vector<16xf32>
    %mul3A_1525 = arith.mulf %mul3A_1516, %sub3A_1524 : vector<16xf32>
    %swap3A_1526 = arith.constant 464 : index
    %swap3A_1527 = tpu.vector_load %arg12[%swap3A_1526] {strides = array<i32>} : memref<640xf32, #tpu.memory_space<vmem>>, vector<16xf32>,
    tpu.vector_store %arg12[%swap3A_1526], %mul3A_1525 {strides = array<i32>} : memref<640xf32, #tpu.memory_space<vmem>>, vector<16xf32>,
    %get3A_1528 = arith.constant 3 : i32
    %get3A_1529 = arith.index_cast %get3A_1528 : i32 to index
    %get3A_1530 = arith.constant 96 : index
    %get3A_1531 = tpu.vector_load %arg11[%get3A_1529, %get3A_1530] {strides = array<i32>} : memref<5x128xf32, #tpu.memory_space<vmem>>, vector<16xf32>,
    %add3A_1532 = arith.constant 1.000000e+00 : f32
    %add3A_1533 = vector.broadcast %add3A_1532 : f32 to vector<16xf32>
    %add3A_1534 = arith.addf %get3A_1531, %add3A_1533 : vector<16xf32>
    %bitcast3A_1535 = vector.bitcast %add3A_1534 : vector<16xf32> to vector<16xi32>
    %shift_right_arithmetic3A_1536 = arith.constant 1 : i32
    %shift_right_arithmetic3A_1537 = vector.broadcast %shift_right_arithmetic3A_1536 : i32 to vector<16xi32>
    %shift_right_arithmetic3A_1538 = arith.shrsi %bitcast3A_1535, %shift_right_arithmetic3A_1537 : vector<16xi32>
    %sub3A_1539 = arith.constant 1597463007 : i32
    %sub3A_1540 = vector.broadcast %sub3A_1539 : i32 to vector<16xi32>
    %sub3A_1541 = arith.subi %sub3A_1540, %shift_right_arithmetic3A_1538 : vector<16xi32>
    %bitcast3A_1542 = vector.bitcast %sub3A_1541 : vector<16xi32> to vector<16xf32>
    %mul3A_1543 = arith.constant 5.000000e-01 : f32
    %mul3A_1544 = vector.broadcast %mul3A_1543 : f32 to vector<16xf32>
    %mul3A_1545 = arith.mulf %mul3A_1544, %add3A_1534 : vector<16xf32>
    %mul3A_1546 = arith.mulf %mul3A_1545, %bitcast3A_1542 : vector<16xf32>
    %mul3A_1547 = arith.mulf %mul3A_1546, %bitcast3A_1542 : vector<16xf32>
    %sub3A_1548 = arith.constant 1.500000e+00 : f32
    %sub3A_1549 = vector.broadcast %sub3A_1548 : f32 to vector<16xf32>
    %sub3A_1550 = arith.subf %sub3A_1549, %mul3A_1547 : vector<16xf32>
    %mul3A_1551 = arith.mulf %bitcast3A_1542, %sub3A_1550 : vector<16xf32>
    %mul3A_1552 = arith.constant 5.000000e-01 : f32
    %mul3A_1553 = vector.broadcast %mul3A_1552 : f32 to vector<16xf32>
    %mul3A_1554 = arith.mulf %mul3A_1553, %add3A_1534 : vector<16xf32>
    %mul3A_1555 = arith.mulf %mul3A_1554, %mul3A_1551 : vector<16xf32>
    %mul3A_1556 = arith.mulf %mul3A_1555, %mul3A_1551 : vector<16xf32>
    %sub3A_1557 = arith.constant 1.500000e+00 : f32
    %sub3A_1558 = vector.broadcast %sub3A_1557 : f32 to vector<16xf32>
    %sub3A_1559 = arith.subf %sub3A_1558, %mul3A_1556 : vector<16xf32>
    %mul3A_1560 = arith.mulf %mul3A_1551, %sub3A_1559 : vector<16xf32>
    %mul3A_1561 = arith.constant 5.000000e-01 : f32
    %mul3A_1562 = vector.broadcast %mul3A_1561 : f32 to vector<16xf32>
    %mul3A_1563 = arith.mulf %mul3A_1562, %add3A_1534 : vector<16xf32>
    %mul3A_1564 = arith.mulf %mul3A_1563, %mul3A_1560 : vector<16xf32>
    %mul3A_1565 = arith.mulf %mul3A_1564, %mul3A_1560 : vector<16xf32>
    %sub3A_1566 = arith.constant 1.500000e+00 : f32
    %sub3A_1567 = vector.broadcast %sub3A_1566 : f32 to vector<16xf32>
    %sub3A_1568 = arith.subf %sub3A_1567, %mul3A_1565 : vector<16xf32>
    %mul3A_1569 = arith.mulf %mul3A_1560, %sub3A_1568 : vector<16xf32>
    %swap3A_1570 = arith.constant 480 : index
    %swap3A_1571 = tpu.vector_load %arg12[%swap3A_1570] {strides = array<i32>} : memref<640xf32, #tpu.memory_space<vmem>>, vector<16xf32>,
    tpu.vector_store %arg12[%swap3A_1570], %mul3A_1569 {strides = array<i32>} : memref<640xf32, #tpu.memory_space<vmem>>, vector<16xf32>,
    %get3A_1572 = arith.constant 3 : i32
    %get3A_1573 = arith.index_cast %get3A_1572 : i32 to index
    %get3A_1574 = arith.constant 112 : index
    %get3A_1575 = tpu.vector_load %arg11[%get3A_1573, %get3A_1574] {strides = array<i32>} : memref<5x128xf32, #tpu.memory_space<vmem>>, vector<16xf32>,
    %add3A_1576 = arith.constant 1.000000e+00 : f32
    %add3A_1577 = vector.broadcast %add3A_1576 : f32 to vector<16xf32>
    %add3A_1578 = arith.addf %get3A_1575, %add3A_1577 : vector<16xf32>
    %bitcast3A_1579 = vector.bitcast %add3A_1578 : vector<16xf32> to vector<16xi32>
    %shift_right_arithmetic3A_1580 = arith.constant 1 : i32
    %shift_right_arithmetic3A_1581 = vector.broadcast %shift_right_arithmetic3A_1580 : i32 to vector<16xi32>
    %shift_right_arithmetic3A_1582 = arith.shrsi %bitcast3A_1579, %shift_right_arithmetic3A_1581 : vector<16xi32>
    %sub3A_1583 = arith.constant 1597463007 : i32
    %sub3A_1584 = vector.broadcast %sub3A_1583 : i32 to vector<16xi32>
    %sub3A_1585 = arith.subi %sub3A_1584, %shift_right_arithmetic3A_1582 : vector<16xi32>
    %bitcast3A_1586 = vector.bitcast %sub3A_1585 : vector<16xi32> to vector<16xf32>
    %mul3A_1587 = arith.constant 5.000000e-01 : f32
    %mul3A_1588 = vector.broadcast %mul3A_1587 : f32 to vector<16xf32>
    %mul3A_1589 = arith.mulf %mul3A_1588, %add3A_1578 : vector<16xf32>
    %mul3A_1590 = arith.mulf %mul3A_1589, %bitcast3A_1586 : vector<16xf32>
    %mul3A_1591 = arith.mulf %mul3A_1590, %bitcast3A_1586 : vector<16xf32>
    %sub3A_1592 = arith.constant 1.500000e+00 : f32
    %sub3A_1593 = vector.broadcast %sub3A_1592 : f32 to vector<16xf32>
    %sub3A_1594 = arith.subf %sub3A_1593, %mul3A_1591 : vector<16xf32>
    %mul3A_1595 = arith.mulf %bitcast3A_1586, %sub3A_1594 : vector<16xf32>
    %mul3A_1596 = arith.constant 5.000000e-01 : f32
    %mul3A_1597 = vector.broadcast %mul3A_1596 : f32 to vector<16xf32>
    %mul3A_1598 = arith.mulf %mul3A_1597, %add3A_1578 : vector<16xf32>
    %mul3A_1599 = arith.mulf %mul3A_1598, %mul3A_1595 : vector<16xf32>
    %mul3A_1600 = arith.mulf %mul3A_1599, %mul3A_1595 : vector<16xf32>
    %sub3A_1601 = arith.constant 1.500000e+00 : f32
    %sub3A_1602 = vector.broadcast %sub3A_1601 : f32 to vector<16xf32>
    %sub3A_1603 = arith.subf %sub3A_1602, %mul3A_1600 : vector<16xf32>
    %mul3A_1604 = arith.mulf %mul3A_1595, %sub3A_1603 : vector<16xf32>
    %mul3A_1605 = arith.constant 5.000000e-01 : f32
    %mul3A_1606 = vector.broadcast %mul3A_1605 : f32 to vector<16xf32>
    %mul3A_1607 = arith.mulf %mul3A_1606, %add3A_1578 : vector<16xf32>
    %mul3A_1608 = arith.mulf %mul3A_1607, %mul3A_1604 : vector<16xf32>
    %mul3A_1609 = arith.mulf %mul3A_1608, %mul3A_1604 : vector<16xf32>
    %sub3A_1610 = arith.constant 1.500000e+00 : f32
    %sub3A_1611 = vector.broadcast %sub3A_1610 : f32 to vector<16xf32>
    %sub3A_1612 = arith.subf %sub3A_1611, %mul3A_1609 : vector<16xf32>
    %mul3A_1613 = arith.mulf %mul3A_1604, %sub3A_1612 : vector<16xf32>
    %swap3A_1614 = arith.constant 496 : index
    %swap3A_1615 = tpu.vector_load %arg12[%swap3A_1614] {strides = array<i32>} : memref<640xf32, #tpu.memory_space<vmem>>, vector<16xf32>,
    tpu.vector_store %arg12[%swap3A_1614], %mul3A_1613 {strides = array<i32>} : memref<640xf32, #tpu.memory_space<vmem>>, vector<16xf32>,
    %get3A_1616 = arith.constant 4 : i32
    %get3A_1617 = arith.index_cast %get3A_1616 : i32 to index
    %get3A_1618 = arith.constant 0 : index
    %get3A_1619 = tpu.vector_load %arg11[%get3A_1617, %get3A_1618] {strides = array<i32>} : memref<5x128xf32, #tpu.memory_space<vmem>>, vector<16xf32>,
    %add3A_1620 = arith.constant 1.000000e+00 : f32
    %add3A_1621 = vector.broadcast %add3A_1620 : f32 to vector<16xf32>
    %add3A_1622 = arith.addf %get3A_1619, %add3A_1621 : vector<16xf32>
    %bitcast3A_1623 = vector.bitcast %add3A_1622 : vector<16xf32> to vector<16xi32>
    %shift_right_arithmetic3A_1624 = arith.constant 1 : i32
    %shift_right_arithmetic3A_1625 = vector.broadcast %shift_right_arithmetic3A_1624 : i32 to vector<16xi32>
    %shift_right_arithmetic3A_1626 = arith.shrsi %bitcast3A_1623, %shift_right_arithmetic3A_1625 : vector<16xi32>
    %sub3A_1627 = arith.constant 1597463007 : i32
    %sub3A_1628 = vector.broadcast %sub3A_1627 : i32 to vector<16xi32>
    %sub3A_1629 = arith.subi %sub3A_1628, %shift_right_arithmetic3A_1626 : vector<16xi32>
    %bitcast3A_1630 = vector.bitcast %sub3A_1629 : vector<16xi32> to vector<16xf32>
    %mul3A_1631 = arith.constant 5.000000e-01 : f32
    %mul3A_1632 = vector.broadcast %mul3A_1631 : f32 to vector<16xf32>
    %mul3A_1633 = arith.mulf %mul3A_1632, %add3A_1622 : vector<16xf32>
    %mul3A_1634 = arith.mulf %mul3A_1633, %bitcast3A_1630 : vector<16xf32>
    %mul3A_1635 = arith.mulf %mul3A_1634, %bitcast3A_1630 : vector<16xf32>
    %sub3A_1636 = arith.constant 1.500000e+00 : f32
    %sub3A_1637 = vector.broadcast %sub3A_1636 : f32 to vector<16xf32>
    %sub3A_1638 = arith.subf %sub3A_1637, %mul3A_1635 : vector<16xf32>
    %mul3A_1639 = arith.mulf %bitcast3A_1630, %sub3A_1638 : vector<16xf32>
    %mul3A_1640 = arith.constant 5.000000e-01 : f32
    %mul3A_1641 = vector.broadcast %mul3A_1640 : f32 to vector<16xf32>
    %mul3A_1642 = arith.mulf %mul3A_1641, %add3A_1622 : vector<16xf32>
    %mul3A_1643 = arith.mulf %mul3A_1642, %mul3A_1639 : vector<16xf32>
    %mul3A_1644 = arith.mulf %mul3A_1643, %mul3A_1639 : vector<16xf32>
    %sub3A_1645 = arith.constant 1.500000e+00 : f32
    %sub3A_1646 = vector.broadcast %sub3A_1645 : f32 to vector<16xf32>
    %sub3A_1647 = arith.subf %sub3A_1646, %mul3A_1644 : vector<16xf32>
    %mul3A_1648 = arith.mulf %mul3A_1639, %sub3A_1647 : vector<16xf32>
    %mul3A_1649 = arith.constant 5.000000e-01 : f32
    %mul3A_1650 = vector.broadcast %mul3A_1649 : f32 to vector<16xf32>
    %mul3A_1651 = arith.mulf %mul3A_1650, %add3A_1622 : vector<16xf32>
    %mul3A_1652 = arith.mulf %mul3A_1651, %mul3A_1648 : vector<16xf32>
    %mul3A_1653 = arith.mulf %mul3A_1652, %mul3A_1648 : vector<16xf32>
    %sub3A_1654 = arith.constant 1.500000e+00 : f32
    %sub3A_1655 = vector.broadcast %sub3A_1654 : f32 to vector<16xf32>
    %sub3A_1656 = arith.subf %sub3A_1655, %mul3A_1653 : vector<16xf32>
    %mul3A_1657 = arith.mulf %mul3A_1648, %sub3A_1656 : vector<16xf32>
    %swap3A_1658 = arith.constant 512 : index
    %swap3A_1659 = tpu.vector_load %arg12[%swap3A_1658] {strides = array<i32>} : memref<640xf32, #tpu.memory_space<vmem>>, vector<16xf32>,
    tpu.vector_store %arg12[%swap3A_1658], %mul3A_1657 {strides = array<i32>} : memref<640xf32, #tpu.memory_space<vmem>>, vector<16xf32>,
    %get3A_1660 = arith.constant 4 : i32
    %get3A_1661 = arith.index_cast %get3A_1660 : i32 to index
    %get3A_1662 = arith.constant 16 : index
    %get3A_1663 = tpu.vector_load %arg11[%get3A_1661, %get3A_1662] {strides = array<i32>} : memref<5x128xf32, #tpu.memory_space<vmem>>, vector<16xf32>,
    %add3A_1664 = arith.constant 1.000000e+00 : f32
    %add3A_1665 = vector.broadcast %add3A_1664 : f32 to vector<16xf32>
    %add3A_1666 = arith.addf %get3A_1663, %add3A_1665 : vector<16xf32>
    %bitcast3A_1667 = vector.bitcast %add3A_1666 : vector<16xf32> to vector<16xi32>
    %shift_right_arithmetic3A_1668 = arith.constant 1 : i32
    %shift_right_arithmetic3A_1669 = vector.broadcast %shift_right_arithmetic3A_1668 : i32 to vector<16xi32>
    %shift_right_arithmetic3A_1670 = arith.shrsi %bitcast3A_1667, %shift_right_arithmetic3A_1669 : vector<16xi32>
    %sub3A_1671 = arith.constant 1597463007 : i32
    %sub3A_1672 = vector.broadcast %sub3A_1671 : i32 to vector<16xi32>
    %sub3A_1673 = arith.subi %sub3A_1672, %shift_right_arithmetic3A_1670 : vector<16xi32>
    %bitcast3A_1674 = vector.bitcast %sub3A_1673 : vector<16xi32> to vector<16xf32>
    %mul3A_1675 = arith.constant 5.000000e-01 : f32
    %mul3A_1676 = vector.broadcast %mul3A_1675 : f32 to vector<16xf32>
    %mul3A_1677 = arith.mulf %mul3A_1676, %add3A_1666 : vector<16xf32>
    %mul3A_1678 = arith.mulf %mul3A_1677, %bitcast3A_1674 : vector<16xf32>
    %mul3A_1679 = arith.mulf %mul3A_1678, %bitcast3A_1674 : vector<16xf32>
    %sub3A_1680 = arith.constant 1.500000e+00 : f32
    %sub3A_1681 = vector.broadcast %sub3A_1680 : f32 to vector<16xf32>
    %sub3A_1682 = arith.subf %sub3A_1681, %mul3A_1679 : vector<16xf32>
    %mul3A_1683 = arith.mulf %bitcast3A_1674, %sub3A_1682 : vector<16xf32>
    %mul3A_1684 = arith.constant 5.000000e-01 : f32
    %mul3A_1685 = vector.broadcast %mul3A_1684 : f32 to vector<16xf32>
    %mul3A_1686 = arith.mulf %mul3A_1685, %add3A_1666 : vector<16xf32>
    %mul3A_1687 = arith.mulf %mul3A_1686, %mul3A_1683 : vector<16xf32>
    %mul3A_1688 = arith.mulf %mul3A_1687, %mul3A_1683 : vector<16xf32>
    %sub3A_1689 = arith.constant 1.500000e+00 : f32
    %sub3A_1690 = vector.broadcast %sub3A_1689 : f32 to vector<16xf32>
    %sub3A_1691 = arith.subf %sub3A_1690, %mul3A_1688 : vector<16xf32>
    %mul3A_1692 = arith.mulf %mul3A_1683, %sub3A_1691 : vector<16xf32>
    %mul3A_1693 = arith.constant 5.000000e-01 : f32
    %mul3A_1694 = vector.broadcast %mul3A_1693 : f32 to vector<16xf32>
    %mul3A_1695 = arith.mulf %mul3A_1694, %add3A_1666 : vector<16xf32>
    %mul3A_1696 = arith.mulf %mul3A_1695, %mul3A_1692 : vector<16xf32>
    %mul3A_1697 = arith.mulf %mul3A_1696, %mul3A_1692 : vector<16xf32>
    %sub3A_1698 = arith.constant 1.500000e+00 : f32
    %sub3A_1699 = vector.broadcast %sub3A_1698 : f32 to vector<16xf32>
    %sub3A_1700 = arith.subf %sub3A_1699, %mul3A_1697 : vector<16xf32>
    %mul3A_1701 = arith.mulf %mul3A_1692, %sub3A_1700 : vector<16xf32>
    %swap3A_1702 = arith.constant 528 : index
    %swap3A_1703 = tpu.vector_load %arg12[%swap3A_1702] {strides = array<i32>} : memref<640xf32, #tpu.memory_space<vmem>>, vector<16xf32>,
    tpu.vector_store %arg12[%swap3A_1702], %mul3A_1701 {strides = array<i32>} : memref<640xf32, #tpu.memory_space<vmem>>, vector<16xf32>,
    %get3A_1704 = arith.constant 4 : i32
    %get3A_1705 = arith.index_cast %get3A_1704 : i32 to index
    %get3A_1706 = arith.constant 32 : index
    %get3A_1707 = tpu.vector_load %arg11[%get3A_1705, %get3A_1706] {strides = array<i32>} : memref<5x128xf32, #tpu.memory_space<vmem>>, vector<16xf32>,
    %add3A_1708 = arith.constant 1.000000e+00 : f32
    %add3A_1709 = vector.broadcast %add3A_1708 : f32 to vector<16xf32>
    %add3A_1710 = arith.addf %get3A_1707, %add3A_1709 : vector<16xf32>
    %bitcast3A_1711 = vector.bitcast %add3A_1710 : vector<16xf32> to vector<16xi32>
    %shift_right_arithmetic3A_1712 = arith.constant 1 : i32
    %shift_right_arithmetic3A_1713 = vector.broadcast %shift_right_arithmetic3A_1712 : i32 to vector<16xi32>
    %shift_right_arithmetic3A_1714 = arith.shrsi %bitcast3A_1711, %shift_right_arithmetic3A_1713 : vector<16xi32>
    %sub3A_1715 = arith.constant 1597463007 : i32
    %sub3A_1716 = vector.broadcast %sub3A_1715 : i32 to vector<16xi32>
    %sub3A_1717 = arith.subi %sub3A_1716, %shift_right_arithmetic3A_1714 : vector<16xi32>
    %bitcast3A_1718 = vector.bitcast %sub3A_1717 : vector<16xi32> to vector<16xf32>
    %mul3A_1719 = arith.constant 5.000000e-01 : f32
    %mul3A_1720 = vector.broadcast %mul3A_1719 : f32 to vector<16xf32>
    %mul3A_1721 = arith.mulf %mul3A_1720, %add3A_1710 : vector<16xf32>
    %mul3A_1722 = arith.mulf %mul3A_1721, %bitcast3A_1718 : vector<16xf32>
    %mul3A_1723 = arith.mulf %mul3A_1722, %bitcast3A_1718 : vector<16xf32>
    %sub3A_1724 = arith.constant 1.500000e+00 : f32
    %sub3A_1725 = vector.broadcast %sub3A_1724 : f32 to vector<16xf32>
    %sub3A_1726 = arith.subf %sub3A_1725, %mul3A_1723 : vector<16xf32>
    %mul3A_1727 = arith.mulf %bitcast3A_1718, %sub3A_1726 : vector<16xf32>
    %mul3A_1728 = arith.constant 5.000000e-01 : f32
    %mul3A_1729 = vector.broadcast %mul3A_1728 : f32 to vector<16xf32>
    %mul3A_1730 = arith.mulf %mul3A_1729, %add3A_1710 : vector<16xf32>
    %mul3A_1731 = arith.mulf %mul3A_1730, %mul3A_1727 : vector<16xf32>
    %mul3A_1732 = arith.mulf %mul3A_1731, %mul3A_1727 : vector<16xf32>
    %sub3A_1733 = arith.constant 1.500000e+00 : f32
    %sub3A_1734 = vector.broadcast %sub3A_1733 : f32 to vector<16xf32>
    %sub3A_1735 = arith.subf %sub3A_1734, %mul3A_1732 : vector<16xf32>
    %mul3A_1736 = arith.mulf %mul3A_1727, %sub3A_1735 : vector<16xf32>
    %mul3A_1737 = arith.constant 5.000000e-01 : f32
    %mul3A_1738 = vector.broadcast %mul3A_1737 : f32 to vector<16xf32>
    %mul3A_1739 = arith.mulf %mul3A_1738, %add3A_1710 : vector<16xf32>
    %mul3A_1740 = arith.mulf %mul3A_1739, %mul3A_1736 : vector<16xf32>
    %mul3A_1741 = arith.mulf %mul3A_1740, %mul3A_1736 : vector<16xf32>
    %sub3A_1742 = arith.constant 1.500000e+00 : f32
    %sub3A_1743 = vector.broadcast %sub3A_1742 : f32 to vector<16xf32>
    %sub3A_1744 = arith.subf %sub3A_1743, %mul3A_1741 : vector<16xf32>
    %mul3A_1745 = arith.mulf %mul3A_1736, %sub3A_1744 : vector<16xf32>
    %swap3A_1746 = arith.constant 544 : index
    %swap3A_1747 = tpu.vector_load %arg12[%swap3A_1746] {strides = array<i32>} : memref<640xf32, #tpu.memory_space<vmem>>, vector<16xf32>,
    tpu.vector_store %arg12[%swap3A_1746], %mul3A_1745 {strides = array<i32>} : memref<640xf32, #tpu.memory_space<vmem>>, vector<16xf32>,
    %get3A_1748 = arith.constant 4 : i32
    %get3A_1749 = arith.index_cast %get3A_1748 : i32 to index
    %get3A_1750 = arith.constant 48 : index
    %get3A_1751 = tpu.vector_load %arg11[%get3A_1749, %get3A_1750] {strides = array<i32>} : memref<5x128xf32, #tpu.memory_space<vmem>>, vector<16xf32>,
    %add3A_1752 = arith.constant 1.000000e+00 : f32
    %add3A_1753 = vector.broadcast %add3A_1752 : f32 to vector<16xf32>
    %add3A_1754 = arith.addf %get3A_1751, %add3A_1753 : vector<16xf32>
    %bitcast3A_1755 = vector.bitcast %add3A_1754 : vector<16xf32> to vector<16xi32>
    %shift_right_arithmetic3A_1756 = arith.constant 1 : i32
    %shift_right_arithmetic3A_1757 = vector.broadcast %shift_right_arithmetic3A_1756 : i32 to vector<16xi32>
    %shift_right_arithmetic3A_1758 = arith.shrsi %bitcast3A_1755, %shift_right_arithmetic3A_1757 : vector<16xi32>
    %sub3A_1759 = arith.constant 1597463007 : i32
    %sub3A_1760 = vector.broadcast %sub3A_1759 : i32 to vector<16xi32>
    %sub3A_1761 = arith.subi %sub3A_1760, %shift_right_arithmetic3A_1758 : vector<16xi32>
    %bitcast3A_1762 = vector.bitcast %sub3A_1761 : vector<16xi32> to vector<16xf32>
    %mul3A_1763 = arith.constant 5.000000e-01 : f32
    %mul3A_1764 = vector.broadcast %mul3A_1763 : f32 to vector<16xf32>
    %mul3A_1765 = arith.mulf %mul3A_1764, %add3A_1754 : vector<16xf32>
    %mul3A_1766 = arith.mulf %mul3A_1765, %bitcast3A_1762 : vector<16xf32>
    %mul3A_1767 = arith.mulf %mul3A_1766, %bitcast3A_1762 : vector<16xf32>
    %sub3A_1768 = arith.constant 1.500000e+00 : f32
    %sub3A_1769 = vector.broadcast %sub3A_1768 : f32 to vector<16xf32>
    %sub3A_1770 = arith.subf %sub3A_1769, %mul3A_1767 : vector<16xf32>
    %mul3A_1771 = arith.mulf %bitcast3A_1762, %sub3A_1770 : vector<16xf32>
    %mul3A_1772 = arith.constant 5.000000e-01 : f32
    %mul3A_1773 = vector.broadcast %mul3A_1772 : f32 to vector<16xf32>
    %mul3A_1774 = arith.mulf %mul3A_1773, %add3A_1754 : vector<16xf32>
    %mul3A_1775 = arith.mulf %mul3A_1774, %mul3A_1771 : vector<16xf32>
    %mul3A_1776 = arith.mulf %mul3A_1775, %mul3A_1771 : vector<16xf32>
    %sub3A_1777 = arith.constant 1.500000e+00 : f32
    %sub3A_1778 = vector.broadcast %sub3A_1777 : f32 to vector<16xf32>
    %sub3A_1779 = arith.subf %sub3A_1778, %mul3A_1776 : vector<16xf32>
    %mul3A_1780 = arith.mulf %mul3A_1771, %sub3A_1779 : vector<16xf32>
    %mul3A_1781 = arith.constant 5.000000e-01 : f32
    %mul3A_1782 = vector.broadcast %mul3A_1781 : f32 to vector<16xf32>
    %mul3A_1783 = arith.mulf %mul3A_1782, %add3A_1754 : vector<16xf32>
    %mul3A_1784 = arith.mulf %mul3A_1783, %mul3A_1780 : vector<16xf32>
    %mul3A_1785 = arith.mulf %mul3A_1784, %mul3A_1780 : vector<16xf32>
    %sub3A_1786 = arith.constant 1.500000e+00 : f32
    %sub3A_1787 = vector.broadcast %sub3A_1786 : f32 to vector<16xf32>
    %sub3A_1788 = arith.subf %sub3A_1787, %mul3A_1785 : vector<16xf32>
    %mul3A_1789 = arith.mulf %mul3A_1780, %sub3A_1788 : vector<16xf32>
    %swap3A_1790 = arith.constant 560 : index
    %swap3A_1791 = tpu.vector_load %arg12[%swap3A_1790] {strides = array<i32>} : memref<640xf32, #tpu.memory_space<vmem>>, vector<16xf32>,
    tpu.vector_store %arg12[%swap3A_1790], %mul3A_1789 {strides = array<i32>} : memref<640xf32, #tpu.memory_space<vmem>>, vector<16xf32>,
    %get3A_1792 = arith.constant 4 : i32
    %get3A_1793 = arith.index_cast %get3A_1792 : i32 to index
    %get3A_1794 = arith.constant 64 : index
    %get3A_1795 = tpu.vector_load %arg11[%get3A_1793, %get3A_1794] {strides = array<i32>} : memref<5x128xf32, #tpu.memory_space<vmem>>, vector<16xf32>,
    %add3A_1796 = arith.constant 1.000000e+00 : f32
    %add3A_1797 = vector.broadcast %add3A_1796 : f32 to vector<16xf32>
    %add3A_1798 = arith.addf %get3A_1795, %add3A_1797 : vector<16xf32>
    %bitcast3A_1799 = vector.bitcast %add3A_1798 : vector<16xf32> to vector<16xi32>
    %shift_right_arithmetic3A_1800 = arith.constant 1 : i32
    %shift_right_arithmetic3A_1801 = vector.broadcast %shift_right_arithmetic3A_1800 : i32 to vector<16xi32>
    %shift_right_arithmetic3A_1802 = arith.shrsi %bitcast3A_1799, %shift_right_arithmetic3A_1801 : vector<16xi32>
    %sub3A_1803 = arith.constant 1597463007 : i32
    %sub3A_1804 = vector.broadcast %sub3A_1803 : i32 to vector<16xi32>
    %sub3A_1805 = arith.subi %sub3A_1804, %shift_right_arithmetic3A_1802 : vector<16xi32>
    %bitcast3A_1806 = vector.bitcast %sub3A_1805 : vector<16xi32> to vector<16xf32>
    %mul3A_1807 = arith.constant 5.000000e-01 : f32
    %mul3A_1808 = vector.broadcast %mul3A_1807 : f32 to vector<16xf32>
    %mul3A_1809 = arith.mulf %mul3A_1808, %add3A_1798 : vector<16xf32>
    %mul3A_1810 = arith.mulf %mul3A_1809, %bitcast3A_1806 : vector<16xf32>
    %mul3A_1811 = arith.mulf %mul3A_1810, %bitcast3A_1806 : vector<16xf32>
    %sub3A_1812 = arith.constant 1.500000e+00 : f32
    %sub3A_1813 = vector.broadcast %sub3A_1812 : f32 to vector<16xf32>
    %sub3A_1814 = arith.subf %sub3A_1813, %mul3A_1811 : vector<16xf32>
    %mul3A_1815 = arith.mulf %bitcast3A_1806, %sub3A_1814 : vector<16xf32>
    %mul3A_1816 = arith.constant 5.000000e-01 : f32
    %mul3A_1817 = vector.broadcast %mul3A_1816 : f32 to vector<16xf32>
    %mul3A_1818 = arith.mulf %mul3A_1817, %add3A_1798 : vector<16xf32>
    %mul3A_1819 = arith.mulf %mul3A_1818, %mul3A_1815 : vector<16xf32>
    %mul3A_1820 = arith.mulf %mul3A_1819, %mul3A_1815 : vector<16xf32>
    %sub3A_1821 = arith.constant 1.500000e+00 : f32
    %sub3A_1822 = vector.broadcast %sub3A_1821 : f32 to vector<16xf32>
    %sub3A_1823 = arith.subf %sub3A_1822, %mul3A_1820 : vector<16xf32>
    %mul3A_1824 = arith.mulf %mul3A_1815, %sub3A_1823 : vector<16xf32>
    %mul3A_1825 = arith.constant 5.000000e-01 : f32
    %mul3A_1826 = vector.broadcast %mul3A_1825 : f32 to vector<16xf32>
    %mul3A_1827 = arith.mulf %mul3A_1826, %add3A_1798 : vector<16xf32>
    %mul3A_1828 = arith.mulf %mul3A_1827, %mul3A_1824 : vector<16xf32>
    %mul3A_1829 = arith.mulf %mul3A_1828, %mul3A_1824 : vector<16xf32>
    %sub3A_1830 = arith.constant 1.500000e+00 : f32
    %sub3A_1831 = vector.broadcast %sub3A_1830 : f32 to vector<16xf32>
    %sub3A_1832 = arith.subf %sub3A_1831, %mul3A_1829 : vector<16xf32>
    %mul3A_1833 = arith.mulf %mul3A_1824, %sub3A_1832 : vector<16xf32>
    %swap3A_1834 = arith.constant 576 : index
    %swap3A_1835 = tpu.vector_load %arg12[%swap3A_1834] {strides = array<i32>} : memref<640xf32, #tpu.memory_space<vmem>>, vector<16xf32>,
    tpu.vector_store %arg12[%swap3A_1834], %mul3A_1833 {strides = array<i32>} : memref<640xf32, #tpu.memory_space<vmem>>, vector<16xf32>,
    %get3A_1836 = arith.constant 4 : i32
    %get3A_1837 = arith.index_cast %get3A_1836 : i32 to index
    %get3A_1838 = arith.constant 80 : index
    %get3A_1839 = tpu.vector_load %arg11[%get3A_1837, %get3A_1838] {strides = array<i32>} : memref<5x128xf32, #tpu.memory_space<vmem>>, vector<16xf32>,
    %add3A_1840 = arith.constant 1.000000e+00 : f32
    %add3A_1841 = vector.broadcast %add3A_1840 : f32 to vector<16xf32>
    %add3A_1842 = arith.addf %get3A_1839, %add3A_1841 : vector<16xf32>
    %bitcast3A_1843 = vector.bitcast %add3A_1842 : vector<16xf32> to vector<16xi32>
    %shift_right_arithmetic3A_1844 = arith.constant 1 : i32
    %shift_right_arithmetic3A_1845 = vector.broadcast %shift_right_arithmetic3A_1844 : i32 to vector<16xi32>
    %shift_right_arithmetic3A_1846 = arith.shrsi %bitcast3A_1843, %shift_right_arithmetic3A_1845 : vector<16xi32>
    %sub3A_1847 = arith.constant 1597463007 : i32
    %sub3A_1848 = vector.broadcast %sub3A_1847 : i32 to vector<16xi32>
    %sub3A_1849 = arith.subi %sub3A_1848, %shift_right_arithmetic3A_1846 : vector<16xi32>
    %bitcast3A_1850 = vector.bitcast %sub3A_1849 : vector<16xi32> to vector<16xf32>
    %mul3A_1851 = arith.constant 5.000000e-01 : f32
    %mul3A_1852 = vector.broadcast %mul3A_1851 : f32 to vector<16xf32>
    %mul3A_1853 = arith.mulf %mul3A_1852, %add3A_1842 : vector<16xf32>
    %mul3A_1854 = arith.mulf %mul3A_1853, %bitcast3A_1850 : vector<16xf32>
    %mul3A_1855 = arith.mulf %mul3A_1854, %bitcast3A_1850 : vector<16xf32>
    %sub3A_1856 = arith.constant 1.500000e+00 : f32
    %sub3A_1857 = vector.broadcast %sub3A_1856 : f32 to vector<16xf32>
    %sub3A_1858 = arith.subf %sub3A_1857, %mul3A_1855 : vector<16xf32>
    %mul3A_1859 = arith.mulf %bitcast3A_1850, %sub3A_1858 : vector<16xf32>
    %mul3A_1860 = arith.constant 5.000000e-01 : f32
    %mul3A_1861 = vector.broadcast %mul3A_1860 : f32 to vector<16xf32>
    %mul3A_1862 = arith.mulf %mul3A_1861, %add3A_1842 : vector<16xf32>
    %mul3A_1863 = arith.mulf %mul3A_1862, %mul3A_1859 : vector<16xf32>
    %mul3A_1864 = arith.mulf %mul3A_1863, %mul3A_1859 : vector<16xf32>
    %sub3A_1865 = arith.constant 1.500000e+00 : f32
    %sub3A_1866 = vector.broadcast %sub3A_1865 : f32 to vector<16xf32>
    %sub3A_1867 = arith.subf %sub3A_1866, %mul3A_1864 : vector<16xf32>
    %mul3A_1868 = arith.mulf %mul3A_1859, %sub3A_1867 : vector<16xf32>
    %mul3A_1869 = arith.constant 5.000000e-01 : f32
    %mul3A_1870 = vector.broadcast %mul3A_1869 : f32 to vector<16xf32>
    %mul3A_1871 = arith.mulf %mul3A_1870, %add3A_1842 : vector<16xf32>
    %mul3A_1872 = arith.mulf %mul3A_1871, %mul3A_1868 : vector<16xf32>
    %mul3A_1873 = arith.mulf %mul3A_1872, %mul3A_1868 : vector<16xf32>
    %sub3A_1874 = arith.constant 1.500000e+00 : f32
    %sub3A_1875 = vector.broadcast %sub3A_1874 : f32 to vector<16xf32>
    %sub3A_1876 = arith.subf %sub3A_1875, %mul3A_1873 : vector<16xf32>
    %mul3A_1877 = arith.mulf %mul3A_1868, %sub3A_1876 : vector<16xf32>
    %swap3A_1878 = arith.constant 592 : index
    %swap3A_1879 = tpu.vector_load %arg12[%swap3A_1878] {strides = array<i32>} : memref<640xf32, #tpu.memory_space<vmem>>, vector<16xf32>,
    tpu.vector_store %arg12[%swap3A_1878], %mul3A_1877 {strides = array<i32>} : memref<640xf32, #tpu.memory_space<vmem>>, vector<16xf32>,
    %get3A_1880 = arith.constant 4 : i32
    %get3A_1881 = arith.index_cast %get3A_1880 : i32 to index
    %get3A_1882 = arith.constant 96 : index
    %get3A_1883 = tpu.vector_load %arg11[%get3A_1881, %get3A_1882] {strides = array<i32>} : memref<5x128xf32, #tpu.memory_space<vmem>>, vector<16xf32>,
    %add3A_1884 = arith.constant 1.000000e+00 : f32
    %add3A_1885 = vector.broadcast %add3A_1884 : f32 to vector<16xf32>
    %add3A_1886 = arith.addf %get3A_1883, %add3A_1885 : vector<16xf32>
    %bitcast3A_1887 = vector.bitcast %add3A_1886 : vector<16xf32> to vector<16xi32>
    %shift_right_arithmetic3A_1888 = arith.constant 1 : i32
    %shift_right_arithmetic3A_1889 = vector.broadcast %shift_right_arithmetic3A_1888 : i32 to vector<16xi32>
    %shift_right_arithmetic3A_1890 = arith.shrsi %bitcast3A_1887, %shift_right_arithmetic3A_1889 : vector<16xi32>
    %sub3A_1891 = arith.constant 1597463007 : i32
    %sub3A_1892 = vector.broadcast %sub3A_1891 : i32 to vector<16xi32>
    %sub3A_1893 = arith.subi %sub3A_1892, %shift_right_arithmetic3A_1890 : vector<16xi32>
    %bitcast3A_1894 = vector.bitcast %sub3A_1893 : vector<16xi32> to vector<16xf32>
    %mul3A_1895 = arith.constant 5.000000e-01 : f32
    %mul3A_1896 = vector.broadcast %mul3A_1895 : f32 to vector<16xf32>
    %mul3A_1897 = arith.mulf %mul3A_1896, %add3A_1886 : vector<16xf32>
    %mul3A_1898 = arith.mulf %mul3A_1897, %bitcast3A_1894 : vector<16xf32>
    %mul3A_1899 = arith.mulf %mul3A_1898, %bitcast3A_1894 : vector<16xf32>
    %sub3A_1900 = arith.constant 1.500000e+00 : f32
    %sub3A_1901 = vector.broadcast %sub3A_1900 : f32 to vector<16xf32>
    %sub3A_1902 = arith.subf %sub3A_1901, %mul3A_1899 : vector<16xf32>
    %mul3A_1903 = arith.mulf %bitcast3A_1894, %sub3A_1902 : vector<16xf32>
    %mul3A_1904 = arith.constant 5.000000e-01 : f32
    %mul3A_1905 = vector.broadcast %mul3A_1904 : f32 to vector<16xf32>
    %mul3A_1906 = arith.mulf %mul3A_1905, %add3A_1886 : vector<16xf32>
    %mul3A_1907 = arith.mulf %mul3A_1906, %mul3A_1903 : vector<16xf32>
    %mul3A_1908 = arith.mulf %mul3A_1907, %mul3A_1903 : vector<16xf32>
    %sub3A_1909 = arith.constant 1.500000e+00 : f32
    %sub3A_1910 = vector.broadcast %sub3A_1909 : f32 to vector<16xf32>
    %sub3A_1911 = arith.subf %sub3A_1910, %mul3A_1908 : vector<16xf32>
    %mul3A_1912 = arith.mulf %mul3A_1903, %sub3A_1911 : vector<16xf32>
    %mul3A_1913 = arith.constant 5.000000e-01 : f32
    %mul3A_1914 = vector.broadcast %mul3A_1913 : f32 to vector<16xf32>
    %mul3A_1915 = arith.mulf %mul3A_1914, %add3A_1886 : vector<16xf32>
    %mul3A_1916 = arith.mulf %mul3A_1915, %mul3A_1912 : vector<16xf32>
    %mul3A_1917 = arith.mulf %mul3A_1916, %mul3A_1912 : vector<16xf32>
    %sub3A_1918 = arith.constant 1.500000e+00 : f32
    %sub3A_1919 = vector.broadcast %sub3A_1918 : f32 to vector<16xf32>
    %sub3A_1920 = arith.subf %sub3A_1919, %mul3A_1917 : vector<16xf32>
    %mul3A_1921 = arith.mulf %mul3A_1912, %sub3A_1920 : vector<16xf32>
    %swap3A_1922 = arith.constant 608 : index
    %swap3A_1923 = tpu.vector_load %arg12[%swap3A_1922] {strides = array<i32>} : memref<640xf32, #tpu.memory_space<vmem>>, vector<16xf32>,
    tpu.vector_store %arg12[%swap3A_1922], %mul3A_1921 {strides = array<i32>} : memref<640xf32, #tpu.memory_space<vmem>>, vector<16xf32>,
    %get3A_1924 = arith.constant 4 : i32
    %get3A_1925 = arith.index_cast %get3A_1924 : i32 to index
    %get3A_1926 = arith.constant 112 : index
    %get3A_1927 = tpu.vector_load %arg11[%get3A_1925, %get3A_1926] {strides = array<i32>} : memref<5x128xf32, #tpu.memory_space<vmem>>, vector<16xf32>,
    %add3A_1928 = arith.constant 1.000000e+00 : f32
    %add3A_1929 = vector.broadcast %add3A_1928 : f32 to vector<16xf32>
    %add3A_1930 = arith.addf %get3A_1927, %add3A_1929 : vector<16xf32>
    %bitcast3A_1931 = vector.bitcast %add3A_1930 : vector<16xf32> to vector<16xi32>
    %shift_right_arithmetic3A_1932 = arith.constant 1 : i32
    %shift_right_arithmetic3A_1933 = vector.broadcast %shift_right_arithmetic3A_1932 : i32 to vector<16xi32>
    %shift_right_arithmetic3A_1934 = arith.shrsi %bitcast3A_1931, %shift_right_arithmetic3A_1933 : vector<16xi32>
    %sub3A_1935 = arith.constant 1597463007 : i32
    %sub3A_1936 = vector.broadcast %sub3A_1935 : i32 to vector<16xi32>
    %sub3A_1937 = arith.subi %sub3A_1936, %shift_right_arithmetic3A_1934 : vector<16xi32>
    %bitcast3A_1938 = vector.bitcast %sub3A_1937 : vector<16xi32> to vector<16xf32>
    %mul3A_1939 = arith.constant 5.000000e-01 : f32
    %mul3A_1940 = vector.broadcast %mul3A_1939 : f32 to vector<16xf32>
    %mul3A_1941 = arith.mulf %mul3A_1940, %add3A_1930 : vector<16xf32>
    %mul3A_1942 = arith.mulf %mul3A_1941, %bitcast3A_1938 : vector<16xf32>
    %mul3A_1943 = arith.mulf %mul3A_1942, %bitcast3A_1938 : vector<16xf32>
    %sub3A_1944 = arith.constant 1.500000e+00 : f32
    %sub3A_1945 = vector.broadcast %sub3A_1944 : f32 to vector<16xf32>
    %sub3A_1946 = arith.subf %sub3A_1945, %mul3A_1943 : vector<16xf32>
    %mul3A_1947 = arith.mulf %bitcast3A_1938, %sub3A_1946 : vector<16xf32>
    %mul3A_1948 = arith.constant 5.000000e-01 : f32
    %mul3A_1949 = vector.broadcast %mul3A_1948 : f32 to vector<16xf32>
    %mul3A_1950 = arith.mulf %mul3A_1949, %add3A_1930 : vector<16xf32>
    %mul3A_1951 = arith.mulf %mul3A_1950, %mul3A_1947 : vector<16xf32>
    %mul3A_1952 = arith.mulf %mul3A_1951, %mul3A_1947 : vector<16xf32>
    %sub3A_1953 = arith.constant 1.500000e+00 : f32
    %sub3A_1954 = vector.broadcast %sub3A_1953 : f32 to vector<16xf32>
    %sub3A_1955 = arith.subf %sub3A_1954, %mul3A_1952 : vector<16xf32>
    %mul3A_1956 = arith.mulf %mul3A_1947, %sub3A_1955 : vector<16xf32>
    %mul3A_1957 = arith.constant 5.000000e-01 : f32
    %mul3A_1958 = vector.broadcast %mul3A_1957 : f32 to vector<16xf32>
    %mul3A_1959 = arith.mulf %mul3A_1958, %add3A_1930 : vector<16xf32>
    %mul3A_1960 = arith.mulf %mul3A_1959, %mul3A_1956 : vector<16xf32>
    %mul3A_1961 = arith.mulf %mul3A_1960, %mul3A_1956 : vector<16xf32>
    %sub3A_1962 = arith.constant 1.500000e+00 : f32
    %sub3A_1963 = vector.broadcast %sub3A_1962 : f32 to vector<16xf32>
    %sub3A_1964 = arith.subf %sub3A_1963, %mul3A_1961 : vector<16xf32>
    %mul3A_1965 = arith.mulf %mul3A_1956, %sub3A_1964 : vector<16xf32>
    %swap3A_1966 = arith.constant 624 : index
    %swap3A_1967 = tpu.vector_load %arg12[%swap3A_1966] {strides = array<i32>} : memref<640xf32, #tpu.memory_space<vmem>>, vector<16xf32>,
    tpu.vector_store %arg12[%swap3A_1966], %mul3A_1965 {strides = array<i32>} : memref<640xf32, #tpu.memory_space<vmem>>, vector<16xf32>,
    %mul3A_1968 = arith.constant 640 : i32
    %mul3A_1969 = arith.muli %arg1, %mul3A_1968 : i32
    "tpu.region"() ({
      %run_scoped3A = tpu.sem_alloc : memref<!tpu.dma_semaphore, #tpu.memory_space<semaphore_mem>>
      %dma_start3A_2228 = tpu.memref_slice %arg16[%mul3A_1969] : memref<10240xf32, #tpu.memory_space<vmem_shared>> -> memref<640xf32, #tpu.memory_space<vmem_shared>>
      %dma_start3A_2229 = tpu.memref_slice %arg16[%mul3A_1969] : memref<10240xf32, #tpu.memory_space<vmem_shared>> -> memref<640xf32, #tpu.memory_space<vmem_shared>>
      tpu.enqueue_dma source(%arg12 : memref<640xf32, #tpu.memory_space<vmem>>) target(%dma_start3A_2229 : memref<640xf32, #tpu.memory_space<vmem_shared>>) target_semaphore(%run_scoped3A : memref<!tpu.dma_semaphore, #tpu.memory_space<semaphore_mem>>)
      %dma_wait3A_2230 = tpu.memref_slice %arg16[%mul3A_1969] : memref<10240xf32, #tpu.memory_space<vmem_shared>> -> memref<640xf32, #tpu.memory_space<vmem_shared>>
      %dma_wait3A_2231 = tpu.memref_slice %arg16[%mul3A_1969] : memref<10240xf32, #tpu.memory_space<vmem_shared>> -> memref<640xf32, #tpu.memory_space<vmem_shared>>
      tpu.wait_dma2 semaphore(%run_scoped3A : memref<!tpu.dma_semaphore, #tpu.memory_space<semaphore_mem>>) src(%arg12 : memref<640xf32, #tpu.memory_space<vmem>>) dst(%dma_wait3A_2231 : memref<640xf32, #tpu.memory_space<vmem_shared>>)
      tpu.yield
    }) : () -> ()
    %mul3A_1970 = arith.constant 640 : i32
    %mul3A_1971 = arith.muli %arg1, %mul3A_1970 : i32
    "tpu.region"() ({
      %run_scoped3A = tpu.sem_alloc : memref<!tpu.dma_semaphore, #tpu.memory_space<semaphore_mem>>
      %dma_start3A_2228 = tpu.memref_slice %arg4[%arg0, %mul3A_1971] : memref<2x10240xf32, #tpu.memory_space<hbm>> -> memref<1x640xf32, #tpu.memory_space<hbm>>
      %dma_start3A_2229 = tpu.memref_squeeze %dma_start3A_2228 : memref<1x640xf32, #tpu.memory_space<hbm>> -> memref<640xf32, #tpu.memory_space<hbm>>
      %dma_start3A_2230 = tpu.memref_slice %arg4[%arg0, %mul3A_1971] : memref<2x10240xf32, #tpu.memory_space<hbm>> -> memref<1x640xf32, #tpu.memory_space<hbm>>
      %dma_start3A_2231 = tpu.memref_squeeze %dma_start3A_2230 : memref<1x640xf32, #tpu.memory_space<hbm>> -> memref<640xf32, #tpu.memory_space<hbm>>
      tpu.enqueue_dma source(%arg12 : memref<640xf32, #tpu.memory_space<vmem>>) target(%dma_start3A_2231 : memref<640xf32, #tpu.memory_space<hbm>>) target_semaphore(%run_scoped3A : memref<!tpu.dma_semaphore, #tpu.memory_space<semaphore_mem>>)
      %dma_wait3A_2232 = tpu.memref_slice %arg4[%arg0, %mul3A_1971] : memref<2x10240xf32, #tpu.memory_space<hbm>> -> memref<1x640xf32, #tpu.memory_space<hbm>>
      %dma_wait3A_2233 = tpu.memref_squeeze %dma_wait3A_2232 : memref<1x640xf32, #tpu.memory_space<hbm>> -> memref<640xf32, #tpu.memory_space<hbm>>
      %dma_wait3A_2234 = tpu.memref_slice %arg4[%arg0, %mul3A_1971] : memref<2x10240xf32, #tpu.memory_space<hbm>> -> memref<1x640xf32, #tpu.memory_space<hbm>>
      %dma_wait3A_2235 = tpu.memref_squeeze %dma_wait3A_2234 : memref<1x640xf32, #tpu.memory_space<hbm>> -> memref<640xf32, #tpu.memory_space<hbm>>
      tpu.wait_dma2 semaphore(%run_scoped3A : memref<!tpu.dma_semaphore, #tpu.memory_space<semaphore_mem>>) src(%arg12 : memref<640xf32, #tpu.memory_space<vmem>>) dst(%dma_wait3A_2235 : memref<640xf32, #tpu.memory_space<hbm>>)
      tpu.yield
    }) : () -> ()
    %barrier3A_1972 = arith.constant 0 : index
    tpu.barrier barrier_id(%barrier3A_1972)
    tpu.enqueue_dma source(%arg16 : memref<10240xf32, #tpu.memory_space<vmem_shared>>) target(%arg8 : memref<10240xf32, #tpu.memory_space<vmem>>) target_semaphore(%arg18 : memref<!tpu.dma_semaphore, #tpu.memory_space<semaphore_mem>>)
    %parallel_loop3A_1973 = arith.constant 0 : i32
    %parallel_loop3A_1974 = arith.constant 80 : i32
    %parallel_loop3A_1975 = arith.constant 1 : i32
    scf.for %parallel_loop3A_2228 = %parallel_loop3A_1973 to %parallel_loop3A_1974 step %parallel_loop3A_1975  : i32 {
      %parallel_loop3A_2229 = arith.index_cast %parallel_loop3A_2228 : i32 to index
      %parallel_loop3A_2230 = arith.constant 0 : index
      %parallel_loop3A_2231 = tpu.vector_load %arg7[%parallel_loop3A_2229, %parallel_loop3A_2230] {strides = array<i32>} : memref<80x128xf32, #tpu.memory_space<vmem>>, vector<16xf32>,
      tpu.vector_store %arg7[%parallel_loop3A_2229, %parallel_loop3A_2230], %broadcast_in_dim3A_0 {strides = array<i32>} : memref<80x128xf32, #tpu.memory_space<vmem>>, vector<16xf32>,
      %parallel_loop3A_2232 = arith.index_cast %parallel_loop3A_2228 : i32 to index
      %parallel_loop3A_2233 = arith.constant 16 : index
      %parallel_loop3A_2234 = tpu.vector_load %arg7[%parallel_loop3A_2232, %parallel_loop3A_2233] {strides = array<i32>} : memref<80x128xf32, #tpu.memory_space<vmem>>, vector<16xf32>,
      tpu.vector_store %arg7[%parallel_loop3A_2232, %parallel_loop3A_2233], %broadcast_in_dim3A_0 {strides = array<i32>} : memref<80x128xf32, #tpu.memory_space<vmem>>, vector<16xf32>,
      %parallel_loop3A_2235 = arith.index_cast %parallel_loop3A_2228 : i32 to index
      %parallel_loop3A_2236 = arith.constant 32 : index
      %parallel_loop3A_2237 = tpu.vector_load %arg7[%parallel_loop3A_2235, %parallel_loop3A_2236] {strides = array<i32>} : memref<80x128xf32, #tpu.memory_space<vmem>>, vector<16xf32>,
      tpu.vector_store %arg7[%parallel_loop3A_2235, %parallel_loop3A_2236], %broadcast_in_dim3A_0 {strides = array<i32>} : memref<80x128xf32, #tpu.memory_space<vmem>>, vector<16xf32>,
      %parallel_loop3A_2238 = arith.index_cast %parallel_loop3A_2228 : i32 to index
      %parallel_loop3A_2239 = arith.constant 48 : index
      %parallel_loop3A_2240 = tpu.vector_load %arg7[%parallel_loop3A_2238, %parallel_loop3A_2239] {strides = array<i32>} : memref<80x128xf32, #tpu.memory_space<vmem>>, vector<16xf32>,
      tpu.vector_store %arg7[%parallel_loop3A_2238, %parallel_loop3A_2239], %broadcast_in_dim3A_0 {strides = array<i32>} : memref<80x128xf32, #tpu.memory_space<vmem>>, vector<16xf32>,
      %parallel_loop3A_2241 = arith.index_cast %parallel_loop3A_2228 : i32 to index
      %parallel_loop3A_2242 = arith.constant 64 : index
      %parallel_loop3A_2243 = tpu.vector_load %arg7[%parallel_loop3A_2241, %parallel_loop3A_2242] {strides = array<i32>} : memref<80x128xf32, #tpu.memory_space<vmem>>, vector<16xf32>,
      tpu.vector_store %arg7[%parallel_loop3A_2241, %parallel_loop3A_2242], %broadcast_in_dim3A_0 {strides = array<i32>} : memref<80x128xf32, #tpu.memory_space<vmem>>, vector<16xf32>,
      %parallel_loop3A_2244 = arith.index_cast %parallel_loop3A_2228 : i32 to index
      %parallel_loop3A_2245 = arith.constant 80 : index
      %parallel_loop3A_2246 = tpu.vector_load %arg7[%parallel_loop3A_2244, %parallel_loop3A_2245] {strides = array<i32>} : memref<80x128xf32, #tpu.memory_space<vmem>>, vector<16xf32>,
      tpu.vector_store %arg7[%parallel_loop3A_2244, %parallel_loop3A_2245], %broadcast_in_dim3A_0 {strides = array<i32>} : memref<80x128xf32, #tpu.memory_space<vmem>>, vector<16xf32>,
      %parallel_loop3A_2247 = arith.index_cast %parallel_loop3A_2228 : i32 to index
      %parallel_loop3A_2248 = arith.constant 96 : index
      %parallel_loop3A_2249 = tpu.vector_load %arg7[%parallel_loop3A_2247, %parallel_loop3A_2248] {strides = array<i32>} : memref<80x128xf32, #tpu.memory_space<vmem>>, vector<16xf32>,
      tpu.vector_store %arg7[%parallel_loop3A_2247, %parallel_loop3A_2248], %broadcast_in_dim3A_0 {strides = array<i32>} : memref<80x128xf32, #tpu.memory_space<vmem>>, vector<16xf32>,
      %parallel_loop3A_2250 = arith.index_cast %parallel_loop3A_2228 : i32 to index
      %parallel_loop3A_2251 = arith.constant 112 : index
      %parallel_loop3A_2252 = tpu.vector_load %arg7[%parallel_loop3A_2250, %parallel_loop3A_2251] {strides = array<i32>} : memref<80x128xf32, #tpu.memory_space<vmem>>, vector<16xf32>,
      tpu.vector_store %arg7[%parallel_loop3A_2250, %parallel_loop3A_2251], %broadcast_in_dim3A_0 {strides = array<i32>} : memref<80x128xf32, #tpu.memory_space<vmem>>, vector<16xf32>,
    } {sc.loop_unroll_factor = 2 : i64, sc.parallel_access}
    tpu.wait_dma2 semaphore(%arg18 : memref<!tpu.dma_semaphore, #tpu.memory_space<semaphore_mem>>) src(%arg16 : memref<10240xf32, #tpu.memory_space<vmem_shared>>) dst(%arg8 : memref<10240xf32, #tpu.memory_space<vmem>>)
    %dma_wait3A_1976 = tpu.memref_slice %arg2[%mul3A_5] : memref<320000xi32, #tpu.memory_space<hbm>> -> memref<10000xi32, #tpu.memory_space<hbm>>
    %dma_wait3A_1977 = tpu.memref_slice %arg2[%mul3A_5] : memref<320000xi32, #tpu.memory_space<hbm>> -> memref<10000xi32, #tpu.memory_space<hbm>>
    tpu.wait_dma2 semaphore(%arg17 : memref<!tpu.dma_semaphore, #tpu.memory_space<semaphore_mem>>) src(%dma_wait3A_1977 : memref<10000xi32, #tpu.memory_space<hbm>>) dst(%arg9 : memref<10000xi32, #tpu.memory_space<vmem>>)
    %dma_wait3A_1978 = tpu.memref_slice %arg3[%mul3A_8] : memref<320000xi32, #tpu.memory_space<hbm>> -> memref<10000xi32, #tpu.memory_space<hbm>>
    %dma_wait3A_1979 = tpu.memref_slice %arg3[%mul3A_8] : memref<320000xi32, #tpu.memory_space<hbm>> -> memref<10000xi32, #tpu.memory_space<hbm>>
    tpu.wait_dma2 semaphore(%arg17 : memref<!tpu.dma_semaphore, #tpu.memory_space<semaphore_mem>>) src(%dma_wait3A_1979 : memref<10000xi32, #tpu.memory_space<hbm>>) dst(%arg10 : memref<10000xi32, #tpu.memory_space<vmem>>)
    %parallel_loop3A_1980 = arith.constant 0 : i32
    %parallel_loop3A_1981 = arith.constant 625 : i32
    %parallel_loop3A_1982 = arith.constant 1 : i32
    scf.for %parallel_loop3A_2228 = %parallel_loop3A_1980 to %parallel_loop3A_1981 step %parallel_loop3A_1982  : i32 {
      %parallel_loop3A_2229 = arith.constant 16 : i32
      %parallel_loop3A_2230 = arith.muli %parallel_loop3A_2228, %parallel_loop3A_2229 : i32
      %parallel_loop3A_2231 = arith.index_cast %parallel_loop3A_2230 : i32 to index
      %parallel_loop3A_2232 = tpu.vector_load %arg10[%parallel_loop3A_2231] {strides = array<i32>} : memref<10000xi32, #tpu.memory_space<vmem>>, vector<16xi32>,
      %parallel_loop3A_2233 = arith.constant 16 : i32
      %parallel_loop3A_2234 = arith.muli %parallel_loop3A_2228, %parallel_loop3A_2233 : i32
      %parallel_loop3A_2235 = arith.index_cast %parallel_loop3A_2234 : i32 to index
      %parallel_loop3A_2236 = tpu.vector_load %arg9[%parallel_loop3A_2235] {strides = array<i32>} : memref<10000xi32, #tpu.memory_space<vmem>>, vector<16xi32>,
      %parallel_loop3A_2237 = tpu.vector_load_idx %arg8[%parallel_loop3A_2232] : memref<10240xf32, #tpu.memory_space<vmem>>[vector<16xi32>], vector<16xf32>,
      %parallel_loop3A_2238 = arith.constant 7 : i32
      %parallel_loop3A_2239 = vector.broadcast %parallel_loop3A_2238 : i32 to vector<16xi32>
      %parallel_loop3A_2240 = arith.shrsi %parallel_loop3A_2236, %parallel_loop3A_2239 : vector<16xi32>
      %parallel_loop3A_2241 = arith.constant 127 : i32
      %parallel_loop3A_2242 = vector.broadcast %parallel_loop3A_2241 : i32 to vector<16xi32>
      %parallel_loop3A_2243 = arith.andi %parallel_loop3A_2236, %parallel_loop3A_2242 : vector<16xi32>
      tpu.vector_store_idx %arg7[%parallel_loop3A_2240, %parallel_loop3A_2243], %parallel_loop3A_2237 {add = true} : memref<80x128xf32, #tpu.memory_space<vmem>>[vector<16xi32>, vector<16xi32>], vector<16xf32>,
    } {sc.loop_unroll_factor = 16 : i64, sc.parallel_access}
    "tpu.region"() ({
      %run_scoped3A = tpu.sem_alloc : memref<!tpu.dma_semaphore, #tpu.memory_space<semaphore_mem>>
      %dma_start3A_2228 = arith.constant 0 : i32
      %dma_start3A_2229 = arith.constant 0 : i32
      %dma_start3A_2230 = tpu.memref_slice %arg15[%dma_start3A_2228, %dma_start3A_2229] : memref<80x128xf32, #tpu.memory_space<vmem_shared>> -> memref<80x128xf32, #tpu.memory_space<vmem_shared>>
      tpu.enqueue_indirect_dma source(%arg7 : memref<80x128xf32, #tpu.memory_space<vmem>>) target(%dma_start3A_2230 : memref<80x128xf32, #tpu.memory_space<vmem_shared>>) offsets(%arg13 : memref<80xi32, #tpu.memory_space<vmem>>) semaphore(%run_scoped3A : memref<!tpu.dma_semaphore, #tpu.memory_space<semaphore_mem>>) {add = true}
      %dma_wait3A_2231 = arith.constant 0 : i32
      %dma_wait3A_2232 = arith.constant 0 : i32
      %dma_wait3A_2233 = tpu.memref_slice %arg15[%dma_wait3A_2231, %dma_wait3A_2232] : memref<80x128xf32, #tpu.memory_space<vmem_shared>> -> memref<80x128xf32, #tpu.memory_space<vmem_shared>>
      tpu.wait_indirect_dma semaphore(%run_scoped3A : memref<!tpu.dma_semaphore, #tpu.memory_space<semaphore_mem>>) src(%arg7 : memref<80x128xf32, #tpu.memory_space<vmem>>) dst(%dma_wait3A_2233 : memref<80x128xf32, #tpu.memory_space<vmem_shared>>)
      tpu.yield
    }) : () -> ()
    %barrier3A_1983 = arith.constant 0 : index
    tpu.barrier barrier_id(%barrier3A_1983)
    %mul3A_1984 = arith.constant 5 : i32
    %mul3A_1985 = arith.muli %arg1, %mul3A_1984 : i32
    "tpu.region"() ({
      %run_scoped3A = tpu.sem_alloc : memref<!tpu.dma_semaphore, #tpu.memory_space<semaphore_mem>>
      %dma_start3A_2228 = arith.constant 0 : i32
      %dma_start3A_2229 = tpu.memref_slice %arg15[%mul3A_1985, %dma_start3A_2228] : memref<80x128xf32, #tpu.memory_space<vmem_shared>> -> memref<5x128xf32, #tpu.memory_space<vmem_shared>>
      %dma_start3A_2230 = arith.constant 0 : i32
      %dma_start3A_2231 = tpu.memref_slice %arg15[%mul3A_1985, %dma_start3A_2230] : memref<80x128xf32, #tpu.memory_space<vmem_shared>> -> memref<5x128xf32, #tpu.memory_space<vmem_shared>>
      tpu.enqueue_dma source(%dma_start3A_2231 : memref<5x128xf32, #tpu.memory_space<vmem_shared>>) target(%arg11 : memref<5x128xf32, #tpu.memory_space<vmem>>) target_semaphore(%run_scoped3A : memref<!tpu.dma_semaphore, #tpu.memory_space<semaphore_mem>>)
      %dma_wait3A_2232 = arith.constant 0 : i32
      %dma_wait3A_2233 = tpu.memref_slice %arg15[%mul3A_1985, %dma_wait3A_2232] : memref<80x128xf32, #tpu.memory_space<vmem_shared>> -> memref<5x128xf32, #tpu.memory_space<vmem_shared>>
      %dma_wait3A_2234 = arith.constant 0 : i32
      %dma_wait3A_2235 = tpu.memref_slice %arg15[%mul3A_1985, %dma_wait3A_2234] : memref<80x128xf32, #tpu.memory_space<vmem_shared>> -> memref<5x128xf32, #tpu.memory_space<vmem_shared>>
      tpu.wait_dma2 semaphore(%run_scoped3A : memref<!tpu.dma_semaphore, #tpu.memory_space<semaphore_mem>>) src(%dma_wait3A_2235 : memref<5x128xf32, #tpu.memory_space<vmem_shared>>) dst(%arg11 : memref<5x128xf32, #tpu.memory_space<vmem>>)
      tpu.yield
    }) : () -> ()
    %get3A_1986 = arith.constant 0 : i32
    %get3A_1987 = arith.index_cast %get3A_1986 : i32 to index
    %get3A_1988 = arith.constant 0 : index
    %get3A_1989 = tpu.vector_load %arg11[%get3A_1987, %get3A_1988] {strides = array<i32>} : memref<5x128xf32, #tpu.memory_space<vmem>>, vector<16xf32>,
    %swap3A_1990 = arith.constant 0 : index
    %swap3A_1991 = tpu.vector_load %arg12[%swap3A_1990] {strides = array<i32>} : memref<640xf32, #tpu.memory_space<vmem>>, vector<16xf32>,
    tpu.vector_store %arg12[%swap3A_1990], %get3A_1989 {strides = array<i32>} : memref<640xf32, #tpu.memory_space<vmem>>, vector<16xf32>,
    %get3A_1992 = arith.constant 0 : i32
    %get3A_1993 = arith.index_cast %get3A_1992 : i32 to index
    %get3A_1994 = arith.constant 16 : index
    %get3A_1995 = tpu.vector_load %arg11[%get3A_1993, %get3A_1994] {strides = array<i32>} : memref<5x128xf32, #tpu.memory_space<vmem>>, vector<16xf32>,
    %swap3A_1996 = arith.constant 16 : index
    %swap3A_1997 = tpu.vector_load %arg12[%swap3A_1996] {strides = array<i32>} : memref<640xf32, #tpu.memory_space<vmem>>, vector<16xf32>,
    tpu.vector_store %arg12[%swap3A_1996], %get3A_1995 {strides = array<i32>} : memref<640xf32, #tpu.memory_space<vmem>>, vector<16xf32>,
    %get3A_1998 = arith.constant 0 : i32
    %get3A_1999 = arith.index_cast %get3A_1998 : i32 to index
    %get3A_2000 = arith.constant 32 : index
    %get3A_2001 = tpu.vector_load %arg11[%get3A_1999, %get3A_2000] {strides = array<i32>} : memref<5x128xf32, #tpu.memory_space<vmem>>, vector<16xf32>,
    %swap3A_2002 = arith.constant 32 : index
    %swap3A_2003 = tpu.vector_load %arg12[%swap3A_2002] {strides = array<i32>} : memref<640xf32, #tpu.memory_space<vmem>>, vector<16xf32>,
    tpu.vector_store %arg12[%swap3A_2002], %get3A_2001 {strides = array<i32>} : memref<640xf32, #tpu.memory_space<vmem>>, vector<16xf32>,
    %get3A_2004 = arith.constant 0 : i32
    %get3A_2005 = arith.index_cast %get3A_2004 : i32 to index
    %get3A_2006 = arith.constant 48 : index
    %get3A_2007 = tpu.vector_load %arg11[%get3A_2005, %get3A_2006] {strides = array<i32>} : memref<5x128xf32, #tpu.memory_space<vmem>>, vector<16xf32>,
    %swap3A_2008 = arith.constant 48 : index
    %swap3A_2009 = tpu.vector_load %arg12[%swap3A_2008] {strides = array<i32>} : memref<640xf32, #tpu.memory_space<vmem>>, vector<16xf32>,
    tpu.vector_store %arg12[%swap3A_2008], %get3A_2007 {strides = array<i32>} : memref<640xf32, #tpu.memory_space<vmem>>, vector<16xf32>,
    %get3A_2010 = arith.constant 0 : i32
    %get3A_2011 = arith.index_cast %get3A_2010 : i32 to index
    %get3A_2012 = arith.constant 64 : index
    %get3A_2013 = tpu.vector_load %arg11[%get3A_2011, %get3A_2012] {strides = array<i32>} : memref<5x128xf32, #tpu.memory_space<vmem>>, vector<16xf32>,
    %swap3A_2014 = arith.constant 64 : index
    %swap3A_2015 = tpu.vector_load %arg12[%swap3A_2014] {strides = array<i32>} : memref<640xf32, #tpu.memory_space<vmem>>, vector<16xf32>,
    tpu.vector_store %arg12[%swap3A_2014], %get3A_2013 {strides = array<i32>} : memref<640xf32, #tpu.memory_space<vmem>>, vector<16xf32>,
    %get3A_2016 = arith.constant 0 : i32
    %get3A_2017 = arith.index_cast %get3A_2016 : i32 to index
    %get3A_2018 = arith.constant 80 : index
    %get3A_2019 = tpu.vector_load %arg11[%get3A_2017, %get3A_2018] {strides = array<i32>} : memref<5x128xf32, #tpu.memory_space<vmem>>, vector<16xf32>,
    %swap3A_2020 = arith.constant 80 : index
    %swap3A_2021 = tpu.vector_load %arg12[%swap3A_2020] {strides = array<i32>} : memref<640xf32, #tpu.memory_space<vmem>>, vector<16xf32>,
    tpu.vector_store %arg12[%swap3A_2020], %get3A_2019 {strides = array<i32>} : memref<640xf32, #tpu.memory_space<vmem>>, vector<16xf32>,
    %get3A_2022 = arith.constant 0 : i32
    %get3A_2023 = arith.index_cast %get3A_2022 : i32 to index
    %get3A_2024 = arith.constant 96 : index
    %get3A_2025 = tpu.vector_load %arg11[%get3A_2023, %get3A_2024] {strides = array<i32>} : memref<5x128xf32, #tpu.memory_space<vmem>>, vector<16xf32>,
    %swap3A_2026 = arith.constant 96 : index
    %swap3A_2027 = tpu.vector_load %arg12[%swap3A_2026] {strides = array<i32>} : memref<640xf32, #tpu.memory_space<vmem>>, vector<16xf32>,
    tpu.vector_store %arg12[%swap3A_2026], %get3A_2025 {strides = array<i32>} : memref<640xf32, #tpu.memory_space<vmem>>, vector<16xf32>,
    %get3A_2028 = arith.constant 0 : i32
    %get3A_2029 = arith.index_cast %get3A_2028 : i32 to index
    %get3A_2030 = arith.constant 112 : index
    %get3A_2031 = tpu.vector_load %arg11[%get3A_2029, %get3A_2030] {strides = array<i32>} : memref<5x128xf32, #tpu.memory_space<vmem>>, vector<16xf32>,
    %swap3A_2032 = arith.constant 112 : index
    %swap3A_2033 = tpu.vector_load %arg12[%swap3A_2032] {strides = array<i32>} : memref<640xf32, #tpu.memory_space<vmem>>, vector<16xf32>,
    tpu.vector_store %arg12[%swap3A_2032], %get3A_2031 {strides = array<i32>} : memref<640xf32, #tpu.memory_space<vmem>>, vector<16xf32>,
    %get3A_2034 = arith.constant 1 : i32
    %get3A_2035 = arith.index_cast %get3A_2034 : i32 to index
    %get3A_2036 = arith.constant 0 : index
    %get3A_2037 = tpu.vector_load %arg11[%get3A_2035, %get3A_2036] {strides = array<i32>} : memref<5x128xf32, #tpu.memory_space<vmem>>, vector<16xf32>,
    %swap3A_2038 = arith.constant 128 : index
    %swap3A_2039 = tpu.vector_load %arg12[%swap3A_2038] {strides = array<i32>} : memref<640xf32, #tpu.memory_space<vmem>>, vector<16xf32>,
    tpu.vector_store %arg12[%swap3A_2038], %get3A_2037 {strides = array<i32>} : memref<640xf32, #tpu.memory_space<vmem>>, vector<16xf32>,
    %get3A_2040 = arith.constant 1 : i32
    %get3A_2041 = arith.index_cast %get3A_2040 : i32 to index
    %get3A_2042 = arith.constant 16 : index
    %get3A_2043 = tpu.vector_load %arg11[%get3A_2041, %get3A_2042] {strides = array<i32>} : memref<5x128xf32, #tpu.memory_space<vmem>>, vector<16xf32>,
    %swap3A_2044 = arith.constant 144 : index
    %swap3A_2045 = tpu.vector_load %arg12[%swap3A_2044] {strides = array<i32>} : memref<640xf32, #tpu.memory_space<vmem>>, vector<16xf32>,
    tpu.vector_store %arg12[%swap3A_2044], %get3A_2043 {strides = array<i32>} : memref<640xf32, #tpu.memory_space<vmem>>, vector<16xf32>,
    %get3A_2046 = arith.constant 1 : i32
    %get3A_2047 = arith.index_cast %get3A_2046 : i32 to index
    %get3A_2048 = arith.constant 32 : index
    %get3A_2049 = tpu.vector_load %arg11[%get3A_2047, %get3A_2048] {strides = array<i32>} : memref<5x128xf32, #tpu.memory_space<vmem>>, vector<16xf32>,
    %swap3A_2050 = arith.constant 160 : index
    %swap3A_2051 = tpu.vector_load %arg12[%swap3A_2050] {strides = array<i32>} : memref<640xf32, #tpu.memory_space<vmem>>, vector<16xf32>,
    tpu.vector_store %arg12[%swap3A_2050], %get3A_2049 {strides = array<i32>} : memref<640xf32, #tpu.memory_space<vmem>>, vector<16xf32>,
    %get3A_2052 = arith.constant 1 : i32
    %get3A_2053 = arith.index_cast %get3A_2052 : i32 to index
    %get3A_2054 = arith.constant 48 : index
    %get3A_2055 = tpu.vector_load %arg11[%get3A_2053, %get3A_2054] {strides = array<i32>} : memref<5x128xf32, #tpu.memory_space<vmem>>, vector<16xf32>,
    %swap3A_2056 = arith.constant 176 : index
    %swap3A_2057 = tpu.vector_load %arg12[%swap3A_2056] {strides = array<i32>} : memref<640xf32, #tpu.memory_space<vmem>>, vector<16xf32>,
    tpu.vector_store %arg12[%swap3A_2056], %get3A_2055 {strides = array<i32>} : memref<640xf32, #tpu.memory_space<vmem>>, vector<16xf32>,
    %get3A_2058 = arith.constant 1 : i32
    %get3A_2059 = arith.index_cast %get3A_2058 : i32 to index
    %get3A_2060 = arith.constant 64 : index
    %get3A_2061 = tpu.vector_load %arg11[%get3A_2059, %get3A_2060] {strides = array<i32>} : memref<5x128xf32, #tpu.memory_space<vmem>>, vector<16xf32>,
    %swap3A_2062 = arith.constant 192 : index
    %swap3A_2063 = tpu.vector_load %arg12[%swap3A_2062] {strides = array<i32>} : memref<640xf32, #tpu.memory_space<vmem>>, vector<16xf32>,
    tpu.vector_store %arg12[%swap3A_2062], %get3A_2061 {strides = array<i32>} : memref<640xf32, #tpu.memory_space<vmem>>, vector<16xf32>,
    %get3A_2064 = arith.constant 1 : i32
    %get3A_2065 = arith.index_cast %get3A_2064 : i32 to index
    %get3A_2066 = arith.constant 80 : index
    %get3A_2067 = tpu.vector_load %arg11[%get3A_2065, %get3A_2066] {strides = array<i32>} : memref<5x128xf32, #tpu.memory_space<vmem>>, vector<16xf32>,
    %swap3A_2068 = arith.constant 208 : index
    %swap3A_2069 = tpu.vector_load %arg12[%swap3A_2068] {strides = array<i32>} : memref<640xf32, #tpu.memory_space<vmem>>, vector<16xf32>,
    tpu.vector_store %arg12[%swap3A_2068], %get3A_2067 {strides = array<i32>} : memref<640xf32, #tpu.memory_space<vmem>>, vector<16xf32>,
    %get3A_2070 = arith.constant 1 : i32
    %get3A_2071 = arith.index_cast %get3A_2070 : i32 to index
    %get3A_2072 = arith.constant 96 : index
    %get3A_2073 = tpu.vector_load %arg11[%get3A_2071, %get3A_2072] {strides = array<i32>} : memref<5x128xf32, #tpu.memory_space<vmem>>, vector<16xf32>,
    %swap3A_2074 = arith.constant 224 : index
    %swap3A_2075 = tpu.vector_load %arg12[%swap3A_2074] {strides = array<i32>} : memref<640xf32, #tpu.memory_space<vmem>>, vector<16xf32>,
    tpu.vector_store %arg12[%swap3A_2074], %get3A_2073 {strides = array<i32>} : memref<640xf32, #tpu.memory_space<vmem>>, vector<16xf32>,
    %get3A_2076 = arith.constant 1 : i32
    %get3A_2077 = arith.index_cast %get3A_2076 : i32 to index
    %get3A_2078 = arith.constant 112 : index
    %get3A_2079 = tpu.vector_load %arg11[%get3A_2077, %get3A_2078] {strides = array<i32>} : memref<5x128xf32, #tpu.memory_space<vmem>>, vector<16xf32>,
    %swap3A_2080 = arith.constant 240 : index
    %swap3A_2081 = tpu.vector_load %arg12[%swap3A_2080] {strides = array<i32>} : memref<640xf32, #tpu.memory_space<vmem>>, vector<16xf32>,
    tpu.vector_store %arg12[%swap3A_2080], %get3A_2079 {strides = array<i32>} : memref<640xf32, #tpu.memory_space<vmem>>, vector<16xf32>,
    %get3A_2082 = arith.constant 2 : i32
    %get3A_2083 = arith.index_cast %get3A_2082 : i32 to index
    %get3A_2084 = arith.constant 0 : index
    %get3A_2085 = tpu.vector_load %arg11[%get3A_2083, %get3A_2084] {strides = array<i32>} : memref<5x128xf32, #tpu.memory_space<vmem>>, vector<16xf32>,
    %swap3A_2086 = arith.constant 256 : index
    %swap3A_2087 = tpu.vector_load %arg12[%swap3A_2086] {strides = array<i32>} : memref<640xf32, #tpu.memory_space<vmem>>, vector<16xf32>,
    tpu.vector_store %arg12[%swap3A_2086], %get3A_2085 {strides = array<i32>} : memref<640xf32, #tpu.memory_space<vmem>>, vector<16xf32>,
    %get3A_2088 = arith.constant 2 : i32
    %get3A_2089 = arith.index_cast %get3A_2088 : i32 to index
    %get3A_2090 = arith.constant 16 : index
    %get3A_2091 = tpu.vector_load %arg11[%get3A_2089, %get3A_2090] {strides = array<i32>} : memref<5x128xf32, #tpu.memory_space<vmem>>, vector<16xf32>,
    %swap3A_2092 = arith.constant 272 : index
    %swap3A_2093 = tpu.vector_load %arg12[%swap3A_2092] {strides = array<i32>} : memref<640xf32, #tpu.memory_space<vmem>>, vector<16xf32>,
    tpu.vector_store %arg12[%swap3A_2092], %get3A_2091 {strides = array<i32>} : memref<640xf32, #tpu.memory_space<vmem>>, vector<16xf32>,
    %get3A_2094 = arith.constant 2 : i32
    %get3A_2095 = arith.index_cast %get3A_2094 : i32 to index
    %get3A_2096 = arith.constant 32 : index
    %get3A_2097 = tpu.vector_load %arg11[%get3A_2095, %get3A_2096] {strides = array<i32>} : memref<5x128xf32, #tpu.memory_space<vmem>>, vector<16xf32>,
    %swap3A_2098 = arith.constant 288 : index
    %swap3A_2099 = tpu.vector_load %arg12[%swap3A_2098] {strides = array<i32>} : memref<640xf32, #tpu.memory_space<vmem>>, vector<16xf32>,
    tpu.vector_store %arg12[%swap3A_2098], %get3A_2097 {strides = array<i32>} : memref<640xf32, #tpu.memory_space<vmem>>, vector<16xf32>,
    %get3A_2100 = arith.constant 2 : i32
    %get3A_2101 = arith.index_cast %get3A_2100 : i32 to index
    %get3A_2102 = arith.constant 48 : index
    %get3A_2103 = tpu.vector_load %arg11[%get3A_2101, %get3A_2102] {strides = array<i32>} : memref<5x128xf32, #tpu.memory_space<vmem>>, vector<16xf32>,
    %swap3A_2104 = arith.constant 304 : index
    %swap3A_2105 = tpu.vector_load %arg12[%swap3A_2104] {strides = array<i32>} : memref<640xf32, #tpu.memory_space<vmem>>, vector<16xf32>,
    tpu.vector_store %arg12[%swap3A_2104], %get3A_2103 {strides = array<i32>} : memref<640xf32, #tpu.memory_space<vmem>>, vector<16xf32>,
    %get3A_2106 = arith.constant 2 : i32
    %get3A_2107 = arith.index_cast %get3A_2106 : i32 to index
    %get3A_2108 = arith.constant 64 : index
    %get3A_2109 = tpu.vector_load %arg11[%get3A_2107, %get3A_2108] {strides = array<i32>} : memref<5x128xf32, #tpu.memory_space<vmem>>, vector<16xf32>,
    %swap3A_2110 = arith.constant 320 : index
    %swap3A_2111 = tpu.vector_load %arg12[%swap3A_2110] {strides = array<i32>} : memref<640xf32, #tpu.memory_space<vmem>>, vector<16xf32>,
    tpu.vector_store %arg12[%swap3A_2110], %get3A_2109 {strides = array<i32>} : memref<640xf32, #tpu.memory_space<vmem>>, vector<16xf32>,
    %get3A_2112 = arith.constant 2 : i32
    %get3A_2113 = arith.index_cast %get3A_2112 : i32 to index
    %get3A_2114 = arith.constant 80 : index
    %get3A_2115 = tpu.vector_load %arg11[%get3A_2113, %get3A_2114] {strides = array<i32>} : memref<5x128xf32, #tpu.memory_space<vmem>>, vector<16xf32>,
    %swap3A_2116 = arith.constant 336 : index
    %swap3A_2117 = tpu.vector_load %arg12[%swap3A_2116] {strides = array<i32>} : memref<640xf32, #tpu.memory_space<vmem>>, vector<16xf32>,
    tpu.vector_store %arg12[%swap3A_2116], %get3A_2115 {strides = array<i32>} : memref<640xf32, #tpu.memory_space<vmem>>, vector<16xf32>,
    %get3A_2118 = arith.constant 2 : i32
    %get3A_2119 = arith.index_cast %get3A_2118 : i32 to index
    %get3A_2120 = arith.constant 96 : index
    %get3A_2121 = tpu.vector_load %arg11[%get3A_2119, %get3A_2120] {strides = array<i32>} : memref<5x128xf32, #tpu.memory_space<vmem>>, vector<16xf32>,
    %swap3A_2122 = arith.constant 352 : index
    %swap3A_2123 = tpu.vector_load %arg12[%swap3A_2122] {strides = array<i32>} : memref<640xf32, #tpu.memory_space<vmem>>, vector<16xf32>,
    tpu.vector_store %arg12[%swap3A_2122], %get3A_2121 {strides = array<i32>} : memref<640xf32, #tpu.memory_space<vmem>>, vector<16xf32>,
    %get3A_2124 = arith.constant 2 : i32
    %get3A_2125 = arith.index_cast %get3A_2124 : i32 to index
    %get3A_2126 = arith.constant 112 : index
    %get3A_2127 = tpu.vector_load %arg11[%get3A_2125, %get3A_2126] {strides = array<i32>} : memref<5x128xf32, #tpu.memory_space<vmem>>, vector<16xf32>,
    %swap3A_2128 = arith.constant 368 : index
    %swap3A_2129 = tpu.vector_load %arg12[%swap3A_2128] {strides = array<i32>} : memref<640xf32, #tpu.memory_space<vmem>>, vector<16xf32>,
    tpu.vector_store %arg12[%swap3A_2128], %get3A_2127 {strides = array<i32>} : memref<640xf32, #tpu.memory_space<vmem>>, vector<16xf32>,
    %get3A_2130 = arith.constant 3 : i32
    %get3A_2131 = arith.index_cast %get3A_2130 : i32 to index
    %get3A_2132 = arith.constant 0 : index
    %get3A_2133 = tpu.vector_load %arg11[%get3A_2131, %get3A_2132] {strides = array<i32>} : memref<5x128xf32, #tpu.memory_space<vmem>>, vector<16xf32>,
    %swap3A_2134 = arith.constant 384 : index
    %swap3A_2135 = tpu.vector_load %arg12[%swap3A_2134] {strides = array<i32>} : memref<640xf32, #tpu.memory_space<vmem>>, vector<16xf32>,
    tpu.vector_store %arg12[%swap3A_2134], %get3A_2133 {strides = array<i32>} : memref<640xf32, #tpu.memory_space<vmem>>, vector<16xf32>,
    %get3A_2136 = arith.constant 3 : i32
    %get3A_2137 = arith.index_cast %get3A_2136 : i32 to index
    %get3A_2138 = arith.constant 16 : index
    %get3A_2139 = tpu.vector_load %arg11[%get3A_2137, %get3A_2138] {strides = array<i32>} : memref<5x128xf32, #tpu.memory_space<vmem>>, vector<16xf32>,
    %swap3A_2140 = arith.constant 400 : index
    %swap3A_2141 = tpu.vector_load %arg12[%swap3A_2140] {strides = array<i32>} : memref<640xf32, #tpu.memory_space<vmem>>, vector<16xf32>,
    tpu.vector_store %arg12[%swap3A_2140], %get3A_2139 {strides = array<i32>} : memref<640xf32, #tpu.memory_space<vmem>>, vector<16xf32>,
    %get3A_2142 = arith.constant 3 : i32
    %get3A_2143 = arith.index_cast %get3A_2142 : i32 to index
    %get3A_2144 = arith.constant 32 : index
    %get3A_2145 = tpu.vector_load %arg11[%get3A_2143, %get3A_2144] {strides = array<i32>} : memref<5x128xf32, #tpu.memory_space<vmem>>, vector<16xf32>,
    %swap3A_2146 = arith.constant 416 : index
    %swap3A_2147 = tpu.vector_load %arg12[%swap3A_2146] {strides = array<i32>} : memref<640xf32, #tpu.memory_space<vmem>>, vector<16xf32>,
    tpu.vector_store %arg12[%swap3A_2146], %get3A_2145 {strides = array<i32>} : memref<640xf32, #tpu.memory_space<vmem>>, vector<16xf32>,
    %get3A_2148 = arith.constant 3 : i32
    %get3A_2149 = arith.index_cast %get3A_2148 : i32 to index
    %get3A_2150 = arith.constant 48 : index
    %get3A_2151 = tpu.vector_load %arg11[%get3A_2149, %get3A_2150] {strides = array<i32>} : memref<5x128xf32, #tpu.memory_space<vmem>>, vector<16xf32>,
    %swap3A_2152 = arith.constant 432 : index
    %swap3A_2153 = tpu.vector_load %arg12[%swap3A_2152] {strides = array<i32>} : memref<640xf32, #tpu.memory_space<vmem>>, vector<16xf32>,
    tpu.vector_store %arg12[%swap3A_2152], %get3A_2151 {strides = array<i32>} : memref<640xf32, #tpu.memory_space<vmem>>, vector<16xf32>,
    %get3A_2154 = arith.constant 3 : i32
    %get3A_2155 = arith.index_cast %get3A_2154 : i32 to index
    %get3A_2156 = arith.constant 64 : index
    %get3A_2157 = tpu.vector_load %arg11[%get3A_2155, %get3A_2156] {strides = array<i32>} : memref<5x128xf32, #tpu.memory_space<vmem>>, vector<16xf32>,
    %swap3A_2158 = arith.constant 448 : index
    %swap3A_2159 = tpu.vector_load %arg12[%swap3A_2158] {strides = array<i32>} : memref<640xf32, #tpu.memory_space<vmem>>, vector<16xf32>,
    tpu.vector_store %arg12[%swap3A_2158], %get3A_2157 {strides = array<i32>} : memref<640xf32, #tpu.memory_space<vmem>>, vector<16xf32>,
    %get3A_2160 = arith.constant 3 : i32
    %get3A_2161 = arith.index_cast %get3A_2160 : i32 to index
    %get3A_2162 = arith.constant 80 : index
    %get3A_2163 = tpu.vector_load %arg11[%get3A_2161, %get3A_2162] {strides = array<i32>} : memref<5x128xf32, #tpu.memory_space<vmem>>, vector<16xf32>,
    %swap3A_2164 = arith.constant 464 : index
    %swap3A_2165 = tpu.vector_load %arg12[%swap3A_2164] {strides = array<i32>} : memref<640xf32, #tpu.memory_space<vmem>>, vector<16xf32>,
    tpu.vector_store %arg12[%swap3A_2164], %get3A_2163 {strides = array<i32>} : memref<640xf32, #tpu.memory_space<vmem>>, vector<16xf32>,
    %get3A_2166 = arith.constant 3 : i32
    %get3A_2167 = arith.index_cast %get3A_2166 : i32 to index
    %get3A_2168 = arith.constant 96 : index
    %get3A_2169 = tpu.vector_load %arg11[%get3A_2167, %get3A_2168] {strides = array<i32>} : memref<5x128xf32, #tpu.memory_space<vmem>>, vector<16xf32>,
    %swap3A_2170 = arith.constant 480 : index
    %swap3A_2171 = tpu.vector_load %arg12[%swap3A_2170] {strides = array<i32>} : memref<640xf32, #tpu.memory_space<vmem>>, vector<16xf32>,
    tpu.vector_store %arg12[%swap3A_2170], %get3A_2169 {strides = array<i32>} : memref<640xf32, #tpu.memory_space<vmem>>, vector<16xf32>,
    %get3A_2172 = arith.constant 3 : i32
    %get3A_2173 = arith.index_cast %get3A_2172 : i32 to index
    %get3A_2174 = arith.constant 112 : index
    %get3A_2175 = tpu.vector_load %arg11[%get3A_2173, %get3A_2174] {strides = array<i32>} : memref<5x128xf32, #tpu.memory_space<vmem>>, vector<16xf32>,
    %swap3A_2176 = arith.constant 496 : index
    %swap3A_2177 = tpu.vector_load %arg12[%swap3A_2176] {strides = array<i32>} : memref<640xf32, #tpu.memory_space<vmem>>, vector<16xf32>,
    tpu.vector_store %arg12[%swap3A_2176], %get3A_2175 {strides = array<i32>} : memref<640xf32, #tpu.memory_space<vmem>>, vector<16xf32>,
    %get3A_2178 = arith.constant 4 : i32
    %get3A_2179 = arith.index_cast %get3A_2178 : i32 to index
    %get3A_2180 = arith.constant 0 : index
    %get3A_2181 = tpu.vector_load %arg11[%get3A_2179, %get3A_2180] {strides = array<i32>} : memref<5x128xf32, #tpu.memory_space<vmem>>, vector<16xf32>,
    %swap3A_2182 = arith.constant 512 : index
    %swap3A_2183 = tpu.vector_load %arg12[%swap3A_2182] {strides = array<i32>} : memref<640xf32, #tpu.memory_space<vmem>>, vector<16xf32>,
    tpu.vector_store %arg12[%swap3A_2182], %get3A_2181 {strides = array<i32>} : memref<640xf32, #tpu.memory_space<vmem>>, vector<16xf32>,
    %get3A_2184 = arith.constant 4 : i32
    %get3A_2185 = arith.index_cast %get3A_2184 : i32 to index
    %get3A_2186 = arith.constant 16 : index
    %get3A_2187 = tpu.vector_load %arg11[%get3A_2185, %get3A_2186] {strides = array<i32>} : memref<5x128xf32, #tpu.memory_space<vmem>>, vector<16xf32>,
    %swap3A_2188 = arith.constant 528 : index
    %swap3A_2189 = tpu.vector_load %arg12[%swap3A_2188] {strides = array<i32>} : memref<640xf32, #tpu.memory_space<vmem>>, vector<16xf32>,
    tpu.vector_store %arg12[%swap3A_2188], %get3A_2187 {strides = array<i32>} : memref<640xf32, #tpu.memory_space<vmem>>, vector<16xf32>,
    %get3A_2190 = arith.constant 4 : i32
    %get3A_2191 = arith.index_cast %get3A_2190 : i32 to index
    %get3A_2192 = arith.constant 32 : index
    %get3A_2193 = tpu.vector_load %arg11[%get3A_2191, %get3A_2192] {strides = array<i32>} : memref<5x128xf32, #tpu.memory_space<vmem>>, vector<16xf32>,
    %swap3A_2194 = arith.constant 544 : index
    %swap3A_2195 = tpu.vector_load %arg12[%swap3A_2194] {strides = array<i32>} : memref<640xf32, #tpu.memory_space<vmem>>, vector<16xf32>,
    tpu.vector_store %arg12[%swap3A_2194], %get3A_2193 {strides = array<i32>} : memref<640xf32, #tpu.memory_space<vmem>>, vector<16xf32>,
    %get3A_2196 = arith.constant 4 : i32
    %get3A_2197 = arith.index_cast %get3A_2196 : i32 to index
    %get3A_2198 = arith.constant 48 : index
    %get3A_2199 = tpu.vector_load %arg11[%get3A_2197, %get3A_2198] {strides = array<i32>} : memref<5x128xf32, #tpu.memory_space<vmem>>, vector<16xf32>,
    %swap3A_2200 = arith.constant 560 : index
    %swap3A_2201 = tpu.vector_load %arg12[%swap3A_2200] {strides = array<i32>} : memref<640xf32, #tpu.memory_space<vmem>>, vector<16xf32>,
    tpu.vector_store %arg12[%swap3A_2200], %get3A_2199 {strides = array<i32>} : memref<640xf32, #tpu.memory_space<vmem>>, vector<16xf32>,
    %get3A_2202 = arith.constant 4 : i32
    %get3A_2203 = arith.index_cast %get3A_2202 : i32 to index
    %get3A_2204 = arith.constant 64 : index
    %get3A_2205 = tpu.vector_load %arg11[%get3A_2203, %get3A_2204] {strides = array<i32>} : memref<5x128xf32, #tpu.memory_space<vmem>>, vector<16xf32>,
    %swap3A_2206 = arith.constant 576 : index
    %swap3A_2207 = tpu.vector_load %arg12[%swap3A_2206] {strides = array<i32>} : memref<640xf32, #tpu.memory_space<vmem>>, vector<16xf32>,
    tpu.vector_store %arg12[%swap3A_2206], %get3A_2205 {strides = array<i32>} : memref<640xf32, #tpu.memory_space<vmem>>, vector<16xf32>,
    %get3A_2208 = arith.constant 4 : i32
    %get3A_2209 = arith.index_cast %get3A_2208 : i32 to index
    %get3A_2210 = arith.constant 80 : index
    %get3A_2211 = tpu.vector_load %arg11[%get3A_2209, %get3A_2210] {strides = array<i32>} : memref<5x128xf32, #tpu.memory_space<vmem>>, vector<16xf32>,
    %swap3A_2212 = arith.constant 592 : index
    %swap3A_2213 = tpu.vector_load %arg12[%swap3A_2212] {strides = array<i32>} : memref<640xf32, #tpu.memory_space<vmem>>, vector<16xf32>,
    tpu.vector_store %arg12[%swap3A_2212], %get3A_2211 {strides = array<i32>} : memref<640xf32, #tpu.memory_space<vmem>>, vector<16xf32>,
    %get3A_2214 = arith.constant 4 : i32
    %get3A_2215 = arith.index_cast %get3A_2214 : i32 to index
    %get3A_2216 = arith.constant 96 : index
    %get3A_2217 = tpu.vector_load %arg11[%get3A_2215, %get3A_2216] {strides = array<i32>} : memref<5x128xf32, #tpu.memory_space<vmem>>, vector<16xf32>,
    %swap3A_2218 = arith.constant 608 : index
    %swap3A_2219 = tpu.vector_load %arg12[%swap3A_2218] {strides = array<i32>} : memref<640xf32, #tpu.memory_space<vmem>>, vector<16xf32>,
    tpu.vector_store %arg12[%swap3A_2218], %get3A_2217 {strides = array<i32>} : memref<640xf32, #tpu.memory_space<vmem>>, vector<16xf32>,
    %get3A_2220 = arith.constant 4 : i32
    %get3A_2221 = arith.index_cast %get3A_2220 : i32 to index
    %get3A_2222 = arith.constant 112 : index
    %get3A_2223 = tpu.vector_load %arg11[%get3A_2221, %get3A_2222] {strides = array<i32>} : memref<5x128xf32, #tpu.memory_space<vmem>>, vector<16xf32>,
    %swap3A_2224 = arith.constant 624 : index
    %swap3A_2225 = tpu.vector_load %arg12[%swap3A_2224] {strides = array<i32>} : memref<640xf32, #tpu.memory_space<vmem>>, vector<16xf32>,
    tpu.vector_store %arg12[%swap3A_2224], %get3A_2223 {strides = array<i32>} : memref<640xf32, #tpu.memory_space<vmem>>, vector<16xf32>,
    %mul3A_2226 = arith.constant 640 : i32
    %mul3A_2227 = arith.muli %arg1, %mul3A_2226 : i32
    "tpu.region"() ({
      %run_scoped3A = tpu.sem_alloc : memref<!tpu.dma_semaphore, #tpu.memory_space<semaphore_mem>>
      %dma_start3A_2228 = tpu.memref_slice %arg5[%arg0, %mul3A_2227] : memref<2x10240xf32, #tpu.memory_space<hbm>> -> memref<1x640xf32, #tpu.memory_space<hbm>>
      %dma_start3A_2229 = tpu.memref_squeeze %dma_start3A_2228 : memref<1x640xf32, #tpu.memory_space<hbm>> -> memref<640xf32, #tpu.memory_space<hbm>>
      %dma_start3A_2230 = tpu.memref_slice %arg5[%arg0, %mul3A_2227] : memref<2x10240xf32, #tpu.memory_space<hbm>> -> memref<1x640xf32, #tpu.memory_space<hbm>>
      %dma_start3A_2231 = tpu.memref_squeeze %dma_start3A_2230 : memref<1x640xf32, #tpu.memory_space<hbm>> -> memref<640xf32, #tpu.memory_space<hbm>>
      tpu.enqueue_dma source(%arg12 : memref<640xf32, #tpu.memory_space<vmem>>) target(%dma_start3A_2231 : memref<640xf32, #tpu.memory_space<hbm>>) target_semaphore(%run_scoped3A : memref<!tpu.dma_semaphore, #tpu.memory_space<semaphore_mem>>)
      %dma_wait3A_2232 = tpu.memref_slice %arg5[%arg0, %mul3A_2227] : memref<2x10240xf32, #tpu.memory_space<hbm>> -> memref<1x640xf32, #tpu.memory_space<hbm>>
      %dma_wait3A_2233 = tpu.memref_squeeze %dma_wait3A_2232 : memref<1x640xf32, #tpu.memory_space<hbm>> -> memref<640xf32, #tpu.memory_space<hbm>>
      %dma_wait3A_2234 = tpu.memref_slice %arg5[%arg0, %mul3A_2227] : memref<2x10240xf32, #tpu.memory_space<hbm>> -> memref<1x640xf32, #tpu.memory_space<hbm>>
      %dma_wait3A_2235 = tpu.memref_squeeze %dma_wait3A_2234 : memref<1x640xf32, #tpu.memory_space<hbm>> -> memref<640xf32, #tpu.memory_space<hbm>>
      tpu.wait_dma2 semaphore(%run_scoped3A : memref<!tpu.dma_semaphore, #tpu.memory_space<semaphore_mem>>) src(%arg12 : memref<640xf32, #tpu.memory_space<vmem>>) dst(%dma_wait3A_2235 : memref<640xf32, #tpu.memory_space<hbm>>)
      tpu.yield
    }) : () -> ()
    return
  }
}

module attributes {stable_mosaic.version = 14 : i64} {
  func.func @_tc_body(%arg0: memref<2x10240xf32, #tpu.memory_space<vmem>>, %arg1: memref<2x10240xf32, #tpu.memory_space<vmem>>, %arg2: memref<10000x128xf32, #tpu.memory_space<vmem>>, %arg3: memref<128x128xf32, #tpu.memory_space<vmem>>, %arg4: memref<1x128xf32, #tpu.memory_space<vmem>>, %arg5: memref<1x128xf32, #tpu.memory_space<vmem>>, %arg6: memref<256x1024xf32, #tpu.memory_space<vmem>>, %arg7: memref<1x1024xf32, #tpu.memory_space<vmem>>, %arg8: memref<1024x2048xf32, #tpu.memory_space<vmem>>, %arg9: memref<1x2048xf32, #tpu.memory_space<vmem>>, %arg10: memref<2048x64xf32, #tpu.memory_space<vmem>>, %arg11: memref<1x64xf32, #tpu.memory_space<vmem>>, %arg12: memref<1x64xf32, #tpu.memory_space<vmem>>) attributes {dimension_semantics = [], scalar_prefetch = 0 : i64, scratch_operands = 0 : i64, tpu.core_type = #tpu.core_type<tc>} {
    %get3A = arith.constant 0 : index
    %get3A_0 = arith.constant 0 : index
    %get3A_1 = vector.load %arg0[%get3A, %get3A_0] : memref<2x10240xf32, #tpu.memory_space<vmem>>, vector<1x10240xf32>
    %get3A_2 = arith.constant 0 : index
    %get3A_3 = arith.constant 0 : index
    %get3A_4 = vector.load %arg1[%get3A_2, %get3A_3] : memref<2x10240xf32, #tpu.memory_space<vmem>>, vector<1x10240xf32>
    %get3A_5 = arith.constant 1 : index
    %get3A_6 = arith.constant 0 : index
    %get3A_7 = vector.load %arg1[%get3A_5, %get3A_6] : memref<2x10240xf32, #tpu.memory_space<vmem>>, vector<1x10240xf32>
    %add3A = arith.addf %get3A_4, %get3A_7 : vector<1x10240xf32>
    %add3A_8 = arith.addf %add3A, %get3A_1 : vector<1x10240xf32>
    %mul3A = arith.mulf %get3A_1, %add3A_8 : vector<1x10240xf32>
    %slice3A = vector.extract_strided_slice %mul3A {offsets = [0, 0], sizes = [1, 10000], strides = [1, 1]} : vector<1x10240xf32> to vector<1x10000xf32>
    %get3A_9 = arith.constant 0 : index
    %get3A_10 = arith.constant 0 : index
    %get3A_11 = vector.load %arg2[%get3A_9, %get3A_10] : memref<10000x128xf32, #tpu.memory_space<vmem>>, vector<10000x128xf32>
    %dot_general3A = arith.constant dense<0.000000e+00> : vector<1x128xf32>
    %dot_general3A_12 = tpu.matmul %slice3A, %get3A_11, %dot_general3A {dimension_numbers = #tpu.dot_dimension_numbers<[1], [0], [0], [1], [0, 0, 1, 1], [], []>, transpose_lhs_hint = false} : vector<1x10000xf32>, vector<10000x128xf32>, vector<1x128xf32> -> vector<1x128xf32>
    %get3A_13 = arith.constant 0 : index
    %get3A_14 = arith.constant 0 : index
    %get3A_15 = vector.load %arg3[%get3A_13, %get3A_14] : memref<128x128xf32, #tpu.memory_space<vmem>>, vector<128x128xf32>
    %dot_general3A_16 = arith.constant dense<0.000000e+00> : vector<1x128xf32>
    %dot_general3A_17 = tpu.matmul %dot_general3A_12, %get3A_15, %dot_general3A_16 {dimension_numbers = #tpu.dot_dimension_numbers<[1], [0], [0], [1], [0, 0, 1, 1], [], []>, transpose_lhs_hint = false} : vector<1x128xf32>, vector<128x128xf32>, vector<1x128xf32> -> vector<1x128xf32>
    %mul3A_18 = arith.constant 9.99999974E-5 : f32
    %mul3A_19 = vector.broadcast %mul3A_18 : f32 to vector<1x128xf32>
    %mul3A_20 = arith.mulf %dot_general3A_17, %mul3A_19 : vector<1x128xf32>
    %get3A_21 = arith.constant 0 : index
    %get3A_22 = arith.constant 0 : index
    %get3A_23 = vector.load %arg4[%get3A_21, %get3A_22] : memref<1x128xf32, #tpu.memory_space<vmem>>, vector<1x128xf32>
    %add3A_24 = arith.addf %mul3A_20, %get3A_23 : vector<1x128xf32>
    %get3A_25 = arith.constant 0 : index
    %get3A_26 = arith.constant 0 : index
    %get3A_27 = vector.load %arg5[%get3A_25, %get3A_26] : memref<1x128xf32, #tpu.memory_space<vmem>>, vector<1x128xf32>
    %concatenate3A = tpu.concatenate %add3A_24, %get3A_27 in 1 : vector<1x128xf32>, vector<1x128xf32> -> vector<1x256xf32>
    %get3A_28 = arith.constant 0 : index
    %get3A_29 = arith.constant 0 : index
    %get3A_30 = vector.load %arg6[%get3A_28, %get3A_29] : memref<256x1024xf32, #tpu.memory_space<vmem>>, vector<256x1024xf32>
    %dot_general3A_31 = arith.constant dense<0.000000e+00> : vector<1x1024xf32>
    %dot_general3A_32 = tpu.matmul %concatenate3A, %get3A_30, %dot_general3A_31 {dimension_numbers = #tpu.dot_dimension_numbers<[1], [0], [0], [1], [0, 0, 1, 1], [], []>, transpose_lhs_hint = false} : vector<1x256xf32>, vector<256x1024xf32>, vector<1x1024xf32> -> vector<1x1024xf32>
    %get3A_33 = arith.constant 0 : index
    %get3A_34 = arith.constant 0 : index
    %get3A_35 = vector.load %arg7[%get3A_33, %get3A_34] : memref<1x1024xf32, #tpu.memory_space<vmem>>, vector<1x1024xf32>
    %add3A_36 = arith.addf %dot_general3A_32, %get3A_35 : vector<1x1024xf32>
    %ge3A = arith.constant 0.000000e+00 : f32
    %ge3A_37 = vector.broadcast %ge3A : f32 to vector<1x1024xf32>
    %ge3A_38 = arith.cmpf oge, %add3A_36, %ge3A_37 : vector<1x1024xf32>
    %mul3A_39 = arith.constant 0.00999999977 : f32
    %mul3A_40 = vector.broadcast %mul3A_39 : f32 to vector<1x1024xf32>
    %mul3A_41 = arith.mulf %mul3A_40, %add3A_36 : vector<1x1024xf32>
    %select_n3A = arith.select %ge3A_38, %add3A_36, %mul3A_41 : vector<1x1024xi1>, vector<1x1024xf32>
    %get3A_42 = arith.constant 0 : index
    %get3A_43 = arith.constant 0 : index
    %get3A_44 = vector.load %arg8[%get3A_42, %get3A_43] : memref<1024x2048xf32, #tpu.memory_space<vmem>>, vector<1024x2048xf32>
    %dot_general3A_45 = arith.constant dense<0.000000e+00> : vector<1x2048xf32>
    %dot_general3A_46 = tpu.matmul %select_n3A, %get3A_44, %dot_general3A_45 {dimension_numbers = #tpu.dot_dimension_numbers<[1], [0], [0], [1], [0, 0, 1, 1], [], []>, transpose_lhs_hint = false} : vector<1x1024xf32>, vector<1024x2048xf32>, vector<1x2048xf32> -> vector<1x2048xf32>
    %get3A_47 = arith.constant 0 : index
    %get3A_48 = arith.constant 0 : index
    %get3A_49 = vector.load %arg9[%get3A_47, %get3A_48] : memref<1x2048xf32, #tpu.memory_space<vmem>>, vector<1x2048xf32>
    %add3A_50 = arith.addf %dot_general3A_46, %get3A_49 : vector<1x2048xf32>
    %ge3A_51 = arith.constant 0.000000e+00 : f32
    %ge3A_52 = vector.broadcast %ge3A_51 : f32 to vector<1x2048xf32>
    %ge3A_53 = arith.cmpf oge, %add3A_50, %ge3A_52 : vector<1x2048xf32>
    %mul3A_54 = arith.constant 0.00999999977 : f32
    %mul3A_55 = vector.broadcast %mul3A_54 : f32 to vector<1x2048xf32>
    %mul3A_56 = arith.mulf %mul3A_55, %add3A_50 : vector<1x2048xf32>
    %select_n3A_57 = arith.select %ge3A_53, %add3A_50, %mul3A_56 : vector<1x2048xi1>, vector<1x2048xf32>
    %get3A_58 = arith.constant 0 : index
    %get3A_59 = arith.constant 0 : index
    %get3A_60 = vector.load %arg10[%get3A_58, %get3A_59] : memref<2048x64xf32, #tpu.memory_space<vmem>>, vector<2048x64xf32>
    %dot_general3A_61 = arith.constant dense<0.000000e+00> : vector<1x64xf32>
    %dot_general3A_62 = tpu.matmul %select_n3A_57, %get3A_60, %dot_general3A_61 {dimension_numbers = #tpu.dot_dimension_numbers<[1], [0], [0], [1], [0, 0, 1, 1], [], []>, transpose_lhs_hint = false} : vector<1x2048xf32>, vector<2048x64xf32>, vector<1x64xf32> -> vector<1x64xf32>
    %get3A_63 = arith.constant 0 : index
    %get3A_64 = arith.constant 0 : index
    %get3A_65 = vector.load %arg11[%get3A_63, %get3A_64] : memref<1x64xf32, #tpu.memory_space<vmem>>, vector<1x64xf32>
    %add3A_66 = arith.addf %dot_general3A_62, %get3A_65 : vector<1x64xf32>
    %reduce_max3A = arith.constant dense<0xFF800000> : vector<1xf32>
    %reduce_max3A_67 = vector.multi_reduction <maximumf>, %add3A_66, %reduce_max3A [1] : vector<1x64xf32> to vector<1xf32>
    %broadcast_in_dim3A = vector.shape_cast %reduce_max3A_67 : vector<1xf32> to vector<1x1xf32>
    %sub3A = vector.broadcast %broadcast_in_dim3A : vector<1x1xf32> to vector<1x64xf32>
    %sub3A_68 = arith.subf %add3A_66, %sub3A : vector<1x64xf32>
    %exp3A = math.exp %sub3A_68 : vector<1x64xf32>
    %reduce_sum3A = arith.constant dense<0.000000e+00> : vector<1xf32>
    %reduce_sum3A_69 = vector.multi_reduction <add>, %exp3A, %reduce_sum3A [1] : vector<1x64xf32> to vector<1xf32>
    %broadcast_in_dim3A_70 = vector.shape_cast %reduce_sum3A_69 : vector<1xf32> to vector<1x1xf32>
    %log3A = math.log %broadcast_in_dim3A_70 : vector<1x1xf32>
    %sub3A_71 = vector.broadcast %log3A : vector<1x1xf32> to vector<1x64xf32>
    %sub3A_72 = arith.subf %sub3A_68, %sub3A_71 : vector<1x64xf32>
    %swap3A = arith.constant 0 : index
    %swap3A_73 = arith.constant 0 : index
    %swap3A_74 = vector.load %arg12[%swap3A, %swap3A_73] : memref<1x64xf32, #tpu.memory_space<vmem>>, vector<1x64xf32>
    tpu.vector_store %arg12[%swap3A, %swap3A_73], %sub3A_72 {strides = array<i32>} : memref<1x64xf32, #tpu.memory_space<vmem>>, vector<1x64xf32>,
    return
  }
}

</mosaic_0001>

<sc_bundles>
// kernel: kernel.4.cloned.1.call-start
scs
__scs_entry_jumppad:
0x0: {  	(pc) =	sbr.rel $0x88, $3  }
0x1: {  	(tag) =	ssettag $0x0;
	lr =	simm.s32 $0x1  }
0x2: {  	[smem:$0x3F96] =	sst lr;
	_ =	strace $0xD0000000  }
0x3: {  	_ = 	snop  }
0x4: {  	_ = 	snop  }
0x5: {  	_ = 	snop  }
0x6: {  	_ = 	snop  }
0x7: {  	_ = 	snop  }
__scs_overlays_trampoline_lowered:
0x8: {  	[smem:$0x3FA5] =	sst s0  }
0x9: {  	[smem:$0x3FA6] =	sst s1  }
0xa: {  	[smem:$0x3FA7] =	sst s2  }
0xb: {  	[smem:$0x3FA8] =	sst s3  }
0xc: {  	[smem:$0x3FA9] =	sst s4  }
0xd: {  	[smem:$0x3FAA] =	sst s5  }
0xe: {  	[smem:$0x3FAB] =	sst s6  }
0xf: {  	[smem:$0x3FAC] =	sst s7  }
0x10: {  	[smem:$0x3FAD] =	sst s8  }
0x11: {  	[smem:$0x3FAE] =	sst s9;
	s0 =	simm.s32 @!p0 $0x0  }
0x12: {  	s1 =	sld [smem:$0x3F94];
	s0 =	simm.s32 @p0 $0x1  }
0x13: {  	[smem:$0x3FAF] =	sst s0;
	s0 =	simm.s32 @!p1 $0x0  }
0x14: {  	s2 =	sld [smem:$0x3F93];
	s0 =	simm.s32 @p1 $0x1  }
0x15: {  	[smem:$0x3FB0] =	sst s0;
	s0 =	simm.s32 @!p2 $0x0  }
0x16: {  	s3 =	sld [smem:$0x3FDB];
	s0 =	simm.s32 @p2 $0x1  }
0x17: {  	s4 =	simm.s32 $0x1BF5;
	[smem:$0x3FB2] =	sst s0  }
0x18: {  	s0 =	sld [smem:$0x3F95];
	_ =	swait.ge [sflag:s4], $0x0  }
0x19: {  	s7 =	sld [smem:$0x3F96]  }
0x1a: {  	s8 =	sadd.s32 $0xFFFFE003, lr  }
0x1b: {  	s9 =	sadd.s32 $0xFFFFFEF7, lr;
	s5 =	simm.s32 $0xFFFFFFFF;
	p2 =	slt.u32 s8, $0xFFFFF086  }
0x1c: {  	p1 =	slt.u32 s9, $0xF7A;
	s5 =	simm.s32 @!p2 $0x0  }
0x1d: {  	s5 =	simm.s32 @p1 $0x1;
	p0 =	seq.s32 s7, s2  }
0x1e: {  	s7 =	smul.u32 @!p0 $0xF7A, s2;
	p2 =	seq.s32 @!p0 s5, $0x0  }
0x1f: {  	s9 =	smul.u32 $0xF7A, s1;
	s8 =	simm.s32 @!p0 $0x1BF5;
	p2 =	por !p2, p0  }
0x20: {  	[sflag:s8] =	ssyncset.s32 @!p0 $0xFFFFF086;
	s6 =	sadd.s32 @!p0 s3, s7;
	s7 =	simm.s32 @!p0 $0x108  }
0x21: {  	s3 =	sadd.s32 s3, s9;
	s6 =	sadd.s32 @!p0 $0x88, s6;
	s7 =	simm.s32 @p2 $0x1082  }
0x22: {  	[simem:s7], [sflag:s8] =	dma.local @!p0 [hbm:s6], $0xF7A  }
0x23: {  	s9 =	sor.u32 $0xD0000000, s2;
	s6 =	simm.s32 $0x108;
	_ =	swait.ge @!p0 [sflag:s8], $0x0  }
0x24: {  	s3 =	sadd.s32 $0x88, s3;
	s6 =	simm.s32 @!p1 $0x1082;
	[sflag:s4] =	ssyncset.s32 $0xFFFFF086  }
0x25: {  	[simem:s6], [sflag:s4] =	dma.local [hbm:s3], $0xF7A  }
0x26: {  	[smem:$0x3F96] =	sst s1;
	(tag) =	ssettag s2;
	_ =	strace s9  }
0x27: {  	s1 =	sld [smem:$0x3FA6]  }
0x28: {  	s2 =	sld [smem:$0x3FA7]  }
0x29: {  	s4 =	sld [smem:$0x3FA9]  }
0x2a: {  	p0 =	seq.s32 s5, $0x0;
	s5 =	sld [smem:$0x3FAA]  }
0x2b: {  	s6 =	sld [smem:$0x3FAB]  }
0x2c: {  	s7 =	sld [smem:$0x3FAC]  }
0x2d: {  	s3 =	simm.s32 $0x108;
	s8 =	sld [smem:$0x3FAD]  }
0x2e: {  	s3 =	simm.s32 @!p0 $0x1082;
	s9 =	sld [smem:$0x3FAE]  }
0x2f: {  	lr =	sadd.s32 s0, s3;
	s0 =	sld [smem:$0x3FA5]  }
0x30: {  	s3 =	sld [smem:$0x3FA8]  }
0x31: {  	[smem:$0x3FB1] =	sst s10  }
0x32: {  	s10 =	sld [smem:$0x3FAF];
	_ =	sdelay $0x3  }
0x33: {  	p0 =	seq.s32 s10, $0x1;
	s10 =	sld [smem:$0x3FB1];
	_ =	sdelay $0x3  }
0x34: {  	[smem:$0x3FB1] =	sst s10  }
0x35: {  	s10 =	sld [smem:$0x3FB0];
	_ =	sdelay $0x3  }
0x36: {  	p1 =	seq.s32 s10, $0x1;
	s10 =	sld [smem:$0x3FB1];
	_ =	sdelay $0x3  }
0x37: {  	[smem:$0x3FB1] =	sst s10  }
0x38: {  	s10 =	sld [smem:$0x3FB2]  }
0x39: {  	_ = 	snop;
	(pc) =	sbr.ind lr, $3  }
0x3a: {  	_ = 	snop  }
0x3b: {  	_ = 	snop  }
0x3c: {  	p2 =	seq.s32 s10, $0x1;
	s10 =	sld [smem:$0x3FB1]  }
0x3d: {  	_ =	shalt  }
0x3e: {  	_ =	shalt  }
0x3f: {  	_ =	shalt  }
0x40: {  	_ =	shalt  }
0x41: {  	_ =	shalt  }
0x42: {  	_ =	shalt  }
0x43: {  	_ =	shalt  }
0x44: {  	_ =	shalt  }
0x45: {  	_ =	shalt  }
0x46: {  	_ =	shalt  }
0x47: {  	_ =	shalt  }
0x48: {  	_ =	shalt  }
0x49: {  	_ =	shalt  }
0x4a: {  	_ =	shalt  }
0x4b: {  	_ =	shalt  }
0x4c: {  	_ =	shalt  }
0x4d: {  	_ =	shalt  }
0x4e: {  	_ =	shalt  }
0x4f: {  	_ =	shalt  }
0x50: {  	_ =	shalt  }
0x51: {  	_ =	shalt  }
0x52: {  	_ =	shalt  }
0x53: {  	_ =	shalt  }
0x54: {  	_ =	shalt  }
0x55: {  	_ =	shalt  }
0x56: {  	_ =	shalt  }
0x57: {  	_ =	shalt  }
0x58: {  	_ =	shalt  }
0x59: {  	_ =	shalt  }
0x5a: {  	_ =	shalt  }
0x5b: {  	_ =	shalt  }
0x5c: {  	_ =	shalt  }
0x5d: {  	_ =	shalt  }
0x5e: {  	_ =	shalt  }
0x5f: {  	_ =	shalt  }
0x60: {  	_ =	shalt  }
0x61: {  	_ =	shalt  }
0x62: {  	_ =	shalt  }
0x63: {  	_ =	shalt  }
0x64: {  	_ =	shalt  }
0x65: {  	_ =	shalt  }
0x66: {  	_ =	shalt  }
0x67: {  	_ =	shalt  }
0x68: {  	_ =	shalt  }
0x69: {  	_ =	shalt  }
0x6a: {  	_ =	shalt  }
0x6b: {  	_ =	shalt  }
0x6c: {  	_ =	shalt  }
0x6d: {  	_ =	shalt  }
0x6e: {  	_ =	shalt  }
0x6f: {  	_ =	shalt  }
0x70: {  	_ =	shalt  }
0x71: {  	_ =	shalt  }
0x72: {  	_ =	shalt  }
0x73: {  	_ =	shalt  }
0x74: {  	_ =	shalt  }
0x75: {  	_ =	shalt  }
0x76: {  	_ =	shalt  }
0x77: {  	_ =	shalt  }
0x78: {  	_ =	shalt  }
0x79: {  	_ =	shalt  }
0x7a: {  	_ =	shalt  }
0x7b: {  	_ =	shalt  }
0x7c: {  	_ =	shalt  }
0x7d: {  	_ =	shalt  }
0x7e: {  	_ =	shalt  }
0x7f: {  	_ =	shalt  }
0x80: {  	_ =	shalt  }
0x81: {  	_ =	shalt  }
0x82: {  	_ =	shalt  }
0x83: {  	_ =	shalt  }
0x84: {  	_ =	shalt  }
0x85: {  	_ =	shalt  }
0x86: {  	_ =	shalt  }
0x87: {  	_ =	shalt  }
.Lfunc_end0:
.L_simem_size_0:
called_computation_lowered:
.L_overlay_start_0:
0x88: {  	s2 =	sld [smem:$0x3FD9]  }
0x89: {  	s3 =	sld [smem:$0x3FFE];
	_ =	sdelay $0x1  }
0x8a: {  	s1 =	srdreg.scid  }
0x8b: {  	s0 =	sand.u32 $0x1, s1  }
0x8c: {  	s16 =	sshll.u32 s0, $0xA;
	s2 =	sadd.s32 s3, s2  }
0x8d: {  	s2 =	sadd.s32 s2, s16  }
0x8e: {  	[smem:$0x3FBD] =	sst s2  }
0x8f: {  	_ = 	snop  }
0x90: {  	(tm) =	ssettm $0x1  }
0x91: {  	s17 =	sld [smem:$0x3FFB];
	_ =	sdelay $0x3  }
0x92: {  	_ =	strace s17  }
0x93: {  	s2 =	sld [smem:$0x3FFC];
	_ =	sdelay $0x3  }
0x94: {  	_ =	strace s2  }
0x95: {  	s2 =	sld [smem:$0x3FFD];
	_ =	sdelay $0x3  }
0x96: {  	_ =	strace s2  }
0x97: {  	_ =	strace $0x8FFFFFFF  }
0x98: {  	s18 =	sld [smem:$0x3FDB];
	_ =	sdelay $0x1  }
0x99: {  	s19 =	simm.s32 $_scs_section_size  }
0x9a: {  	s4 =	simm.s32 $_size__tile_overlayer_lowered;
	s5 =	simm.s32 $_tile_overlayer_lowered  }
0x9b: {  	s22 =	simm.s32 $0x1BFF;
	s21 =	sshll.u32 s5, $0x1;
	s2 =	sadd.s32 s19, s18  }
0x9c: {  	s6 =	simm.s32 $0x0;
	s20 =	sshll.u32 s4, $0x1;
	s4 =	sadd.s32 s21, s2  }
0x9d: {  	[timem:s6], [sflag:s22] =	dma.local [hbm:s4], s20  }
0x9e: {  	_ =	swait.ge [sflag:s22], s20  }
0x9f: {  	s3 =	ssub.s32 $0x0, s20;
	[sflag:s22] =	ssyncset.done $0x0  }
0xa0: {  	[sflag:s22] =	ssyncadd.s32 s3;
	_ =	sdelay $0x1  }
0xa1: {  	s23 =	simm.s32 $0x1B8B  }
0xa2: {  	_ =	swait.ge [sflag:s23], $0x1  }
0xa3: {  	[sflag:s23] =	ssyncset.done $0x0  }
0xa4: {  	s25 =	simm.s32 $0x1B8E;
	s24 =	sld [smem:$0x3FFE];
	[sflag:s23] =	ssyncadd.s32 $0xFFFFFFFF  }
0xa5: {  	s26 =	simm.s32 $execute0_lowered;
	[smem:$0x3FD2] =	sst s25  }
0xa6: {  	s4 =	sshll.u32 s26, $0x1;
	_ =	strace $0x80000046;
	[dreg:$0x1] =	wrdreg $0xFFFFFFFF  }
0xa7: {  	s28 =	simm.s32 $_size_execute0_lowered;
	s2 =	sadd.s32 s2, s4;
	[dreg:$0x0] =	wrdreg $0x0  }
0xa8: {  	s4 =	sshll.u32 s28, $0x1;
	[dreg:$0x2] =	wrdreg s2  }
0xa9: {  	[dreg:$0x3] =	wrdreg s4  }
0xaa: {  	[dreg:$0x4] =	wrdreg $0xC0  }
0xab: {  	_ =	task [dreg:s6], $0x5FFFF  }
0xac: {  	[dreg:$0x1] =	wrdreg $0xFFFFFFFF  }
0xad: {  	[dreg:$0x0] =	wrdreg $0x60  }
0xae: {  	[dreg:$0x2] =	wrdreg s24  }
0xaf: {  	[dreg:$0x3] =	wrdreg $0xF4800  }
0xb0: {  	[dreg:$0x4] =	wrdreg $0xF7000  }
0xb1: {  	[dreg:$0x5] =	wrdreg $0xF9800  }
0xb2: {  	[dreg:$0x6] =	wrdreg $0x9  }
0xb3: {  	_ =	task.clear_ibuf [dreg:s6], $0x7FFFF;
	_ =	strace $0x90000046  }
0xb4: {  	s29 =	simm.s32 $0x9;
	_ =	strace $0x80000048  }
0xb5: {  	_ =	swait.ge [sflag:s29], $0x1  }
0xb6: {  	[sflag:s29] =	ssyncadd.s32 $0xFFFFFFFF  }
0xb7: {  	_ =	strace $0x90000048  }
0xb8: {  	_ =	sfence  }
0xb9: {  	s30 =	sld [smem:$0x0];
	_ =	sdelay $0x2  }
0xba: {  	s31 =	sshll.u32 s1, $0xD;
	s1 =	sshrl.u32 s1, $0x2  }
0xbb: {  	s3 =	sand.u32 $0x4000, s31;
	s1 =	sadd.s32 s1, s30  }
0xbc: {  	s0 =	sor.u32 s3, s0;
	s1 =	sshll.u32 s1, $0x11  }
0xbd: {  	s0 =	sor.u32 s1, s0  }
0xbe: {  	s0 =	sadd.s32 $0x8F2B, s0  }
0xbf: {  	[sflag:s0] =	ssyncadd.remote.s32 $0x1  }
0xc0: {  	_ =	sfence.sel $0xFFFF  }
0xc1: {  	[dreg:$0x0] =	wrdreg $0xFFFFFFFF;
	(pc) =	sbr.abs _section_cstart, $3  }
0xc2: {  	[dreg:$0x1] =	wrdreg $0xFFFFFFFF  }
0xc3: {  	_ =	task.clear_ibuf [dreg:s6], $0x2FFFF;
	_ =	strace $0x9FFFFFFF  }
0xc4: {  	(tm) =	ssettm $0x7FFFFFFF  }
0xc5: {  	_ =	shalt  }
tec
execute0_lowered:
.L_overlay_start_1:
0x0: {  	(tag) =	ssettag $0x1  }
0x1: {  	s1 =	rddreg [dreg:$0x0]  }
0x2: {  	s0 =	rddreg [dreg:$0x1]  }
0x3: {  	s3 =	rddreg [dreg:$0x2]  }
0x4: {  	s2 =	srdreg.scid;
	s4 =	rddreg [dreg:$0x3]  }
0x5: {  	s5 =	simm.s32 $0x0;
	s15 =	simm.s32 $0x9E80;
	s16 =	simm.s32 $0xC600  }
0x6: {  	s17 =	simm.s32 $0xED80;
	s18 =	simm.s32 $0x3;
	s19 =	simm.s32 $0x2  }
0x7: {  	s20 =	simm.s32 $0x4E80;
	s21 =	simm.s32 $0x50;
	s22 =	simm.s32 $0xF400  }
0x8: {  	s23 =	simm.s32 $0xF180;
	s24 =	simm.s32 $0x80;
	s25 =	simm.s32 $0x100  }
0x9: {  	s28 =	simm.s32 $0x1;
	s6 =	sand.u32 $0x1, s2;
	s2 =	stileid.u32  }
0xa: {  	s29 =	simm.s32 $0x0;
	[smem:$0x7FF] =	sst s5;
	s8 =	smul.u32 $0x500, s2  }
0xb: {  	s10 =	sadd.s32 $0x1800, s1;
	s7 =	sshll.u32 s6, $0x4;
	s26 =	smul.u32 $0x9C4, s2  }
0xc: {  	_ =	strace $0x80000047;
	s11 =	sshll.u32 s6, $0x7;
	s13 =	smul.u32 $0x280, s2  }
0xd: {  	s6 =	ssub.s32 $0x2, s6;
	s30 =	smul.u32 $0xA00, s2;
	s7 =	sor.u32 s2, s7  }
0xe: {  	s12 =	sshrl.u32 s6, $0x1;
	s7 =	smul.u32 $0x4E2, s7;
	s8 =	sor.u32 s11, s8  }
0xf: {  	s14 =	ssub.s32 s6, s12;
	s31 =	sshrl.u32 s30, $0x2;
	s8 =	sshrl.u32 s8, $0x3  }
0x10: {  	s11 =	sadd.s32 s31, s4;
	s14 =	smax.u32 s14, $0x1;
	s9 =	sadd.s32 s7, s1  }
0x11: {  	v0 =	vlaneseq.u32;
	s1 =	sadd.s32 s8, s1;
	s7 =	sadd.s32 s10, s7;
	s8 =	sadd.s32 s10, s26  }
0x12: {  	v5 =	vimm.f32 $0.0e+00;
	v6 =	vimm.f32 $1.000000000e+00;
	v1 =	vor.u32 $0x10, v0;
	s10 =	sadd.s32 s13, s3;
	s26 =	simm.s32 $0x7680;
	s6 =	sadd.s32 $0xB600, s9  }
0x13: {  	v2 =	vor.u32 $0x20, v0;
	v3 =	vor.u32 $0x30, v0;
	v4 =	vor.u32 $0x40, v0;
	s9 =	sadd.s32 s13, s0;
	s12 =	sadd.s32 $0x15400, s1;
	s13 =	sadd.s32 $0x15E00, s1  }
.LBB2_1:
0x14: {  	[tilespmem:s15], [sflag:$0x1] =	stream.linear.gather [hbm4b:s6+s5], $0x2710, $0x38;
	[tilespmem:$0xFC00] =	vst v63  }
0x15: {  	_ = 	snop  }
0x16: {  	[tilespmem:s16], [sflag:$0x1] =	stream.linear.gather [hbm4b:s7+s5], $0x2710, $0x38;
	[tilespmem:$0xFC00] =	vst v63  }
0x17: {  	_ = 	snop  }
0x18: {  	[tilespmem:s5], [sflag:$0x2] =	stream.linear.gather [hbm4b:s8+s5], $0x4E20, $0x38;
	[tilespmem:$0xFC00] =	vst v63  }
0x19: {  	[tilespmem:$0xF400] =	vst v0  }
0x1a: {  	[tilespmem:$0xF410] =	vst v1  }
0x1b: {  	[tilespmem:$0xF420] =	vst v2  }
0x1c: {  	[tilespmem:$0xF430] =	vst v3  }
0x1d: {  	[tilespmem:$0xF440] =	vst v4  }
0x1e: {  	[tilespmem:$0xED80] =	vst v5  }
0x1f: {  	[tilespmem:$0xED90] =	vst v5  }
0x20: {  	[tilespmem:$0xEDA0] =	vst v5  }
0x21: {  	[tilespmem:$0xEDB0] =	vst v5  }
0x22: {  	[tilespmem:$0xEDC0] =	vst v5  }
0x23: {  	[tilespmem:$0xEDD0] =	vst v5  }
0x24: {  	[tilespmem:$0xEDE0] =	vst v5  }
0x25: {  	[tilespmem:$0xEDF0] =	vst v5  }
0x26: {  	[tilespmem:$0xEE00] =	vst v5  }
0x27: {  	[tilespmem:$0xEE10] =	vst v5  }
0x28: {  	[tilespmem:$0xEE20] =	vst v5  }
0x29: {  	[tilespmem:$0xEE30] =	vst v5  }
0x2a: {  	[tilespmem:$0xEE40] =	vst v5  }
0x2b: {  	[tilespmem:$0xEE50] =	vst v5  }
0x2c: {  	[tilespmem:$0xEE60] =	vst v5  }
0x2d: {  	[tilespmem:$0xEE70] =	vst v5  }
0x2e: {  	[tilespmem:$0xEE80] =	vst v5  }
0x2f: {  	[tilespmem:$0xEE90] =	vst v5  }
0x30: {  	[tilespmem:$0xEEA0] =	vst v5  }
0x31: {  	[tilespmem:$0xEEB0] =	vst v5  }
0x32: {  	[tilespmem:$0xEEC0] =	vst v5  }
0x33: {  	[tilespmem:$0xEED0] =	vst v5  }
0x34: {  	[tilespmem:$0xEEE0] =	vst v5  }
0x35: {  	[tilespmem:$0xEEF0] =	vst v5  }
0x36: {  	[tilespmem:$0xEF00] =	vst v5  }
0x37: {  	[tilespmem:$0xEF10] =	vst v5  }
0x38: {  	[tilespmem:$0xEF20] =	vst v5  }
0x39: {  	[tilespmem:$0xEF30] =	vst v5  }
0x3a: {  	[tilespmem:$0xEF40] =	vst v5  }
0x3b: {  	[tilespmem:$0xEF50] =	vst v5  }
0x3c: {  	[tilespmem:$0xEF60] =	vst v5  }
0x3d: {  	[tilespmem:$0xEF70] =	vst v5  }
0x3e: {  	[tilespmem:$0xEF80] =	vst v5  }
0x3f: {  	[tilespmem:$0xEF90] =	vst v5  }
0x40: {  	[tilespmem:$0xEFA0] =	vst v5  }
0x41: {  	[tilespmem:$0xEFB0] =	vst v5  }
0x42: {  	[tilespmem:$0xEFC0] =	vst v5  }
0x43: {  	[tilespmem:$0xEFD0] =	vst v5  }
0x44: {  	[tilespmem:$0xEFE0] =	vst v5  }
0x45: {  	[tilespmem:$0xEFF0] =	vst v5  }
0x46: {  	[spmem:s9] =	stream.linear.scatter [tilespmem:s17], [sflag:$0x3], $0x280, $0x38;
	[tilespmem:$0xFC00] =	vst v63  }
0x47: {  	_ =	swait.ge [sflag:s18], $0x280  }
0x48: {  	[sflag:s18] =	ssyncset.done $0x0  }
0x49: {  	[sflag:s18] =	ssyncadd.s32 $0xFFFFFD80  }
0x4a: {  	[spmem:s10] =	stream.linear.scatter [tilespmem:s17], [sflag:$0x3], $0x280, $0x38;
	[tilespmem:$0xFC00] =	vst v63  }
0x4b: {  	_ =	swait.ge [sflag:s18], $0x280  }
0x4c: {  	[sflag:s18] =	ssyncset.done $0x0  }
0x4d: {  	s1 =	simm.s32 $0x4F00;
	[sflag:s18] =	ssyncadd.s32 $0xFFFFFD80  }
0x4e: {  	[tilespmem:s1+$0xFFFFFF80] =	vst v5  }
0x4f: {  	[tilespmem:s1+$0x70] =	vst v5  }
0x50: {  	[tilespmem:s1+$0x60] =	vst v5  }
0x51: {  	[tilespmem:s1+$0x50] =	vst v5  }
0x52: {  	[tilespmem:s1+$0x40] =	vst v5  }
0x53: {  	[tilespmem:s1+$0x30] =	vst v5  }
0x54: {  	[tilespmem:s1+$0x20] =	vst v5  }
0x55: {  	[tilespmem:s1+$0x10] =	vst v5  }
0x56: {  	[tilespmem:s1+$0x0] =	vst v5  }
0x57: {  	[tilespmem:s1+$0xFFFFFFF0] =	vst v5  }
0x58: {  	[tilespmem:s1+$0xFFFFFFE0] =	vst v5  }
0x59: {  	[tilespmem:s1+$0xFFFFFFD0] =	vst v5  }
0x5a: {  	[tilespmem:s1+$0xFFFFFFC0] =	vst v5  }
0x5b: {  	[tilespmem:s1+$0xFFFFFFB0] =	vst v5  }
0x5c: {  	s30 =	simm.s32 $0x0;
	[tilespmem:s1+$0xFFFFFFA0] =	vst v5  }
.LBB2_2:
0x5d: {  	s30 =	sadd.s32 $0x2, s30;
	[tilespmem:s1+$0xFFFFFF90] =	vst v5;
	s1 =	sadd.s32 $0x100, s1  }
0x5e: {  	[tilespmem:s1+$0xFFFFFF80] =	vst v5;
	p0 =	slt.u32 s30, $0x4E  }
0x5f: {  	[tilespmem:s1+$0x70] =	vst v5  }
0x60: {  	[tilespmem:s1+$0x60] =	vst v5  }
0x61: {  	[tilespmem:s1+$0x50] =	vst v5  }
0x62: {  	[tilespmem:s1+$0x40] =	vst v5  }
0x63: {  	[tilespmem:s1+$0x30] =	vst v5  }
0x64: {  	[tilespmem:s1+$0x20] =	vst v5  }
0x65: {  	[tilespmem:s1+$0x10] =	vst v5  }
0x66: {  	[tilespmem:s1+$0x0] =	vst v5  }
0x67: {  	[tilespmem:s1+$0xFFFFFFF0] =	vst v5  }
.Ltmp0:
0x68: {  	[tilespmem:s1+$0xFFFFFFE0] =	vst v5;
	(pc) =	sbr.rel @p0 .LBB2_2-.Ltmp0, $4  }
0x69: {  	[tilespmem:s1+$0xFFFFFFD0] =	vst v5  }
0x6a: {  	[tilespmem:s1+$0xFFFFFFC0] =	vst v5  }
0x6b: {  	[tilespmem:s1+$0xFFFFFFB0] =	vst v5  }
0x6c: {  	[tilespmem:s1+$0xFFFFFFA0] =	vst v5  }
0x6d: {  	[tilespmem:s1+$0xFFFFFF90] =	vst v5  }
0x6e: {  	[bflag:$0x0] =	sbarrier.arrive $0xFFFF  }
0x6f: {  	_ =	swait.ge [sflag:s19], $0x4E20  }
0x70: {  	[sflag:s19] =	ssyncset.done $0x0  }
0x71: {  	s1 =	simm.s32 $0x80;
	[sflag:s19] =	ssyncadd.s32 $0xFFFFB1E0  }
0x72: {  	v8 =	vld [tilespmem:s1+$0xFFFFFFA0]  }
0x73: {  	v9 =	vld [tilespmem:s1+$0xFFFFFF80]  }
0x74: {  	v10 =	vld [tilespmem:s1+$0x30]  }
0x75: {  	v11 =	vld [tilespmem:s1+$0x10]  }
0x76: {  	v12 =	vld [tilespmem:s1+$0x20]  }
0x77: {  	v13 =	vld [tilespmem:s1+$0x70]  }
0x78: {  	v14 =	vld [tilespmem:s1+$0x60]  }
0x79: {  	v15 =	vld [tilespmem:s1+$0x50]  }
0x7a: {  	v7 =	vld [tilespmem:s1+$0xFFFFFF90]  }
0x7b: {  	v60 =	vld [tilespmem:s1+$0xFFFFFFB0]  }
0x7c: {  	v16 =	vld [tilespmem:s1+$0xFFFFFFC0]  }
0x7d: {  	v17 =	vld [tilespmem:s1+$0x40]  }
0x7e: {  	v61 =	vld [tilespmem:s1+$0x0]  }
0x7f: {  	v62 =	vld [tilespmem:s1+$0xFFFFFFF0]  }
0x80: {  	v63 =	vld [tilespmem:s1+$0xFFFFFFE0]  }
0x81: {  	v18 =	vld [tilespmem:s1+$0xFFFFFFD0]  }
0x82: {  	[tilespmem:v9+s20+$0x0] =	vst.idx.add.f32.msk $0xffff, v6  }
0x83: {  	[tilespmem:v13+s20+$0x0] =	vst.idx.add.f32.msk $0xffff, v6  }
0x84: {  	[tilespmem:v14+s20+$0x0] =	vst.idx.add.f32.msk $0xffff, v6  }
0x85: {  	[tilespmem:v15+s20+$0x0] =	vst.idx.add.f32.msk $0xffff, v6  }
0x86: {  	[tilespmem:v17+s20+$0x0] =	vst.idx.add.f32.msk $0xffff, v6  }
0x87: {  	[tilespmem:v10+s20+$0x0] =	vst.idx.add.f32.msk $0xffff, v6  }
0x88: {  	[tilespmem:v12+s20+$0x0] =	vst.idx.add.f32.msk $0xffff, v6  }
0x89: {  	[tilespmem:v11+s20+$0x0] =	vst.idx.add.f32.msk $0xffff, v6  }
0x8a: {  	[tilespmem:v61+s20+$0x0] =	vst.idx.add.f32.msk $0xffff, v6  }
0x8b: {  	[tilespmem:v62+s20+$0x0] =	vst.idx.add.f32.msk $0xffff, v6  }
0x8c: {  	[tilespmem:v63+s20+$0x0] =	vst.idx.add.f32.msk $0xffff, v6  }
0x8d: {  	[tilespmem:v18+s20+$0x0] =	vst.idx.add.f32.msk $0xffff, v6  }
0x8e: {  	[tilespmem:v16+s20+$0x0] =	vst.idx.add.f32.msk $0xffff, v6  }
0x8f: {  	[tilespmem:v60+s20+$0x0] =	vst.idx.add.f32.msk $0xffff, v6  }
0x90: {  	s30 =	simm.s32 $0x0;
	[tilespmem:v8+s20+$0x0] =	vst.idx.add.f32.msk $0xffff, v6  }
.LBB2_4:
0x91: {  	s30 =	sadd.s32 $0x10, s30;
	[tilespmem:v7+s20+$0x0] =	vst.idx.add.f32.msk $0xffff, v6;
	s1 =	sadd.s32 $0x100, s1  }
0x92: {  	v8 =	vld [tilespmem:s1+$0xFFFFFFA0];
	p0 =	slt.u32 s30, $0x4D0  }
0x93: {  	v9 =	vld [tilespmem:s1+$0xFFFFFF80]  }
0x94: {  	v10 =	vld [tilespmem:s1+$0x30]  }
0x95: {  	v11 =	vld [tilespmem:s1+$0x10]  }
0x96: {  	v12 =	vld [tilespmem:s1+$0x20]  }
0x97: {  	v13 =	vld [tilespmem:s1+$0x70]  }
0x98: {  	v14 =	vld [tilespmem:s1+$0x60]  }
0x99: {  	v15 =	vld [tilespmem:s1+$0x50]  }
0x9a: {  	v7 =	vld [tilespmem:s1+$0xFFFFFF90]  }
0x9b: {  	[tilespmem:v9+s20+$0x0] =	vst.idx.add.f32.msk $0xffff, v6  }
0x9c: {  	v9 =	vld [tilespmem:s1+$0xFFFFFFB0]  }
0x9d: {  	v16 =	vld [tilespmem:s1+$0xFFFFFFC0]  }
0x9e: {  	v17 =	vld [tilespmem:s1+$0x40]  }
0x9f: {  	[tilespmem:v13+s20+$0x0] =	vst.idx.add.f32.msk $0xffff, v6  }
0xa0: {  	[tilespmem:v14+s20+$0x0] =	vst.idx.add.f32.msk $0xffff, v6  }
0xa1: {  	[tilespmem:v15+s20+$0x0] =	vst.idx.add.f32.msk $0xffff, v6  }
0xa2: {  	v13 =	vld [tilespmem:s1+$0x0]  }
0xa3: {  	v14 =	vld [tilespmem:s1+$0xFFFFFFF0]  }
0xa4: {  	v15 =	vld [tilespmem:s1+$0xFFFFFFE0]  }
0xa5: {  	v18 =	vld [tilespmem:s1+$0xFFFFFFD0]  }
0xa6: {  	[tilespmem:v17+s20+$0x0] =	vst.idx.add.f32.msk $0xffff, v6  }
0xa7: {  	[tilespmem:v10+s20+$0x0] =	vst.idx.add.f32.msk $0xffff, v6  }
0xa8: {  	[tilespmem:v12+s20+$0x0] =	vst.idx.add.f32.msk $0xffff, v6  }
0xa9: {  	[tilespmem:v11+s20+$0x0] =	vst.idx.add.f32.msk $0xffff, v6  }
0xaa: {  	[tilespmem:v13+s20+$0x0] =	vst.idx.add.f32.msk $0xffff, v6  }
0xab: {  	[tilespmem:v14+s20+$0x0] =	vst.idx.add.f32.msk $0xffff, v6  }
.Ltmp1:
0xac: {  	[tilespmem:v15+s20+$0x0] =	vst.idx.add.f32.msk $0xffff, v6;
	(pc) =	sbr.rel @p0 .LBB2_4-.Ltmp1, $4  }
0xad: {  	[tilespmem:v18+s20+$0x0] =	vst.idx.add.f32.msk $0xffff, v6  }
0xae: {  	[tilespmem:v16+s20+$0x0] =	vst.idx.add.f32.msk $0xffff, v6  }
0xaf: {  	[tilespmem:v9+s20+$0x0] =	vst.idx.add.f32.msk $0xffff, v6  }
0xb0: {  	[tilespmem:v8+s20+$0x0] =	vst.idx.add.f32.msk $0xffff, v6  }
0xb1: {  	_ =	sdelay $0x3  }
0xb2: {  	[tilespmem:v7+s20+$0x0] =	vst.idx.add.f32.msk $0xffff, v6;
	s1 =	simm.s32 $0x0  }
.LBB2_6:
0xb3: {  	s30 =	sshra.s32 s1, $0x2  }
0xb4: {  	v7 =	vld [tilespmem:s30+$0x4E00];
	_ =	sdelay $0x2  }
0xb5: {  	p0 =	sne.s32 s1, $0x40  }
.Ltmp2:
0xb6: {  	_ = 	snop;
	(pc) =	sbr.rel @p0 .LBB2_6-.Ltmp2, $2  }
0xb7: {  	_ =	sdelay $0x2  }
0xb8: {  	s1 =	sadd.s32 $0x40, s1;
	[tilespmem:v7+s20+$0x0] =	vst.idx.add.f32.msk $0xffff, v6  }
0xb9: {  	[spmem:s0] =	stream.indirect.scatter.add.f32 [tilespmem:s20], [sflag:$0x3], $0x80, s22, s21, $0xb8;
	[tilespmem:$0xFC00] =	vst v63  }
0xba: {  	_ =	swait.ge [sflag:s18], $0x2800  }
0xbb: {  	[sflag:s18] =	ssyncset.done $0x0  }
0xbc: {  	[sflag:s18] =	ssyncadd.s32 $0xFFFFD800  }
0xbd: {  	[bflag:$0x0] =	sbarrier.arrive $0xFFFF  }
0xbe: {  	[tilespmem:s17], [sflag:$0x3] =	stream.linear.gather [spmem:s9], $0x280, $0x38;
	[tilespmem:$0xFC00] =	vst v63  }
0xbf: {  	_ =	swait.ge [sflag:s18], $0x280  }
0xc0: {  	[sflag:s18] =	ssyncset.done $0x0  }
0xc1: {  	[sflag:s18] =	ssyncadd.s32 $0xFFFFFD80  }
0xc2: {  	v7 =	vld [tilespmem:$0xED80]  }
0xc3: {  	v8 =	vld [tilespmem:$0xED90];
	_ =	sdelay $0x3  }
0xc4: {  	v7 =	vadd.f32 $1.000000000e+00, v7  }
0xc5: {  	v8 =	vadd.f32 $1.000000000e+00, v8  }
0xc6: {  	v9 =	vshra.s32 v7, $0x1;
	v7 =	vmul.f32 $5.000000000e-01, v7  }
0xc7: {  	v13 =	vld [tilespmem:$0xEDA0];
	v11 =	vshra.s32 v8, $0x1;
	v8 =	vmul.f32 $5.000000000e-01, v8;
	v9 =	vsub.s32 $0x5F3759DF, v9  }
0xc8: {  	v14 =	vld [tilespmem:$0xEDB0];
	v11 =	vsub.s32 $0x5F3759DF, v11;
	v10 =	vmul.f32 v9, v7  }
0xc9: {  	v12 =	vmul.f32 v11, v8  }
0xca: {  	v10 =	vmul.f32 v9, v10  }
0xcb: {  	v12 =	vmul.f32 v11, v12  }
0xcc: {  	v37 =	vadd.f32 $1.000000000e+00, v13;
	v10 =	vsub.f32 $1.500000000e+00, v10  }
0xcd: {  	v38 =	vadd.f32 $1.000000000e+00, v14;
	v35 =	vsub.f32 $1.500000000e+00, v12  }
0xce: {  	v25 =	vld [tilespmem:$0xEE00];
	v15 =	vshra.s32 v37, $0x1;
	v9 =	vmul.f32 v9, v10  }
0xcf: {  	v45 =	vld [tilespmem:$0xEDD0];
	v16 =	vshra.s32 v38, $0x1;
	v13 =	vmul.f32 $5.000000000e-01, v38;
	v10 =	vmul.f32 v11, v35  }
0xd0: {  	v16 =	vsub.s32 $0x5F3759DF, v16;
	v11 =	vmul.f32 $5.000000000e-01, v37;
	v36 =	vmul.f32 v9, v7  }
0xd1: {  	v42 =	vld [tilespmem:$0xEDC0];
	v15 =	vsub.s32 $0x5F3759DF, v15;
	v18 =	vmul.f32 v16, v13;
	v39 =	vmul.f32 v10, v8  }
0xd2: {  	v17 =	vmul.f32 v15, v11;
	v12 =	vmul.f32 v36, v9  }
0xd3: {  	v28 =	vadd.f32 $1.000000000e+00, v25;
	v41 =	vmul.f32 v16, v18;
	v14 =	vmul.f32 v39, v10  }
0xd4: {  	v40 =	vmul.f32 v15, v17;
	v17 =	vadd.f32 $1.000000000e+00, v45;
	v12 =	vsub.f32 $1.500000000e+00, v12  }
0xd5: {  	v32 =	vmul.f32 $5.000000000e-01, v28;
	v43 =	vsub.f32 $1.500000000e+00, v41;
	v14 =	vsub.f32 $1.500000000e+00, v14  }
0xd6: {  	v54 =	vld [tilespmem:$0xEDF0];
	v44 =	vadd.f32 $1.000000000e+00, v42;
	v53 =	vmul.f32 $5.000000000e-01, v17;
	v9 =	vmul.f32 v12, v9  }
0xd7: {  	v12 =	vsub.f32 $1.500000000e+00, v40;
	v10 =	vmul.f32 v14, v10;
	v14 =	vmul.f32 v16, v43  }
0xd8: {  	v19 =	vshra.s32 v44, $0x1;
	v16 =	vmul.f32 $5.000000000e-01, v44;
	v7 =	vmul.f32 v9, v7  }
0xd9: {  	v19 =	vsub.s32 $0x5F3759DF, v19;
	v12 =	vmul.f32 v15, v12;
	v8 =	vmul.f32 v10, v8  }
0xda: {  	v50 =	vld [tilespmem:$0xEDE0];
	v52 =	vshra.s32 v17, $0x1;
	v46 =	vmul.f32 v14, v13;
	v48 =	vmul.f32 v19, v16  }
0xdb: {  	v17 =	vadd.f32 $1.000000000e+00, v54;
	v7 =	vmul.f32 v7, v9;
	v15 =	vmul.f32 v12, v11  }
0xdc: {  	v8 =	vmul.f32 v8, v10;
	v18 =	vmul.f32 v46, v14  }
0xdd: {  	v58 =	vshra.s32 v17, $0x1;
	v7 =	vsub.f32 $1.500000000e+00, v7;
	v15 =	vmul.f32 v15, v12  }
0xde: {  	v51 =	vmul.f32 v19, v48;
	v20 =	vsub.f32 $1.500000000e+00, v8;
	v49 =	vsub.f32 $1.500000000e+00, v18  }
0xdf: {  	v18 =	vadd.f32 $1.000000000e+00, v50;
	v8 =	vmul.f32 v7, v9;
	v47 =	vsub.f32 $1.500000000e+00, v15  }
0xe0: {  	v7 =	vmul.f32 v20, v10;
	v10 =	vmul.f32 v49, v14;
	v14 =	vsub.s32 $0x5F3759DF, v52  }
0xe1: {  	v17 =	vmul.f32 $5.000000000e-01, v17;
	v21 =	vshra.s32 v18, $0x1;
	v55 =	vmul.f32 v14, v53  }
0xe2: {  	v18 =	vmul.f32 $5.000000000e-01, v18;
	v9 =	vmul.f32 v47, v12;
	v12 =	vsub.f32 $1.500000000e+00, v51  }
0xe3: {  	v13 =	vmul.f32 v10, v13;
	v56 =	vmul.f32 v14, v55  }
0xe4: {  	v21 =	vsub.s32 $0x5F3759DF, v21;
	v11 =	vmul.f32 v9, v11;
	v12 =	vmul.f32 v19, v12  }
0xe5: {  	v22 =	vmul.f32 v21, v18;
	v13 =	vmul.f32 v13, v10;
	v19 =	vsub.f32 $1.500000000e+00, v56  }
0xe6: {  	v11 =	vmul.f32 v11, v9;
	v57 =	vmul.f32 v12, v16  }
0xe7: {  	v22 =	vmul.f32 v21, v22;
	v13 =	vsub.f32 $1.500000000e+00, v13;
	v14 =	vmul.f32 v14, v19  }
0xe8: {  	v63 =	vld [tilespmem:$0xEE10];
	v19 =	vsub.s32 $0x5F3759DF, v58;
	v11 =	vsub.f32 $1.500000000e+00, v11;
	v20 =	vmul.f32 v57, v12  }
0xe9: {  	v60 =	vsub.f32 $1.500000000e+00, v22;
	v24 =	vmul.f32 v19, v17;
	v23 =	vmul.f32 v14, v53  }
0xea: {  	v10 =	vmul.f32 v13, v10;
	v20 =	vsub.f32 $1.500000000e+00, v20;
	v9 =	vmul.f32 v11, v9  }
0xeb: {  	v31 =	vshra.s32 v28, $0x1;
	v62 =	vmul.f32 v19, v24;
	v61 =	vmul.f32 v23, v14  }
0xec: {  	v59 =	vmul.f32 v20, v12;
	v12 =	vmul.f32 v21, v60;
	v20 =	vsub.s32 $0x5F3759DF, v31  }
0xed: {  	v26 =	vsub.f32 $1.500000000e+00, v62;
	v21 =	vadd.f32 $1.000000000e+00, v63;
	v34 =	vmul.f32 v20, v32  }
0xee: {  	v52 =	vld [tilespmem:$0xEE50];
	v24 =	vsub.f32 $1.500000000e+00, v61;
	v16 =	vmul.f32 v59, v16;
	v27 =	vmul.f32 v12, v18  }
0xef: {  	v61 =	vld [tilespmem:$0xEE60];
	v29 =	vmul.f32 v19, v26;
	v35 =	vshra.s32 v21, $0x1;
	v21 =	vmul.f32 $5.000000000e-01, v21  }
0xf0: {  	v26 =	vld [tilespmem:$0xEE20];
	v13 =	vmul.f32 v24, v14;
	v36 =	vmul.f32 v20, v34  }
0xf1: {  	v37 =	vsub.s32 $0x5F3759DF, v35;
	v30 =	vmul.f32 v27, v12;
	v33 =	vmul.f32 v29, v17  }
0xf2: {  	v16 =	vmul.f32 v16, v59;
	v25 =	vmul.f32 v37, v21  }
0xf3: {  	v15 =	vmul.f32 v13, v53;
	v19 =	vsub.f32 $1.500000000e+00, v30;
	v23 =	vmul.f32 v33, v29  }
0xf4: {  	v16 =	vsub.f32 $1.500000000e+00, v16;
	v38 =	vmul.f32 v37, v25;
	v25 =	vadd.f32 $1.000000000e+00, v52  }
0xf5: {  	v35 =	vadd.f32 $1.000000000e+00, v61;
	v15 =	vmul.f32 v15, v13;
	v41 =	vadd.f32 $1.000000000e+00, v26  }
0xf6: {  	v42 =	vld [tilespmem:$0xEE30];
	v19 =	vmul.f32 v19, v12;
	v23 =	vsub.f32 $1.500000000e+00, v23;
	v12 =	vsub.f32 $1.500000000e+00, v36  }
0xf7: {  	v11 =	vmul.f32 v16, v59;
	v14 =	vsub.f32 $1.500000000e+00, v38;
	v54 =	vshra.s32 v25, $0x1  }
0xf8: {  	v25 =	vmul.f32 $5.000000000e-01, v25;
	v15 =	vsub.f32 $1.500000000e+00, v15;
	v18 =	vmul.f32 v19, v18  }
0xf9: {  	v43 =	vshra.s32 v41, $0x1;
	v23 =	vmul.f32 v23, v29;
	v39 =	vmul.f32 v20, v12  }
0xfa: {  	v24 =	vmul.f32 v37, v14;
	v45 =	vsub.s32 $0x5F3759DF, v43;
	v12 =	vmul.f32 v15, v13  }
0xfb: {  	v20 =	vadd.f32 $1.000000000e+00, v42;
	v15 =	vmul.f32 $5.000000000e-01, v41;
	v18 =	vmul.f32 v18, v19  }
0xfc: {  	v37 =	vshra.s32 v35, $0x1;
	v17 =	vmul.f32 v23, v17;
	v40 =	vmul.f32 v39, v32  }
0xfd: {  	v38 =	vsub.s32 $0x5F3759DF, v37;
	v44 =	vmul.f32 v24, v21;
	v47 =	vmul.f32 v45, v15  }
0xfe: {  	v49 =	vld [tilespmem:$0xEE40];
	v51 =	vshra.s32 v20, $0x1;
	v17 =	vmul.f32 v17, v23;
	v13 =	vmul.f32 v40, v39  }
0xff: {  	v36 =	vld [tilespmem:$0xEE70];
	v20 =	vmul.f32 $5.000000000e-01, v20;
	v18 =	vsub.f32 $1.500000000e+00, v18;
	v50 =	vmul.f32 v45, v47  }
0x100: {  	v48 =	vmul.f32 v44, v24;
	v17 =	vsub.f32 $1.500000000e+00, v17;
	v46 =	vsub.f32 $1.500000000e+00, v13  }
0x101: {  	v14 =	vmul.f32 v18, v19;
	v19 =	vsub.s32 $0x5F3759DF, v51;
	v18 =	vsub.f32 $1.500000000e+00, v50  }
0x102: {  	v13 =	vmul.f32 v17, v23;
	v16 =	vmul.f32 v46, v39;
	v17 =	vsub.f32 $1.500000000e+00, v48  }
0x103: {  	v53 =	vmul.f32 v19, v20;
	v23 =	vadd.f32 $1.000000000e+00, v49;
	v39 =	vld [tilespmem:$0xEE80];
	v18 =	vmul.f32 v45, v18  }
0x104: {  	v42 =	vadd.f32 $1.000000000e+00, v36;
	v22 =	vmul.f32 v16, v32;
	v17 =	vmul.f32 v17, v24  }
0x105: {  	v24 =	vmul.f32 v19, v53;
	v27 =	vshra.s32 v23, $0x1;
	v23 =	vmul.f32 $5.000000000e-01, v23  }
0x106: {  	v46 =	vmul.f32 $5.000000000e-01, v42;
	v26 =	vmul.f32 v18, v15;
	v27 =	vsub.s32 $0x5F3759DF, v27  }
0x107: {  	v45 =	vld [tilespmem:$0xEE90];
	v22 =	vmul.f32 v22, v16;
	v24 =	vsub.f32 $1.500000000e+00, v24;
	v28 =	vmul.f32 v27, v23  }
0x108: {  	v21 =	vmul.f32 v17, v21;
	v26 =	vmul.f32 v26, v18;
	v49 =	vadd.f32 $1.000000000e+00, v39  }
0x109: {  	v19 =	vmul.f32 v19, v24;
	v28 =	vmul.f32 v27, v28;
	v24 =	vsub.s32 $0x5F3759DF, v54  }
0x10a: {  	v21 =	vmul.f32 v21, v17;
	v26 =	vsub.f32 $1.500000000e+00, v26;
	v30 =	vmul.f32 v24, v25  }
0x10b: {  	v22 =	vsub.f32 $1.500000000e+00, v22;
	v29 =	vmul.f32 v19, v20;
	v55 =	vsub.f32 $1.500000000e+00, v28  }
0x10c: {  	v52 =	vadd.f32 $1.000000000e+00, v45;
	v18 =	vmul.f32 v26, v18;
	v57 =	vmul.f32 v24, v30  }
0x10d: {  	v21 =	vsub.f32 $1.500000000e+00, v21;
	v56 =	vmul.f32 v29, v19;
	v26 =	vmul.f32 v27, v55  }
0x10e: {  	v27 =	vshra.s32 v42, $0x1;
	v58 =	vmul.f32 v18, v15;
	v15 =	vmul.f32 v22, v16  }
0x10f: {  	v60 =	vsub.f32 $1.500000000e+00, v57;
	v16 =	vmul.f32 v21, v17;
	v21 =	vmul.f32 $5.000000000e-01, v35  }
0x110: {  	v45 =	vld [tilespmem:$0xEEC0];
	v48 =	vsub.s32 $0x5F3759DF, v27;
	v27 =	vmul.f32 $5.000000000e-01, v49;
	v63 =	vmul.f32 v26, v23  }
0x111: {  	v59 =	vsub.f32 $1.500000000e+00, v56;
	v50 =	vmul.f32 v48, v46;
	v62 =	vmul.f32 v58, v18  }
0x112: {  	v51 =	vshra.s32 v49, $0x1;
	v22 =	vmul.f32 v24, v60;
	v40 =	vmul.f32 v38, v21  }
0x113: {  	v31 =	vsub.s32 $0x5F3759DF, v51;
	v19 =	vmul.f32 v59, v19;
	v33 =	vmul.f32 v63, v26  }
0x114: {  	v29 =	vmul.f32 v48, v50;
	v32 =	vsub.f32 $1.500000000e+00, v62;
	v24 =	vmul.f32 v22, v25  }
0x115: {  	v51 =	vadd.f32 $1.000000000e+00, v45;
	v44 =	vmul.f32 v38, v40;
	v20 =	vmul.f32 v19, v20  }
0x116: {  	v34 =	vsub.f32 $1.500000000e+00, v33;
	v33 =	vshra.s32 v52, $0x1;
	v17 =	vmul.f32 v32, v18  }
0x117: {  	v35 =	vld [tilespmem:$0xEEA0];
	v24 =	vmul.f32 v24, v22;
	v47 =	vsub.f32 $1.500000000e+00, v44;
	v32 =	vmul.f32 v31, v27  }
0x118: {  	v33 =	vsub.s32 $0x5F3759DF, v33;
	v20 =	vmul.f32 v20, v19;
	v26 =	vmul.f32 v34, v26  }
0x119: {  	v34 =	vmul.f32 $5.000000000e-01, v52;
	v24 =	vsub.f32 $1.500000000e+00, v24;
	v28 =	vmul.f32 v38, v47  }
0x11a: {  	v32 =	vmul.f32 v31, v32;
	v20 =	vsub.f32 $1.500000000e+00, v20;
	v23 =	vmul.f32 v26, v23  }
0x11b: {  	v29 =	vsub.f32 $1.500000000e+00, v29;
	v54 =	vmul.f32 v33, v34;
	v41 =	vmul.f32 v24, v22  }
0x11c: {  	v59 =	vadd.f32 $1.000000000e+00, v35;
	v53 =	vmul.f32 v28, v21;
	v18 =	vmul.f32 v20, v19  }
0x11d: {  	v56 =	vsub.f32 $1.500000000e+00, v32;
	v43 =	vmul.f32 v23, v26;
	v23 =	vmul.f32 v48, v29  }
0x11e: {  	v63 =	vshra.s32 v59, $0x1;
	v25 =	vmul.f32 v41, v25;
	v24 =	vmul.f32 v53, v28  }
0x11f: {  	v60 =	vld [tilespmem:$0xEEB0];
	v29 =	vmul.f32 v33, v54;
	v58 =	vmul.f32 v31, v56;
	v22 =	vsub.f32 $1.500000000e+00, v43  }
0x120: {  	v57 =	vmul.f32 v23, v46;
	v25 =	vmul.f32 v25, v41;
	v24 =	vsub.f32 $1.500000000e+00, v24  }
0x121: {  	v61 =	vsub.f32 $1.500000000e+00, v29;
	v62 =	vmul.f32 v58, v27;
	v19 =	vmul.f32 v22, v26  }
0x122: {  	v26 =	vmul.f32 v57, v23;
	v55 =	vsub.f32 $1.500000000e+00, v25;
	v24 =	vmul.f32 v24, v28  }
0x123: {  	v32 =	vsub.s32 $0x5F3759DF, v63;
	v25 =	vmul.f32 $5.000000000e-01, v59;
	v28 =	vmul.f32 v33, v61  }
0x124: {  	v31 =	vadd.f32 $1.000000000e+00, v60;
	v29 =	vmul.f32 v62, v58;
	v20 =	vmul.f32 v55, v41  }
0x125: {  	v26 =	vsub.f32 $1.500000000e+00, v26;
	v21 =	vmul.f32 v24, v21;
	v36 =	vmul.f32 v32, v25  }
0x126: {  	v37 =	vmul.f32 v28, v34;
	v41 =	vshra.s32 v31, $0x1;
	v31 =	vmul.f32 $5.000000000e-01, v31  }
0x127: {  	v49 =	vld [tilespmem:$0xEEE0];
	v38 =	vsub.f32 $1.500000000e+00, v29;
	v23 =	vmul.f32 v26, v23;
	v21 =	vmul.f32 v21, v24  }
0x128: {  	v43 =	vsub.s32 $0x5F3759DF, v41;
	v39 =	vmul.f32 v32, v36;
	v40 =	vmul.f32 v37, v28  }
0x129: {  	v54 =	vshra.s32 v51, $0x1;
	v26 =	vmul.f32 v38, v58;
	v35 =	vmul.f32 v43, v31  }
0x12a: {  	v36 =	vld [tilespmem:$0xEED0];
	v30 =	vmul.f32 v23, v46;
	v42 =	vsub.f32 $1.500000000e+00, v39;
	v33 =	vsub.f32 $1.500000000e+00, v40  }
0x12b: {  	v27 =	vmul.f32 v26, v27;
	v44 =	vmul.f32 v43, v35;
	v21 =	vsub.f32 $1.500000000e+00, v21  }
0x12c: {  	v35 =	vadd.f32 $1.000000000e+00, v49;
	v30 =	vmul.f32 v30, v23;
	v32 =	vmul.f32 v32, v42  }
0x12d: {  	v28 =	vmul.f32 v33, v28;
	v27 =	vmul.f32 v27, v26;
	v22 =	vsub.f32 $1.500000000e+00, v44  }
0x12e: {  	v21 =	vmul.f32 v21, v24;
	v38 =	vshra.s32 v35, $0x1;
	v35 =	vmul.f32 $5.000000000e-01, v35  }
0x12f: {  	v39 =	vld [tilespmem:$0xEEF0];
	v47 =	vsub.f32 $1.500000000e+00, v30;
	v55 =	vadd.f32 $1.000000000e+00, v36;
	v30 =	vmul.f32 $5.000000000e-01, v51  }
0x130: {  	v60 =	vsub.s32 $0x5F3759DF, v38;
	v46 =	vmul.f32 v32, v25;
	v34 =	vmul.f32 v28, v34  }
0x131: {  	v56 =	vsub.s32 $0x5F3759DF, v54;
	v29 =	vmul.f32 v43, v22;
	v40 =	vmul.f32 v60, v35  }
0x132: {  	v27 =	vsub.f32 $1.500000000e+00, v27;
	v22 =	vmul.f32 v47, v23;
	v33 =	vmul.f32 $5.000000000e-01, v55  }
0x133: {  	v57 =	vshra.s32 v55, $0x1;
	v58 =	vmul.f32 v56, v30;
	v48 =	vmul.f32 v46, v32  }
0x134: {  	v43 =	vadd.f32 $1.000000000e+00, v39;
	v34 =	vmul.f32 v34, v28;
	v23 =	vmul.f32 v27, v26  }
0x135: {  	v53 =	vmul.f32 v29, v31;
	v37 =	vsub.s32 $0x5F3759DF, v57;
	v42 =	vmul.f32 v60, v40  }
0x136: {  	v24 =	vmul.f32 v37, v33;
	v59 =	vmul.f32 v56, v58;
	v45 =	vshra.s32 v43, $0x1  }
0x137: {  	v50 =	vsub.f32 $1.500000000e+00, v48;
	v52 =	vsub.f32 $1.500000000e+00, v34;
	v27 =	vmul.f32 v53, v29  }
0x138: {  	v34 =	vmul.f32 $5.000000000e-01, v43;
	v47 =	vsub.s32 $0x5F3759DF, v45;
	v61 =	vmul.f32 v37, v24  }
0x139: {  	v62 =	vsub.f32 $1.500000000e+00, v59;
	v32 =	vmul.f32 v50, v32;
	v27 =	vsub.f32 $1.500000000e+00, v27  }
0x13a: {  	v24 =	vmul.f32 v52, v28;
	v38 =	vmul.f32 v47, v34  }
0x13b: {  	v58 =	vld [tilespmem:$0xEF10];
	v41 =	vsub.f32 $1.500000000e+00, v61;
	v26 =	vmul.f32 v56, v62;
	v27 =	vmul.f32 v27, v29  }
0x13c: {  	v25 =	vmul.f32 v32, v25;
	v38 =	vmul.f32 v47, v38  }
0x13d: {  	v29 =	vmul.f32 v37, v41;
	v44 =	vmul.f32 v26, v30  }
0x13e: {  	v41 =	vld [tilespmem:$0xEF00];
	v63 =	vmul.f32 v27, v31;
	v25 =	vmul.f32 v25, v32;
	v31 =	vsub.f32 $1.500000000e+00, v42  }
0x13f: {  	v50 =	vsub.f32 $1.500000000e+00, v38;
	v46 =	vmul.f32 v29, v33;
	v37 =	vmul.f32 v44, v26  }
0x140: {  	v62 =	vadd.f32 $1.000000000e+00, v58;
	v28 =	vmul.f32 v63, v27;
	v31 =	vmul.f32 v60, v31  }
0x141: {  	v25 =	vsub.f32 $1.500000000e+00, v25;
	v54 =	vmul.f32 v47, v50;
	v39 =	vmul.f32 v46, v29  }
0x142: {  	v37 =	vsub.f32 $1.500000000e+00, v37;
	v48 =	vmul.f32 v31, v35;
	v28 =	vsub.f32 $1.500000000e+00, v28  }
0x143: {  	v60 =	vld [tilespmem:$0xEF20];
	v25 =	vmul.f32 v25, v32;
	v56 =	vmul.f32 v54, v34;
	v57 =	vadd.f32 $1.000000000e+00, v41  }
0x144: {  	v32 =	vmul.f32 $5.000000000e-01, v62;
	v39 =	vsub.f32 $1.500000000e+00, v39;
	v49 =	vmul.f32 v37, v26  }
0x145: {  	v40 =	vmul.f32 v48, v31;
	v26 =	vmul.f32 v28, v27  }
0x146: {  	v59 =	vshra.s32 v57, $0x1;
	v36 =	vmul.f32 $5.000000000e-01, v57;
	v51 =	vmul.f32 v39, v29  }
0x147: {  	v53 =	vmul.f32 v49, v30;
	v29 =	vmul.f32 v56, v54;
	v38 =	vsub.s32 $0x5F3759DF, v59  }
0x148: {  	v46 =	vadd.f32 $1.000000000e+00, v60;
	v52 =	vsub.f32 $1.500000000e+00, v40;
	v61 =	vmul.f32 v38, v36  }
0x149: {  	v33 =	vmul.f32 v51, v33;
	v55 =	vmul.f32 v53, v49  }
0x14a: {  	v29 =	vsub.f32 $1.500000000e+00, v29;
	v37 =	vmul.f32 $5.000000000e-01, v46;
	v31 =	vmul.f32 v52, v31  }
0x14b: {  	v44 =	vmul.f32 v38, v61;
	v33 =	vmul.f32 v33, v51;
	v28 =	vsub.f32 $1.500000000e+00, v55  }
0x14c: {  	v47 =	vld [tilespmem:$0xEF30];
	v30 =	vmul.f32 v29, v54;
	v35 =	vmul.f32 v31, v35  }
0x14d: {  	v29 =	vsub.f32 $1.500000000e+00, v44;
	v33 =	vsub.f32 $1.500000000e+00, v33;
	v28 =	vmul.f32 v28, v49  }
0x14e: {  	v34 =	vmul.f32 v30, v34;
	v49 =	vshra.s32 v46, $0x1;
	v35 =	vmul.f32 v35, v31  }
0x14f: {  	v38 =	vmul.f32 v38, v29;
	v41 =	vsub.s32 $0x5F3759DF, v49;
	v27 =	vmul.f32 v33, v51  }
0x150: {  	v45 =	vshra.s32 v62, $0x1;
	v34 =	vmul.f32 v34, v30;
	v42 =	vmul.f32 v41, v37  }
0x151: {  	v54 =	vld [tilespmem:$0xEF40];
	v51 =	vadd.f32 $1.000000000e+00, v47;
	v63 =	vsub.f32 $1.500000000e+00, v35;
	v35 =	vsub.s32 $0x5F3759DF, v45  }
0x152: {  	v50 =	vmul.f32 v38, v36;
	v48 =	vmul.f32 v35, v32;
	v34 =	vsub.f32 $1.500000000e+00, v34  }
0x153: {  	v53 =	vmul.f32 v41, v42;
	v43 =	vshra.s32 v51, $0x1;
	v33 =	vmul.f32 $5.000000000e-01, v51  }
0x154: {  	v44 =	vld [tilespmem:$0xEF50];
	v29 =	vmul.f32 v63, v31;
	v31 =	vmul.f32 v50, v38;
	v56 =	vsub.s32 $0x5F3759DF, v43  }
0x155: {  	v40 =	vmul.f32 v35, v48;
	v55 =	vsub.f32 $1.500000000e+00, v53;
	v57 =	vmul.f32 v56, v33  }
0x156: {  	v59 =	vadd.f32 $1.000000000e+00, v54;
	v30 =	vmul.f32 v34, v30;
	v31 =	vsub.f32 $1.500000000e+00, v31  }
0x157: {  	v52 =	vsub.f32 $1.500000000e+00, v40;
	v39 =	vmul.f32 v41, v55;
	v34 =	vmul.f32 v56, v57  }
0x158: {  	v62 =	vshra.s32 v59, $0x1;
	v31 =	vmul.f32 v31, v38;
	v38 =	vmul.f32 $5.000000000e-01, v59  }
0x159: {  	v51 =	vadd.f32 $1.000000000e+00, v44;
	v43 =	vsub.s32 $0x5F3759DF, v62;
	v35 =	vmul.f32 v35, v52  }
0x15a: {  	v61 =	vmul.f32 v39, v37;
	v34 =	vsub.f32 $1.500000000e+00, v34;
	v63 =	vmul.f32 v43, v38  }
0x15b: {  	v52 =	vld [tilespmem:$0xEF60];
	v36 =	vmul.f32 v31, v36;
	v58 =	vmul.f32 v35, v32  }
0x15c: {  	v44 =	vshra.s32 v51, $0x1;
	v42 =	vmul.f32 v61, v39;
	v34 =	vmul.f32 v56, v34  }
0x15d: {  	v44 =	vsub.s32 $0x5F3759DF, v44;
	v40 =	vmul.f32 v43, v63;
	v36 =	vmul.f32 v36, v31  }
0x15e: {  	v60 =	vmul.f32 v58, v35;
	v48 =	vsub.f32 $1.500000000e+00, v42;
	v49 =	vmul.f32 v34, v33  }
0x15f: {  	v42 =	vmul.f32 $5.000000000e-01, v51;
	v40 =	vsub.f32 $1.500000000e+00, v40;
	v36 =	vsub.f32 $1.500000000e+00, v36  }
0x160: {  	v57 =	vld [tilespmem:$0xEF70];
	v56 =	vadd.f32 $1.000000000e+00, v52;
	v39 =	vmul.f32 v48, v39;
	v50 =	vmul.f32 v49, v34  }
0x161: {  	v41 =	vsub.f32 $1.500000000e+00, v60;
	v54 =	vmul.f32 v44, v42;
	v40 =	vmul.f32 v43, v40  }
0x162: {  	v31 =	vmul.f32 v36, v31;
	v36 =	vmul.f32 $5.000000000e-01, v56  }
0x163: {  	v60 =	vshra.s32 v56, $0x1;
	v35 =	vmul.f32 v41, v35;
	v37 =	vmul.f32 v39, v37  }
0x164: {  	v41 =	vsub.f32 $1.500000000e+00, v50;
	v55 =	vmul.f32 v44, v54;
	v53 =	vmul.f32 v40, v38  }
0x165: {  	v61 =	vld [tilespmem:$0xEF80];
	v54 =	vadd.f32 $1.000000000e+00, v57;
	v32 =	vmul.f32 v35, v32;
	v37 =	vmul.f32 v37, v39  }
0x166: {  	v62 =	vsub.s32 $0x5F3759DF, v60;
	v34 =	vmul.f32 v41, v34;
	v41 =	vmul.f32 v53, v40  }
0x167: {  	v46 =	vshra.s32 v54, $0x1;
	v32 =	vmul.f32 v32, v35;
	v37 =	vsub.f32 $1.500000000e+00, v37  }
0x168: {  	v46 =	vsub.s32 $0x5F3759DF, v46;
	v45 =	vmul.f32 v34, v33;
	v59 =	vsub.f32 $1.500000000e+00, v41  }
0x169: {  	v41 =	vmul.f32 v62, v36;
	v32 =	vsub.f32 $1.500000000e+00, v32;
	v33 =	vmul.f32 v37, v39  }
0x16a: {  	v58 =	vmul.f32 v45, v34;
	v45 =	vadd.f32 $1.000000000e+00, v61;
	v39 =	vmul.f32 v59, v40  }
0x16b: {  	v41 =	vmul.f32 v62, v41;
	v32 =	vmul.f32 v32, v35;
	v35 =	vsub.f32 $1.500000000e+00, v55  }
0x16c: {  	v37 =	vsub.f32 $1.500000000e+00, v58;
	v55 =	vld [tilespmem:$0xEF90];
	v48 =	vshra.s32 v45, $0x1;
	v45 =	vmul.f32 $5.000000000e-01, v45  }
0x16d: {  	v63 =	vmul.f32 v39, v38;
	v38 =	vmul.f32 $5.000000000e-01, v54;
	v41 =	vsub.f32 $1.500000000e+00, v41  }
0x16e: {  	v56 =	vsub.s32 $0x5F3759DF, v48;
	v35 =	vmul.f32 v44, v35;
	v34 =	vmul.f32 v37, v34  }
0x16f: {  	v48 =	vmul.f32 v56, v45;
	v47 =	vmul.f32 v46, v38  }
0x170: {  	v40 =	vmul.f32 v62, v41;
	v37 =	vmul.f32 v63, v39  }
0x171: {  	v44 =	vmul.f32 v35, v42;
	v48 =	vmul.f32 v56, v48;
	v43 =	vadd.f32 $1.000000000e+00, v55  }
0x172: {  	v47 =	vmul.f32 v46, v47;
	v49 =	vmul.f32 v40, v36  }
0x173: {  	v44 =	vmul.f32 v44, v35;
	v57 =	vsub.f32 $1.500000000e+00, v48;
	v50 =	vshra.s32 v43, $0x1  }
0x174: {  	v43 =	vmul.f32 $5.000000000e-01, v43;
	v47 =	vsub.f32 $1.500000000e+00, v47;
	v49 =	vmul.f32 v49, v40  }
0x175: {  	v50 =	vsub.s32 $0x5F3759DF, v50;
	v44 =	vsub.f32 $1.500000000e+00, v44;
	v41 =	vmul.f32 v56, v57  }
0x176: {  	v53 =	vsub.f32 $1.500000000e+00, v37;
	v51 =	vmul.f32 v50, v43;
	v46 =	vmul.f32 v46, v47  }
0x177: {  	v58 =	vsub.f32 $1.500000000e+00, v49;
	v44 =	vmul.f32 v44, v35;
	v63 =	vmul.f32 v41, v45  }
0x178: {  	v52 =	vld [tilespmem:$0xEFA0];
	v35 =	vmul.f32 v53, v39;
	v59 =	vmul.f32 v50, v51  }
0x179: {  	v60 =	vmul.f32 v46, v38;
	v40 =	vmul.f32 v58, v40  }
0x17a: {  	v42 =	vmul.f32 v44, v42;
	v56 =	vmul.f32 v63, v41;
	v61 =	vsub.f32 $1.500000000e+00, v59  }
0x17b: {  	v62 =	vmul.f32 v60, v46;
	v36 =	vmul.f32 v40, v36  }
0x17c: {  	v54 =	vmul.f32 v42, v44;
	v59 =	vsub.f32 $1.500000000e+00, v56;
	v50 =	vmul.f32 v50, v61  }
0x17d: {  	v55 =	vsub.f32 $1.500000000e+00, v62;
	v58 =	vmul.f32 v36, v40;
	v61 =	vadd.f32 $1.000000000e+00, v52  }
0x17e: {  	v62 =	vld [tilespmem:$0xEFB0];
	v37 =	vsub.f32 $1.500000000e+00, v54;
	v41 =	vmul.f32 v59, v41;
	v57 =	vmul.f32 v50, v43  }
0x17f: {  	v54 =	vld [tilespmem:$0xEFC0];
	v42 =	vmul.f32 v55, v46;
	v63 =	vsub.f32 $1.500000000e+00, v58;
	v39 =	vmul.f32 $5.000000000e-01, v61  }
0x180: {  	v52 =	vshra.s32 v61, $0x1;
	v36 =	vmul.f32 v37, v44;
	v45 =	vmul.f32 v41, v45  }
0x181: {  	v48 =	vld [tilespmem:$0xEFF0];
	v46 =	vsub.s32 $0x5F3759DF, v52;
	v60 =	vmul.f32 v57, v50;
	v38 =	vmul.f32 v42, v38  }
0x182: {  	v58 =	vld [tilespmem:$0xEFD0];
	v53 =	vmul.f32 v46, v39;
	v40 =	vmul.f32 v63, v40  }
0x183: {  	v45 =	vmul.f32 v45, v41;
	v44 =	vadd.f32 $1.000000000e+00, v62;
	v37 =	vsub.f32 $1.500000000e+00, v60  }
0x184: {  	[tilespmem:$0xF180] =	vst v8;
	v63 =	vld [tilespmem:$0xEFE0];
	v38 =	vmul.f32 v38, v42;
	v56 =	vmul.f32 v46, v53;
	v62 =	vadd.f32 $1.000000000e+00, v54  }
0x185: {  	[tilespmem:$0xF190] =	vst v7;
	v7 =	vsub.f32 $1.500000000e+00, v45;
	v57 =	vshra.s32 v44, $0x1;
	v44 =	vmul.f32 $5.000000000e-01, v44  }
0x186: {  	[tilespmem:$0xF1B0] =	vst v10;
	v37 =	vmul.f32 v37, v50;
	v8 =	vsub.f32 $1.500000000e+00, v38;
	v60 =	vsub.f32 $1.500000000e+00, v56  }
0x187: {  	[tilespmem:$0xF1A0] =	vst v9;
	v49 =	vshra.s32 v62, $0x1;
	v50 =	vadd.f32 $1.000000000e+00, v58;
	v56 =	vadd.f32 $1.000000000e+00, v48  }
0x188: {  	[tilespmem:$0xF1D0] =	vst v12;
	v7 =	vmul.f32 v7, v41;
	v41 =	vmul.f32 $5.000000000e-01, v62;
	v12 =	vsub.s32 $0x5F3759DF, v49  }
0x189: {  	[tilespmem:$0xF1C0] =	vst v11;
	v54 =	vadd.f32 $1.000000000e+00, v63;
	v55 =	vmul.f32 v37, v43;
	v8 =	vmul.f32 v8, v42  }
0x18a: {  	[tilespmem:$0xF1E0] =	vst v14;
	v43 =	vsub.s32 $0x5F3759DF, v57;
	v11 =	vmul.f32 v46, v60;
	v14 =	vmul.f32 $5.000000000e-01, v50  }
0x18b: {  	[tilespmem:$0xF1F0] =	vst v13;
	v53 =	vshra.s32 v50, $0x1;
	v61 =	vmul.f32 v43, v44;
	v52 =	vmul.f32 v12, v41  }
0x18c: {  	[tilespmem:$0xF200] =	vst v15;
	v15 =	vsub.s32 $0x5F3759DF, v53;
	v42 =	vmul.f32 $5.000000000e-01, v54;
	v59 =	vmul.f32 v55, v37  }
0x18d: {  	[tilespmem:$0xF210] =	vst v16;
	v60 =	vshra.s32 v56, $0x1;
	v51 =	vmul.f32 v11, v39;
	v57 =	vmul.f32 v15, v14  }
0x18e: {  	[tilespmem:$0xF220] =	vst v17;
	v58 =	vshra.s32 v54, $0x1;
	v10 =	vmul.f32 v43, v61;
	v55 =	vmul.f32 v12, v52  }
0x18f: {  	[tilespmem:$0xF230] =	vst v18;
	v9 =	vsub.f32 $1.500000000e+00, v59;
	v59 =	vsub.s32 $0x5F3759DF, v58;
	v17 =	vmul.f32 v15, v57  }
0x190: {  	[tilespmem:$0xF240] =	vst v19;
	v13 =	vmul.f32 v51, v11;
	v10 =	vsub.f32 $1.500000000e+00, v10;
	v61 =	vmul.f32 v59, v42  }
0x191: {  	[tilespmem:$0xF250] =	vst v20;
	v38 =	vsub.s32 $0x5F3759DF, v60;
	v9 =	vmul.f32 v9, v37;
	v37 =	vmul.f32 $5.000000000e-01, v56  }
0x192: {  	[tilespmem:$0xF260] =	vst v21;
	v16 =	vsub.f32 $1.500000000e+00, v55;
	v17 =	vsub.f32 $1.500000000e+00, v17;
	v10 =	vmul.f32 v43, v10  }
0x193: {  	[tilespmem:$0xF270] =	vst v22;
	v19 =	vmul.f32 v59, v61;
	v62 =	vmul.f32 v38, v37  }
0x194: {  	[tilespmem:$0xF280] =	vst v23;
	v12 =	vmul.f32 v12, v16;
	v15 =	vmul.f32 v15, v17  }
0x195: {  	[tilespmem:$0xF290] =	vst v24;
	v63 =	vmul.f32 v10, v44;
	v43 =	vsub.f32 $1.500000000e+00, v19;
	v20 =	vmul.f32 v38, v62  }
0x196: {  	[tilespmem:$0xF2A0] =	vst v25;
	v47 =	vmul.f32 v12, v41;
	v48 =	vmul.f32 v15, v14  }
0x197: {  	[tilespmem:$0xF2B0] =	vst v26;
	v45 =	vmul.f32 v63, v10;
	v16 =	vmul.f32 v59, v43;
	v46 =	vsub.f32 $1.500000000e+00, v20  }
0x198: {  	[tilespmem:$0xF2C0] =	vst v28;
	v13 =	vsub.f32 $1.500000000e+00, v13;
	v18 =	vmul.f32 v47, v12;
	v20 =	vmul.f32 v48, v15  }
0x199: {  	[tilespmem:$0xF2D0] =	vst v27;
	v49 =	vmul.f32 v16, v42;
	v19 =	vmul.f32 v38, v46  }
0x19a: {  	[tilespmem:$0xF2E0] =	vst v29;
	v11 =	vmul.f32 v13, v11;
	v17 =	vsub.f32 $1.500000000e+00, v45;
	v18 =	vsub.f32 $1.500000000e+00, v18  }
0x19b: {  	[tilespmem:$0xF2F0] =	vst v30;
	v20 =	vsub.f32 $1.500000000e+00, v20;
	v21 =	vmul.f32 v49, v16;
	v50 =	vmul.f32 v19, v37  }
0x19c: {  	[tilespmem:$0xF300] =	vst v31;
	v10 =	vmul.f32 v17, v10;
	v12 =	vmul.f32 v18, v12  }
0x19d: {  	[tilespmem:$0xF320] =	vst v33;
	v15 =	vmul.f32 v20, v15;
	v22 =	vmul.f32 v50, v19  }
0x19e: {  	[tilespmem:$0xF310] =	vst v32;
	v53 =	vmul.f32 v11, v39;
	v51 =	vsub.f32 $1.500000000e+00, v21;
	v54 =	vmul.f32 v10, v44  }
0x19f: {  	[tilespmem:$0xF330] =	vst v34;
	v55 =	vmul.f32 v12, v41;
	v14 =	vmul.f32 v15, v14;
	v52 =	vsub.f32 $1.500000000e+00, v22  }
0x1a0: {  	[tilespmem:$0xF340] =	vst v35;
	v13 =	vmul.f32 v51, v16;
	v16 =	vmul.f32 v53, v11  }
0x1a1: {  	[tilespmem:$0xF350] =	vst v36;
	v18 =	vmul.f32 v54, v10;
	v17 =	vmul.f32 v52, v19  }
0x1a2: {  	[tilespmem:$0xF360] =	vst v40;
	v16 =	vsub.f32 $1.500000000e+00, v16;
	v56 =	vmul.f32 v13, v42;
	v19 =	vmul.f32 v55, v12  }
0x1a3: {  	[tilespmem:$0xF370] =	vst v8;
	v14 =	vmul.f32 v14, v15;
	v8 =	vsub.f32 $1.500000000e+00, v18;
	v57 =	vmul.f32 v17, v37  }
0x1a4: {  	[tilespmem:$0xF380] =	vst v7;
	v7 =	vmul.f32 v16, v11;
	v59 =	vmul.f32 v56, v13;
	v58 =	vsub.f32 $1.500000000e+00, v19  }
0x1a5: {  	[tilespmem:$0xF390] =	vst v9;
	v60 =	vsub.f32 $1.500000000e+00, v14;
	v8 =	vmul.f32 v8, v10;
	v61 =	vmul.f32 v57, v17  }
0x1a6: {  	[tilespmem:$0xF3A0] =	vst v7;
	v62 =	vsub.f32 $1.500000000e+00, v59;
	v7 =	vmul.f32 v58, v12  }
0x1a7: {  	[tilespmem:$0xF3B0] =	vst v8;
	v8 =	vmul.f32 v60, v15;
	v63 =	vsub.f32 $1.500000000e+00, v61  }
0x1a8: {  	[tilespmem:$0xF3C0] =	vst v7;
	v7 =	vmul.f32 v62, v13  }
0x1a9: {  	[tilespmem:$0xF3D0] =	vst v8;
	v8 =	vmul.f32 v63, v17  }
0x1aa: {  	[tilespmem:$0xF3E0] =	vst v7  }
0x1ab: {  	[tilespmem:$0xF3F0] =	vst v8  }
0x1ac: {  	[spmem:s11] =	stream.linear.scatter [tilespmem:s23], [sflag:$0x3], $0x280, $0x38;
	[tilespmem:$0xFC00] =	vst v63  }
0x1ad: {  	_ =	swait.ge [sflag:s18], $0x280  }
0x1ae: {  	[sflag:s18] =	ssyncset.done $0x0  }
0x1af: {  	[sflag:s18] =	ssyncadd.s32 $0xFFFFFD80  }
0x1b0: {  	[hbm4b:s12+s24] =	stream.strided.scatter [tilespmem:s23], [sflag:$0x3], $0x280, s25, s24, $0x38;
	[tilespmem:$0xFC00] =	vst v63  }
0x1b1: {  	_ =	swait.ge [sflag:s18], $0x280  }
0x1b2: {  	[sflag:s18] =	ssyncset.done $0x0  }
0x1b3: {  	[sflag:s18] =	ssyncadd.s32 $0xFFFFFD80  }
0x1b4: {  	s1 =	simm.s32 $0x4F00;
	[bflag:$0x0] =	sbarrier.arrive $0xFFFF  }
0x1b5: {  	[tilespmem:s26], [sflag:$0x2] =	stream.linear.gather [spmem:s4], $0x2800, $0x38;
	[tilespmem:$0xFC00] =	vst v63  }
0x1b6: {  	[tilespmem:s1+$0xFFFFFF80] =	vst v5  }
0x1b7: {  	[tilespmem:s1+$0x70] =	vst v5  }
0x1b8: {  	[tilespmem:s1+$0x60] =	vst v5  }
0x1b9: {  	[tilespmem:s1+$0x50] =	vst v5  }
0x1ba: {  	[tilespmem:s1+$0x40] =	vst v5  }
0x1bb: {  	[tilespmem:s1+$0x30] =	vst v5  }
0x1bc: {  	[tilespmem:s1+$0x20] =	vst v5  }
0x1bd: {  	[tilespmem:s1+$0x10] =	vst v5  }
0x1be: {  	[tilespmem:s1+$0x0] =	vst v5  }
0x1bf: {  	[tilespmem:s1+$0xFFFFFFF0] =	vst v5  }
0x1c0: {  	[tilespmem:s1+$0xFFFFFFE0] =	vst v5  }
0x1c1: {  	[tilespmem:s1+$0xFFFFFFD0] =	vst v5  }
0x1c2: {  	[tilespmem:s1+$0xFFFFFFC0] =	vst v5  }
0x1c3: {  	[tilespmem:s1+$0xFFFFFFB0] =	vst v5  }
0x1c4: {  	s30 =	simm.s32 $0x0;
	[tilespmem:s1+$0xFFFFFFA0] =	vst v5  }
.LBB2_8:
0x1c5: {  	s30 =	sadd.s32 $0x2, s30;
	[tilespmem:s1+$0xFFFFFF90] =	vst v5;
	s1 =	sadd.s32 $0x100, s1  }
0x1c6: {  	[tilespmem:s1+$0xFFFFFF80] =	vst v5;
	p0 =	slt.u32 s30, $0x4E  }
0x1c7: {  	[tilespmem:s1+$0x70] =	vst v5  }
0x1c8: {  	[tilespmem:s1+$0x60] =	vst v5  }
0x1c9: {  	[tilespmem:s1+$0x50] =	vst v5  }
0x1ca: {  	[tilespmem:s1+$0x40] =	vst v5  }
0x1cb: {  	[tilespmem:s1+$0x30] =	vst v5  }
0x1cc: {  	[tilespmem:s1+$0x20] =	vst v5  }
0x1cd: {  	[tilespmem:s1+$0x10] =	vst v5  }
0x1ce: {  	[tilespmem:s1+$0x0] =	vst v5  }
0x1cf: {  	[tilespmem:s1+$0xFFFFFFF0] =	vst v5  }
.Ltmp3:
0x1d0: {  	[tilespmem:s1+$0xFFFFFFE0] =	vst v5;
	(pc) =	sbr.rel @p0 .LBB2_8-.Ltmp3, $4  }
0x1d1: {  	[tilespmem:s1+$0xFFFFFFD0] =	vst v5  }
0x1d2: {  	[tilespmem:s1+$0xFFFFFFC0] =	vst v5  }
0x1d3: {  	[tilespmem:s1+$0xFFFFFFB0] =	vst v5  }
0x1d4: {  	[tilespmem:s1+$0xFFFFFFA0] =	vst v5  }
0x1d5: {  	[tilespmem:s1+$0xFFFFFF90] =	vst v5  }
0x1d6: {  	_ =	swait.ge [sflag:s19], $0x2800  }
0x1d7: {  	[sflag:s19] =	ssyncset.done $0x0  }
0x1d8: {  	[sflag:s19] =	ssyncadd.s32 $0xFFFFD800  }
0x1d9: {  	_ =	swait.ge [sflag:s28], $0x2710  }
0x1da: {  	[sflag:s28] =	ssyncset.done $0x0  }
0x1db: {  	[sflag:s28] =	ssyncadd.s32 $0xFFFFD8F0  }
0x1dc: {  	_ =	swait.ge [sflag:s28], $0x2710  }
0x1dd: {  	[sflag:s28] =	ssyncset.done $0x0  }
0x1de: {  	s1 =	simm.s32 $0xC680;
	[sflag:s28] =	ssyncadd.s32 $0xFFFFD8F0  }
0x1df: {  	v7 =	vld [tilespmem:s1+$0x70]  }
0x1e0: {  	v8 =	vld [tilespmem:s1+$0xFFFFFF90]  }
0x1e1: {  	v9 =	vld [tilespmem:s1+$0xFFFFFFA0]  }
0x1e2: {  	v10 =	vld [tilespmem:s1+$0xFFFFFFB0]  }
0x1e3: {  	v11 =	vld [tilespmem:s1+$0xFFFFFFC0]  }
0x1e4: {  	s30 =	simm.s32 $0x9F00;
	v12 =	vld [tilespmem:s1+$0xFFFFFFD0]  }
0x1e5: {  	v13 =	vld [tilespmem:s30+$0x70]  }
0x1e6: {  	v14 =	vld [tilespmem:s1+$0xFFFFFFE0]  }
0x1e7: {  	v15 =	vld [tilespmem:s1+$0xFFFFFFF0]  }
0x1e8: {  	v16 =	vld [tilespmem:s1+$0x0]  }
0x1e9: {  	v17 =	vld [tilespmem:s1+$0x10]  }
0x1ea: {  	v18 =	vld [tilespmem:s1+$0x20]  }
0x1eb: {  	v19 =	vld [tilespmem:s1+$0x30]  }
0x1ec: {  	v63 =	vld [tilespmem:s1+$0x50]  }
0x1ed: {  	v20 =	vld [tilespmem:s1+$0x60]  }
0x1ee: {  	v21 =	vld [tilespmem:s1+$0xFFFFFF80]  }
0x1ef: {  	v22 =	vld [tilespmem:s30+$0xFFFFFF80]  }
0x1f0: {  	v23 =	vld [tilespmem:s30+$0xFFFFFF90]  }
0x1f1: {  	v24 =	vld [tilespmem:s30+$0xFFFFFFA0]  }
0x1f2: {  	v25 =	vld [tilespmem:s30+$0xFFFFFFB0]  }
0x1f3: {  	v26 =	vld [tilespmem:s30+$0xFFFFFFC0]  }
0x1f4: {  	v27 =	vld [tilespmem:s30+$0xFFFFFFD0]  }
0x1f5: {  	v28 =	vld [tilespmem:s30+$0xFFFFFFE0]  }
0x1f6: {  	v29 =	vld [tilespmem:s30+$0xFFFFFFF0]  }
0x1f7: {  	v30 =	vld [tilespmem:s30+$0x0]  }
0x1f8: {  	v31 =	vld [tilespmem:s30+$0x10]  }
0x1f9: {  	v32 =	vld [tilespmem:s30+$0x20]  }
0x1fa: {  	v33 =	vld [tilespmem:s30+$0x30]  }
0x1fb: {  	v34 =	vld [tilespmem:s30+$0x40]  }
0x1fc: {  	v35 =	vld [tilespmem:s30+$0x50]  }
0x1fd: {  	v36 =	vld [tilespmem:s30+$0x60]  }
0x1fe: {  	v7 =	vld.idx.msk [tilespmem:v7+s26+$0x0], $0xffff  }
0x1ff: {  	v8 =	vld.idx.msk [tilespmem:v8+s26+$0x0], $0xffff  }
0x200: {  	v9 =	vld.idx.msk [tilespmem:v9+s26+$0x0], $0xffff  }
0x201: {  	v10 =	vld.idx.msk [tilespmem:v10+s26+$0x0], $0xffff  }
0x202: {  	v11 =	vld.idx.msk [tilespmem:v11+s26+$0x0], $0xffff  }
0x203: {  	v12 =	vld.idx.msk [tilespmem:v12+s26+$0x0], $0xffff  }
0x204: {  	v14 =	vld.idx.msk [tilespmem:v14+s26+$0x0], $0xffff  }
0x205: {  	v15 =	vld.idx.msk [tilespmem:v15+s26+$0x0], $0xffff  }
0x206: {  	v21 =	vld.idx.msk [tilespmem:v21+s26+$0x0], $0xffff  }
0x207: {  	v16 =	vld.idx.msk [tilespmem:v16+s26+$0x0], $0xffff  }
0x208: {  	v17 =	vld.idx.msk [tilespmem:v17+s26+$0x0], $0xffff  }
0x209: {  	v18 =	vld.idx.msk [tilespmem:v18+s26+$0x0], $0xffff  }
0x20a: {  	v19 =	vld.idx.msk [tilespmem:v19+s26+$0x0], $0xffff  }
0x20b: {  	v20 =	vld.idx.msk [tilespmem:v20+s26+$0x0], $0xffff  }
0x20c: {  	[tilespmem:v13+s20+$0x0] =	vst.idx.add.f32.msk $0xffff, v7  }
0x20d: {  	v7 =	vld [tilespmem:s1+$0x40]  }
0x20e: {  	v13 =	vld.idx.msk [tilespmem:v63+s26+$0x0], $0xffff  }
0x20f: {  	[tilespmem:v22+s20+$0x0] =	vst.idx.add.f32.msk $0xffff, v21  }
0x210: {  	[tilespmem:v23+s20+$0x0] =	vst.idx.add.f32.msk $0xffff, v8  }
0x211: {  	[tilespmem:v24+s20+$0x0] =	vst.idx.add.f32.msk $0xffff, v9  }
0x212: {  	[tilespmem:v25+s20+$0x0] =	vst.idx.add.f32.msk $0xffff, v10  }
0x213: {  	[tilespmem:v26+s20+$0x0] =	vst.idx.add.f32.msk $0xffff, v11  }
0x214: {  	[tilespmem:v27+s20+$0x0] =	vst.idx.add.f32.msk $0xffff, v12  }
0x215: {  	[tilespmem:v28+s20+$0x0] =	vst.idx.add.f32.msk $0xffff, v14  }
0x216: {  	[tilespmem:v29+s20+$0x0] =	vst.idx.add.f32.msk $0xffff, v15  }
0x217: {  	[tilespmem:v30+s20+$0x0] =	vst.idx.add.f32.msk $0xffff, v16  }
0x218: {  	[tilespmem:v31+s20+$0x0] =	vst.idx.add.f32.msk $0xffff, v17  }
0x219: {  	v7 =	vld.idx.msk [tilespmem:v7+s26+$0x0], $0xffff  }
0x21a: {  	[tilespmem:v32+s20+$0x0] =	vst.idx.add.f32.msk $0xffff, v18  }
0x21b: {  	[tilespmem:v33+s20+$0x0] =	vst.idx.add.f32.msk $0xffff, v19  }
0x21c: {  	[tilespmem:v36+s20+$0x0] =	vst.idx.add.f32.msk $0xffff, v20  }
0x21d: {  	[tilespmem:v35+s20+$0x0] =	vst.idx.add.f32.msk $0xffff, v13  }
0x21e: {  	s31 =	simm.s32 $0x0;
	s1 =	simm.s32 $0xC780;
	[tilespmem:v34+s20+$0x0] =	vst.idx.add.f32.msk $0xffff, v7  }
.LBB2_10:
0x21f: {  	v7 =	vld [tilespmem:s1+$0x70];
	s31 =	sadd.s32 $0x10, s31  }
0x220: {  	v8 =	vld [tilespmem:s1+$0xFFFFFF90];
	p0 =	slt.u32 s31, $0x260  }
0x221: {  	v9 =	vld [tilespmem:s1+$0xFFFFFFA0]  }
0x222: {  	v10 =	vld [tilespmem:s1+$0xFFFFFFB0]  }
0x223: {  	v11 =	vld [tilespmem:s1+$0xFFFFFFC0]  }
0x224: {  	s30 =	sadd.s32 $0x100, s30;
	v12 =	vld [tilespmem:s1+$0xFFFFFFD0]  }
0x225: {  	v13 =	vld [tilespmem:s30+$0x70]  }
0x226: {  	v14 =	vld [tilespmem:s1+$0xFFFFFFE0]  }
0x227: {  	v7 =	vld.idx.msk [tilespmem:v7+s26+$0x0], $0xffff  }
0x228: {  	v15 =	vld [tilespmem:s1+$0xFFFFFFF0]  }
0x229: {  	v16 =	vld [tilespmem:s1+$0x0]  }
0x22a: {  	v17 =	vld [tilespmem:s1+$0x10]  }
0x22b: {  	v18 =	vld [tilespmem:s1+$0x20]  }
0x22c: {  	v19 =	vld [tilespmem:s1+$0x30]  }
0x22d: {  	[tilespmem:v13+s20+$0x0] =	vst.idx.add.f32.msk $0xffff, v7  }
0x22e: {  	v7 =	vld [tilespmem:s1+$0x40]  }
0x22f: {  	v13 =	vld [tilespmem:s1+$0x50]  }
0x230: {  	v20 =	vld [tilespmem:s1+$0x60]  }
0x231: {  	v21 =	vld [tilespmem:s1+$0xFFFFFF80]  }
0x232: {  	v8 =	vld.idx.msk [tilespmem:v8+s26+$0x0], $0xffff  }
0x233: {  	v9 =	vld.idx.msk [tilespmem:v9+s26+$0x0], $0xffff  }
0x234: {  	v10 =	vld.idx.msk [tilespmem:v10+s26+$0x0], $0xffff  }
0x235: {  	v11 =	vld.idx.msk [tilespmem:v11+s26+$0x0], $0xffff  }
0x236: {  	v12 =	vld.idx.msk [tilespmem:v12+s26+$0x0], $0xffff  }
0x237: {  	v14 =	vld.idx.msk [tilespmem:v14+s26+$0x0], $0xffff  }
0x238: {  	v15 =	vld.idx.msk [tilespmem:v15+s26+$0x0], $0xffff  }
0x239: {  	v21 =	vld.idx.msk [tilespmem:v21+s26+$0x0], $0xffff  }
0x23a: {  	v16 =	vld.idx.msk [tilespmem:v16+s26+$0x0], $0xffff  }
0x23b: {  	v17 =	vld.idx.msk [tilespmem:v17+s26+$0x0], $0xffff  }
0x23c: {  	v18 =	vld.idx.msk [tilespmem:v18+s26+$0x0], $0xffff  }
0x23d: {  	v19 =	vld.idx.msk [tilespmem:v19+s26+$0x0], $0xffff  }
0x23e: {  	v7 =	vld.idx.msk [tilespmem:v7+s26+$0x0], $0xffff  }
0x23f: {  	v13 =	vld.idx.msk [tilespmem:v13+s26+$0x0], $0xffff  }
0x240: {  	v20 =	vld.idx.msk [tilespmem:v20+s26+$0x0], $0xffff  }
0x241: {  	v22 =	vld [tilespmem:s30+$0xFFFFFF80]  }
0x242: {  	v23 =	vld [tilespmem:s30+$0xFFFFFF90]  }
0x243: {  	v24 =	vld [tilespmem:s30+$0xFFFFFFA0]  }
0x244: {  	v25 =	vld [tilespmem:s30+$0xFFFFFFB0]  }
0x245: {  	v26 =	vld [tilespmem:s30+$0xFFFFFFC0]  }
0x246: {  	v27 =	vld [tilespmem:s30+$0xFFFFFFD0]  }
0x247: {  	v28 =	vld [tilespmem:s30+$0xFFFFFFE0]  }
0x248: {  	v29 =	vld [tilespmem:s30+$0xFFFFFFF0]  }
0x249: {  	v30 =	vld [tilespmem:s30+$0x0]  }
0x24a: {  	v31 =	vld [tilespmem:s30+$0x10]  }
0x24b: {  	v32 =	vld [tilespmem:s30+$0x20]  }
0x24c: {  	v33 =	vld [tilespmem:s30+$0x30]  }
0x24d: {  	v34 =	vld [tilespmem:s30+$0x40]  }
0x24e: {  	v35 =	vld [tilespmem:s30+$0x50]  }
0x24f: {  	v36 =	vld [tilespmem:s30+$0x60]  }
0x250: {  	[tilespmem:v22+s20+$0x0] =	vst.idx.add.f32.msk $0xffff, v21  }
0x251: {  	[tilespmem:v23+s20+$0x0] =	vst.idx.add.f32.msk $0xffff, v8  }
0x252: {  	[tilespmem:v24+s20+$0x0] =	vst.idx.add.f32.msk $0xffff, v9  }
0x253: {  	[tilespmem:v25+s20+$0x0] =	vst.idx.add.f32.msk $0xffff, v10  }
0x254: {  	[tilespmem:v26+s20+$0x0] =	vst.idx.add.f32.msk $0xffff, v11  }
0x255: {  	[tilespmem:v27+s20+$0x0] =	vst.idx.add.f32.msk $0xffff, v12  }
0x256: {  	[tilespmem:v28+s20+$0x0] =	vst.idx.add.f32.msk $0xffff, v14  }
0x257: {  	[tilespmem:v29+s20+$0x0] =	vst.idx.add.f32.msk $0xffff, v15  }
0x258: {  	[tilespmem:v30+s20+$0x0] =	vst.idx.add.f32.msk $0xffff, v16  }
0x259: {  	[tilespmem:v31+s20+$0x0] =	vst.idx.add.f32.msk $0xffff, v17  }
.Ltmp4:
0x25a: {  	[tilespmem:v32+s20+$0x0] =	vst.idx.add.f32.msk $0xffff, v18;
	(pc) =	sbr.rel @p0 .LBB2_10-.Ltmp4, $4  }
0x25b: {  	[tilespmem:v33+s20+$0x0] =	vst.idx.add.f32.msk $0xffff, v19  }
0x25c: {  	[tilespmem:v34+s20+$0x0] =	vst.idx.add.f32.msk $0xffff, v7  }
0x25d: {  	[tilespmem:v35+s20+$0x0] =	vst.idx.add.f32.msk $0xffff, v13  }
0x25e: {  	s1 =	sadd.s32 $0x100, s1;
	[tilespmem:v36+s20+$0x0] =	vst.idx.add.f32.msk $0xffff, v20  }
0x25f: {  	v7 =	vld [tilespmem:$0xED00];
	_ =	sdelay $0x4  }
0x260: {  	v8 =	vld [tilespmem:$0xC580];
	_ =	sdelay $0x2  }
0x261: {  	v7 =	vld.idx.msk [tilespmem:v7+s26+$0x0], $0xffff;
	_ =	sdelay $0x4  }
0x262: {  	[tilespmem:v8+s20+$0x0] =	vst.idx.add.f32.msk $0xffff, v7  }
0x263: {  	[spmem:s3] =	stream.indirect.scatter.add.f32 [tilespmem:s20], [sflag:$0x3], $0x80, s22, s21, $0xb8;
	[tilespmem:$0xFC00] =	vst v63  }
0x264: {  	_ =	swait.ge [sflag:s18], $0x2800  }
0x265: {  	[sflag:s18] =	ssyncset.done $0x0  }
0x266: {  	[sflag:s18] =	ssyncadd.s32 $0xFFFFD800  }
0x267: {  	[bflag:$0x0] =	sbarrier.arrive $0xFFFF  }
0x268: {  	[tilespmem:s17], [sflag:$0x3] =	stream.linear.gather [spmem:s10], $0x280, $0x38;
	[tilespmem:$0xFC00] =	vst v63  }
0x269: {  	_ =	swait.ge [sflag:s18], $0x280  }
0x26a: {  	[sflag:s18] =	ssyncset.done $0x0  }
0x26b: {  	[sflag:s18] =	ssyncadd.s32 $0xFFFFFD80  }
0x26c: {  	v7 =	vld [tilespmem:$0xED80]  }
0x26d: {  	v8 =	vld [tilespmem:$0xED90]  }
0x26e: {  	v9 =	vld [tilespmem:$0xEDA0]  }
0x26f: {  	v10 =	vld [tilespmem:$0xEDB0]  }
0x270: {  	v11 =	vld [tilespmem:$0xEDC0]  }
0x271: {  	v43 =	vld [tilespmem:$0xEDF0];
	[tilespmem:$0xF180] =	vst v7  }
0x272: {  	v44 =	vld [tilespmem:$0xEE00];
	[tilespmem:$0xF190] =	vst v8  }
0x273: {  	v45 =	vld [tilespmem:$0xEE10];
	[tilespmem:$0xF1A0] =	vst v9  }
0x274: {  	v7 =	vld [tilespmem:$0xEDD0];
	[tilespmem:$0xF1B0] =	vst v10  }
0x275: {  	v8 =	vld [tilespmem:$0xEDE0];
	[tilespmem:$0xF1C0] =	vst v11  }
0x276: {  	v46 =	vld [tilespmem:$0xEE40];
	[tilespmem:$0xF1F0] =	vst v43  }
0x277: {  	v47 =	vld [tilespmem:$0xEE50];
	[tilespmem:$0xF200] =	vst v44  }
0x278: {  	v48 =	vld [tilespmem:$0xEE60];
	[tilespmem:$0xF210] =	vst v45  }
0x279: {  	[tilespmem:$0xF1D0] =	vst v7;
	v7 =	vld [tilespmem:$0xEE20]  }
0x27a: {  	[tilespmem:$0xF1E0] =	vst v8;
	v8 =	vld [tilespmem:$0xEE30]  }
0x27b: {  	v49 =	vld [tilespmem:$0xEE90];
	[tilespmem:$0xF240] =	vst v46  }
0x27c: {  	v50 =	vld [tilespmem:$0xEEA0];
	[tilespmem:$0xF250] =	vst v47  }
0x27d: {  	v51 =	vld [tilespmem:$0xEEB0];
	[tilespmem:$0xF260] =	vst v48  }
0x27e: {  	[tilespmem:$0xF220] =	vst v7;
	v7 =	vld [tilespmem:$0xEE70]  }
0x27f: {  	[tilespmem:$0xF230] =	vst v8;
	v8 =	vld [tilespmem:$0xEE80]  }
0x280: {  	v52 =	vld [tilespmem:$0xEEE0];
	[tilespmem:$0xF290] =	vst v49  }
0x281: {  	v53 =	vld [tilespmem:$0xEEF0];
	[tilespmem:$0xF2A0] =	vst v50  }
0x282: {  	v54 =	vld [tilespmem:$0xEF00];
	[tilespmem:$0xF2B0] =	vst v51  }
0x283: {  	[tilespmem:$0xF270] =	vst v7;
	v7 =	vld [tilespmem:$0xEEC0]  }
0x284: {  	[tilespmem:$0xF280] =	vst v8;
	v8 =	vld [tilespmem:$0xEED0]  }
0x285: {  	v55 =	vld [tilespmem:$0xEF30];
	[tilespmem:$0xF2E0] =	vst v52  }
0x286: {  	v56 =	vld [tilespmem:$0xEF40];
	[tilespmem:$0xF2F0] =	vst v53  }
0x287: {  	v57 =	vld [tilespmem:$0xEF50];
	[tilespmem:$0xF300] =	vst v54  }
0x288: {  	[tilespmem:$0xF2C0] =	vst v7;
	v7 =	vld [tilespmem:$0xEF10]  }
0x289: {  	[tilespmem:$0xF2D0] =	vst v8;
	v8 =	vld [tilespmem:$0xEF20]  }
0x28a: {  	v58 =	vld [tilespmem:$0xEF80];
	[tilespmem:$0xF330] =	vst v55  }
0x28b: {  	v59 =	vld [tilespmem:$0xEF90];
	[tilespmem:$0xF340] =	vst v56  }
0x28c: {  	v60 =	vld [tilespmem:$0xEFA0];
	[tilespmem:$0xF350] =	vst v57  }
0x28d: {  	[tilespmem:$0xF310] =	vst v7;
	v7 =	vld [tilespmem:$0xEF60]  }
0x28e: {  	[tilespmem:$0xF320] =	vst v8;
	v8 =	vld [tilespmem:$0xEF70]  }
0x28f: {  	v61 =	vld [tilespmem:$0xEFD0];
	[tilespmem:$0xF380] =	vst v58  }
0x290: {  	v62 =	vld [tilespmem:$0xEFE0];
	[tilespmem:$0xF390] =	vst v59  }
0x291: {  	v63 =	vld [tilespmem:$0xEFF0];
	[tilespmem:$0xF3A0] =	vst v60  }
0x292: {  	[tilespmem:$0xF360] =	vst v7;
	v7 =	vld [tilespmem:$0xEFB0]  }
0x293: {  	[tilespmem:$0xF370] =	vst v8;
	v8 =	vld [tilespmem:$0xEFC0]  }
0x294: {  	[tilespmem:$0xF3D0] =	vst v61  }
0x295: {  	[tilespmem:$0xF3E0] =	vst v62  }
0x296: {  	s29 =	sadd.s32 $0x1, s29;
	[tilespmem:$0xF3F0] =	vst v63  }
0x297: {  	p0 =	sne.s32 s29, s14;
	[tilespmem:$0xF3B0] =	vst v7  }
.Ltmp5:
0x298: {  	[tilespmem:$0xF3C0] =	vst v8;
	(pc) =	sbr.rel @p0 .LBB2_1-.Ltmp5, $4  }
0x299: {  	[hbm4b:s13+s24] =	stream.strided.scatter [tilespmem:s23], [sflag:$0x3], $0x280, s25, s24, $0x38;
	[tilespmem:$0xFC00] =	vst v63  }
0x29a: {  	_ =	swait.ge [sflag:s18], $0x280  }
0x29b: {  	[sflag:s18] =	ssyncset.done $0x0  }
0x29c: {  	[sflag:s18] =	ssyncadd.s32 $0xFFFFFD80  }
0x29d: {  	_ =	sfence.sel $0x180000  }
0x29e: {  	[bflag:$0x0] =	sbarrier.arrive $0xFFFF  }
0x29f: {  	_ =	strace $0x90000047  }
0x2a0: {  	[bflag:$0x2] =	sbarrier.arrive $0xFFFF  }
0x2a1: {  	p0 =	sne.s32 s2, $0x0;
	s0 =	rddreg [dreg:$0x4]  }
0x2a2: {  	s0 =	sadd.s32 @!p0 $0x100000, s0  }
0x2a3: {  	[sflag:s0] =	ssyncadd.tile.s32 @!p0 $0x1;
	_ =	shalt  }
.Lfunc_end2:
_tile_overlayer_lowered:
.L_overlay_start_2:
0x2a4: {  	(tag) =	ssettag $0x2  }
0x2a5: {  	s0 =	rddreg [dreg:$0x0];
	s2 =	stileid.u32  }
0x2a6: {  	s1 =	rddreg [dreg:$0x1];
	p0 =	sne.s32 s2, $0x0  }
0x2a7: {  	s3 =	rddreg [dreg:$0x2];
	[bflag:$0x3] =	sbarrier.arrive $0xFFFF;
	s2 =	simm.s32 @!p0 $0x1C03  }
0x2a8: {  	[timem:s3], [sflag:s2] =	dma.local @!p0 [hbm:s0], s1  }
0x2a9: {  	s0 =	simm.s32 @!p0 $0x3  }
0x2aa: {  	_ =	swait.ge @!p0 [sflag:s0], s1  }
0x2ab: {  	s1 =	ssub.s32 @!p0 $0x0, s1;
	[sflag:s0] =	ssyncset.done @!p0 $0x0  }
0x2ac: {  	[sflag:s0] =	ssyncadd.s32 @!p0 s1  }
0x2ad: {  	[bflag:$0x3] =	sbarrier.arrive $0xFFFF  }
0x2ae: {  	_ =	shalt  }

</sc_bundles>
